<compile_context>
chip_gen: v7x
topology: tpu7x:2x2x1
jax: 0.10.2.dev20260603
libtpu: 0.0.44.dev20260713+nightly
codegen_flags: <defaults>
</compile_context>

<pallas_src>
import functools

import jax
import jax.numpy as jnp
from jax import lax
from jax.experimental import pallas as pl
from jax.experimental.pallas import tpu as pltpu
from jax.experimental.pallas import tpu_sc as plsc

_E = 8
_TOPK = 2
_EPS = 1e-5
_TILE = 512
_TN = 512

_NC = 2
_NS = 16
_NW = _NC * _NS


def _norm(x):
    m = jnp.mean(x, axis=-1, keepdims=True)
    xc = x - m
    v = jnp.mean(xc * xc, axis=-1, keepdims=True)
    return xc * lax.rsqrt(v + _EPS)


def _router_body(x_ref, ing_ref, inb_ref, rg_ref, rb_ref, rw_ref, rbias_ref,
                 z_ref, i0_ref, i1_ref, w0_ref, w1_ref):
    x = x_ref[...]
    xn = _norm(x) * ing_ref[...] + inb_ref[...]
    z = _norm(xn)
    rn = z * rg_ref[...] + rb_ref[...]
    logits = jnp.dot(rn, rw_ref[...], preferred_element_type=jnp.float32)
    logits = logits + rbias_ref[...]
    n = logits.shape[0]
    col = lax.broadcasted_iota(jnp.int32, (n, _E), 1)
    v0 = jnp.max(logits, axis=-1, keepdims=True)
    i0 = jnp.min(jnp.where(logits == v0, col, _E), axis=-1, keepdims=True)
    l2 = jnp.where(col == i0, -jnp.inf, logits)
    v1 = jnp.max(l2, axis=-1, keepdims=True)
    i1 = jnp.min(jnp.where(l2 == v1, col, _E), axis=-1, keepdims=True)
    d = jnp.exp(v1 - v0)
    w0 = 1.0 / (1.0 + d)
    half = z.shape[-1] // 2
    lo = lax.bitcast_convert_type(z[:, :half].astype(jnp.bfloat16),
                                  jnp.uint16).astype(jnp.uint32)
    hi = lax.bitcast_convert_type(z[:, half:].astype(jnp.bfloat16),
                                  jnp.uint16).astype(jnp.uint32)
    packed = jnp.bitwise_or(lo, jnp.left_shift(hi, 16))
    z_ref[...] = lax.bitcast_convert_type(packed, jnp.int32)
    i0_ref[...] = i0
    i1_ref[...] = i1
    w0_ref[...] = w0
    w1_ref[...] = 1.0 - w0


def _router(x, in_g, in_b, r_g, r_b, r_W, r_bias):
    n, d = x.shape
    vec = lambda: pl.BlockSpec((d,), lambda i: (0,))
    col = lambda dt: jax.ShapeDtypeStruct((n, 1), dt)
    colspec = lambda: pl.BlockSpec((_TN, 1), lambda i: (i, 0))
    return pl.pallas_call(
        _router_body,
        grid=(n // _TN,),
        in_specs=[
            pl.BlockSpec((_TN, d), lambda i: (i, 0)),
            vec(), vec(), vec(), vec(),
            pl.BlockSpec((d, _E), lambda i: (0, 0)),
            pl.BlockSpec((_E,), lambda i: (0,)),
        ],
        out_specs=[
            pl.BlockSpec((_TN, d // 2), lambda i: (i, 0)),
            colspec(), colspec(), colspec(), colspec(),
        ],
        out_shape=[
            jax.ShapeDtypeStruct((n, d // 2), jnp.int32),
            col(jnp.int32), col(jnp.int32),
            col(jnp.float32), col(jnp.float32),
        ],
    )(x, in_g, in_b, r_g, r_b, r_W, r_bias)


def _prep_body(e0_ref, e1_ref, d0_ref, d1_ref, te_ref):
    r2, c = e0_ref.shape
    rr = 2 * r2
    e2d = jnp.concatenate([e0_ref[...], e1_ref[...]], axis=0)
    ic = lax.broadcasted_iota(jnp.int32, (c, c), 0)
    jc = lax.broadcasted_iota(jnp.int32, (c, c), 1)
    t_incl = (ic <= jc).astype(jnp.bfloat16)
    ir = lax.broadcasted_iota(jnp.int32, (rr, rr), 0)
    jr = lax.broadcasted_iota(jnp.int32, (rr, rr), 1)
    s_strict = (ir > jr).astype(jnp.bfloat16)
    ranks = []
    counts = []
    for e in range(_E):
        oh = (e2d == e).astype(jnp.bfloat16)
        cs = jnp.dot(oh, t_incl, preferred_element_type=jnp.float32)
        rowsum = cs[:, c - 1:c]
        roff = jnp.dot(s_strict, rowsum,
                       preferred_element_type=jnp.float32)
        ranks.append(cs + roff)
        counts.append(jnp.sum(rowsum))
    dest = jnp.zeros((rr, c), jnp.float32)
    off = jnp.float32(0.0)
    ends = []
    for e in range(_E):
        padded = jnp.ceil(counts[e] / _TILE) * _TILE
        oh = (e2d == e).astype(jnp.float32)
        dest = dest + oh * (off - 1.0 + ranks[e])
        off = off + padded
        ends.append(off)
    desti = dest.astype(jnp.int32)
    d0_ref[...] = desti[:r2]
    d1_ref[...] = desti[r2:]
    g = te_ref.shape[1]
    ts = (lax.broadcasted_iota(jnp.int32, (1, g), 1) * _TILE
          ).astype(jnp.float32)
    te = jnp.zeros((1, g), jnp.float32)
    for e in range(_E - 1):
        te = te + (ts >= ends[e]).astype(jnp.float32)
    te_ref[...] = te.astype(jnp.int32)


def _prep(idx0, idx1, n, p):
    c = 128
    r2 = n // c
    g = p // _TILE
    e0 = idx0.reshape(r2, c)
    e1 = idx1.reshape(r2, c)
    d0, d1, te = pl.pallas_call(
        _prep_body,
        grid=(1,),
        in_specs=[
            pl.BlockSpec((r2, c), lambda i: (0, 0)),
            pl.BlockSpec((r2, c), lambda i: (0, 0)),
        ],
        out_specs=[
            pl.BlockSpec((r2, c), lambda i: (0, 0)),
            pl.BlockSpec((r2, c), lambda i: (0, 0)),
            pl.BlockSpec((1, g), lambda i: (0, 0)),
        ],
        out_shape=[
            jax.ShapeDtypeStruct((r2, c), jnp.int32),
            jax.ShapeDtypeStruct((r2, c), jnp.int32),
            jax.ShapeDtypeStruct((1, g), jnp.int32),
        ],
    )(e0, e1)
    return d0.reshape(n), d1.reshape(n), te.reshape(g)


def _gelu2(x):
    return x * (1.0 + lax.erf(x * 0.7071067811865476))


def _expert_body(te_ref, zs_ref,
                 w1_ref, bb1_ref,
                 w2_ref, bb2_ref,
                 w3_ref, bb3_ref,
                 out_ref):
    u = lax.bitcast_convert_type(zs_ref[...], jnp.uint32)
    lo = lax.bitcast_convert_type(jnp.left_shift(u, 16), jnp.float32)
    hi = lax.bitcast_convert_type(
        jnp.bitwise_and(u, jnp.uint32(0xFFFF0000)), jnp.float32)
    zb = jnp.concatenate([lo, hi], axis=-1).astype(jnp.bfloat16)
    h = jnp.dot(zb, w1_ref[0], preferred_element_type=jnp.float32)
    h = _gelu2(h + bb1_ref[0])
    h = _norm(h)
    h = jnp.dot(h.astype(jnp.bfloat16), w2_ref[0],
                preferred_element_type=jnp.float32)
    h = _gelu2(h + bb2_ref[0])
    h = _norm(h)
    y = jnp.dot(h, w3_ref[0], preferred_element_type=jnp.float32)
    out_ref[...] = y + bb3_ref[0]


def _experts(tile_expert, zs, w1p, b1p, w2p, b2p, w3p, b3p):
    p, dp = zs.shape
    d = w1p.shape[1]
    h = w1p.shape[-1]
    k = w2p.shape[-1]
    grid = p // _TILE
    ev = lambda m: pl.BlockSpec((1, 1, m), lambda t, te: (te[t], 0, 0))
    grid_spec = pltpu.PrefetchScalarGridSpec(
        num_scalar_prefetch=1,
        grid=(grid,),
        in_specs=[
            pl.BlockSpec((_TILE, dp), lambda t, te: (t, 0)),
            pl.BlockSpec((1, d, h), lambda t, te: (te[t], 0, 0)),
            ev(h),
            pl.BlockSpec((1, h, k), lambda t, te: (te[t], 0, 0)),
            ev(k),
            pl.BlockSpec((1, k, 1), lambda t, te: (te[t], 0, 0)),
            pl.BlockSpec((1, 1, 1), lambda t, te: (te[t], 0, 0)),
        ],
        out_specs=pl.BlockSpec((_TILE, 1), lambda t, te: (t, 0)),
    )
    return pl.pallas_call(
        _expert_body,
        grid_spec=grid_spec,
        out_shape=jax.ShapeDtypeStruct((p, 1), jnp.float32),
    )(tile_expert, zs, w1p, b1p.reshape(_E, 1, h),
      w2p, b2p.reshape(_E, 1, k), w3p, b3p.reshape(_E, 1, 1))


def _sc_scatter(z_packed, d0, d1, p):
    n, dp = z_packed.shape
    tw = n // _NW
    chunk = 128
    nchunks = tw // chunk
    mesh = plsc.VectorSubcoreMesh(core_axis_name="c", subcore_axis_name="s")

    @functools.partial(
        pl.kernel, mesh=mesh,
        out_type=jax.ShapeDtypeStruct((p, dp), jnp.int32),
        scratch_types=[
            pltpu.VMEM((tw, dp), jnp.int32),
            pltpu.VMEM((nchunks, chunk), jnp.int32),
            pltpu.VMEM((nchunks, chunk), jnp.int32),
            pltpu.SemaphoreType.DMA,
            pltpu.SemaphoreType.DMA,
        ],
    )
    def k(z_hbm, d0_hbm, d1_hbm, out_hbm, rows_v, i0_v, i1_v, sr, sw):
        wid = lax.axis_index("s") * _NC + lax.axis_index("c")
        base_t = wid * tw
        rd = pltpu.async_copy(z_hbm.at[pl.ds(base_t, tw)], rows_v, sr)
        for c in range(nchunks):
            pltpu.sync_copy(d0_hbm.at[pl.ds(base_t + c * chunk, chunk)],
                            i0_v.at[c])
            pltpu.sync_copy(d1_hbm.at[pl.ds(base_t + c * chunk, chunk)],
                            i1_v.at[c])
        rd.wait()
        wd = []
        for c in range(nchunks):
            src_slice = rows_v.at[pl.ds(c * chunk, chunk)]
            wd.append(pltpu.async_copy(src_slice, out_hbm.at[i0_v.at[c]], sw))
            wd.append(pltpu.async_copy(src_slice, out_hbm.at[i1_v.at[c]], sw))
        for w in wd:
            w.wait()

    return k(z_packed, d0, d1)


def _sc_combine(y, d0, d1, w0, w1):
    (p,) = y.shape
    (n,) = d0.shape
    cn = n // _NW
    mesh = plsc.VectorSubcoreMesh(core_axis_name="c", subcore_axis_name="s")

    chunk = 128
    nchunks = cn // chunk

    @functools.partial(
        pl.kernel, mesh=mesh,
        out_type=jax.ShapeDtypeStruct((n,), jnp.float32),
        scratch_types=[
            pltpu.VMEM((chunk,), jnp.int32),
            pltpu.VMEM((chunk,), jnp.int32),
            pltpu.VMEM((chunk,), jnp.float32),
            pltpu.VMEM((chunk,), jnp.float32),
            pltpu.VMEM((chunk,), jnp.float32),
            pltpu.VMEM((chunk,), jnp.float32),
            pltpu.VMEM((chunk,), jnp.float32),
            pltpu.SemaphoreType.DMA,
        ],
    )
    def k(y_hbm, d0_hbm, d1_hbm, w0_hbm, w1_hbm, out_hbm,
          i0_v, i1_v, g0_v, g1_v, w0_v, w1_v, out_v, sem):
        wid = lax.axis_index("s") * _NC + lax.axis_index("c")
        for h in range(nchunks):
            base = wid * cn + h * chunk
            pltpu.sync_copy(d0_hbm.at[pl.ds(base, chunk)], i0_v)
            pltpu.sync_copy(d1_hbm.at[pl.ds(base, chunk)], i1_v)
            pltpu.sync_copy(w0_hbm.at[pl.ds(base, chunk)], w0_v)
            pltpu.sync_copy(w1_hbm.at[pl.ds(base, chunk)], w1_v)
            pltpu.async_copy(y_hbm.at[i0_v], g0_v, sem).wait()
            pltpu.async_copy(y_hbm.at[i1_v], g1_v, sem).wait()
            for j in range(chunk // 16):
                s = pl.ds(j * 16, 16)
                out_v[s] = w0_v[s] * g0_v[s] + w1_v[s] * g1_v[s]
            pltpu.sync_copy(out_v, out_hbm.at[pl.ds(base, chunk)])

    return k(y, d0, d1, w0, w1)


def kernel(x, in_g, in_b, r_g, r_b, r_W, r_bias,
           e_ln1_g, e_ln1_b, e_W1, e_b1,
           e_ln2_g, e_ln2_b, e_W2, e_b2,
           e_ln3_g, e_ln3_b, e_W3, e_b3):
    n, d = x.shape
    z_bf, idx0, idx1, w0, w1 = _router(x, in_g, in_b, r_g, r_b, r_W, r_bias)

    p = _TOPK * n + _E * _TILE
    d0, d1, tile_expert = _prep(idx0, idx1, n, p)

    zs = _sc_scatter(z_bf, d0, d1, p)

    w1p = (e_ln1_g[:, :, None] * e_W1).astype(jnp.bfloat16)
    b1p = jnp.einsum('ed,edh->eh', e_ln1_b, e_W1) + e_b1
    w2p = (e_ln2_g[:, :, None] * e_W2).astype(jnp.bfloat16)
    b2p = jnp.einsum('eh,ehk->ek', e_ln2_b, e_W2) + e_b2
    w3p = e_ln3_g[:, :, None] * e_W3
    b3p = jnp.einsum('ek,eko->eo', e_ln3_b, e_W3) + e_b3

    y = _experts(tile_expert, zs, w1p, b1p, w2p, b2p, w3p, b3p)

    out = _sc_combine(y.reshape(p), d0, d1, w0.reshape(n), w1.reshape(n))
    return out.reshape(n, 1)

# --- scband reference (transcript-rebuilt; emitter-appended) ---
"""Pipeline reference for scband-mo-e-vulnerability-detector-9354438771358 (READ-ONLY COPY).

The authoritative reference and input builder live on the scoring server;
editing this copy changes nothing except your own understanding.
"""

import jax, jax.numpy as jnp
import numpy as np

E = 8
TOPK = 2
D = 768
H = 512
N = 8192

def _ln(x, g, b, eps=1e-5):
    m = x.mean(-1, keepdims=True)
    v = x.var(-1, keepdims=True)
    return (x - m) / jnp.sqrt(v + eps) * g + b

def setup_inputs(seed: int = 0) -> dict:
    key = jax.random.key(seed)
    ks = jax.random.split(key, 8)
    def kn(k, shape, fan):
        return (jax.random.normal(k, shape, jnp.float32) * np.sqrt(2.0 / fan)).astype(jnp.float32)
    inp = {}
    inp['x'] = jax.random.normal(ks[0], (N, D), jnp.float32)
    # outer input LayerNorm
    inp['in_g'] = jnp.ones((D,), jnp.float32)
    inp['in_b'] = jnp.zeros((D,), jnp.float32)
    # TopKRouter: LayerNorm + Linear(D -> E)
    inp['r_g'] = jnp.ones((D,), jnp.float32)
    inp['r_b'] = jnp.zeros((D,), jnp.float32)
    inp['r_W'] = kn(ks[1], (D, E), D)
    inp['r_bias'] = jnp.zeros((E,), jnp.float32)
    # CWE_Expert stack (E experts, vectorized): LN -> Linear(D,H) -> GELU -> LN -> Linear(H,H//2) -> GELU -> LN -> Linear(H//2,1)
    inp['e_ln1_g'] = jnp.ones((E, D), jnp.float32)
    inp['e_ln1_b'] = jnp.zeros((E, D), jnp.float32)
    inp['e_W1'] = kn(ks[2], (E, D, H), D)
    inp['e_b1'] = jnp.zeros((E, H), jnp.float32)
    inp['e_ln2_g'] = jnp.ones((E, H), jnp.float32)
    inp['e_ln2_b'] = jnp.zeros((E, H), jnp.float32)
    inp['e_W2'] = kn(ks[3], (E, H, H // 2), H)
    inp['e_b2'] = jnp.zeros((E, H // 2), jnp.float32)
    inp['e_ln3_g'] = jnp.ones((E, H // 2), jnp.float32)
    inp['e_ln3_b'] = jnp.zeros((E, H // 2), jnp.float32)
    inp['e_W3'] = kn(ks[4], (E, H // 2, 1), H // 2)
    inp['e_b3'] = jnp.zeros((E, 1), jnp.float32)
    return inp

def reference(x, in_g, in_b, r_g, r_b, r_W, r_bias,
              e_ln1_g, e_ln1_b, e_W1, e_b1,
              e_ln2_g, e_ln2_b, e_W2, e_b2,
              e_ln3_g, e_ln3_b, e_W3, e_b3):
    # input_norm
    xn = _ln(x, in_g, in_b)
    # TopKRouter
    rn = _ln(xn, r_g, r_b)
    logits = rn @ r_W + r_bias
    vals, idx = jax.lax.top_k(logits, TOPK)
    w = jax.nn.softmax(vals, axis=-1)
    rows = jnp.arange(x.shape[0])[:, None]
    sparse_weights = jnp.zeros_like(logits).at[rows, idx].set(w)
    # CWE experts (dense evaluation over all experts, then sparse combine)
    h = _ln(xn[None, :, :], e_ln1_g[:, None, :], e_ln1_b[:, None, :])
    h = jax.nn.gelu(jnp.einsum('end,edh->enh', h, e_W1) + e_b1[:, None, :], approximate=False)
    h = _ln(h, e_ln2_g[:, None, :], e_ln2_b[:, None, :])
    h = jax.nn.gelu(jnp.einsum('enh,ehk->enk', h, e_W2) + e_b2[:, None, :], approximate=False)
    h = _ln(h, e_ln3_g[:, None, :], e_ln3_b[:, None, :])
    expert_out = jnp.einsum('enk,eko->eno', h, e_W3) + e_b3[:, None, :]  # [E, N, 1]
    out = jnp.sum(jnp.transpose(sparse_weights)[:, :, None] * expert_out, axis=0)  # [N, 1]
    return out

if __name__ == "__main__":
    import jax
    _d = setup_inputs()
    print(jax.jit(kernel)(*tuple(_d.values())))

</pallas_src>

<mosaic_0001>
#map = affine_map<(d0, d1) -> (0)>
module attributes {stable_mosaic.version = 14 : i64} {
  func.func @k(%arg0: i32, %arg1: i32, %arg2: memref<20480xf32, #tpu.memory_space<hbm>>, %arg3: memref<8192xi32, #tpu.memory_space<hbm>>, %arg4: memref<8192xi32, #tpu.memory_space<hbm>>, %arg5: memref<8192xf32, #tpu.memory_space<hbm>>, %arg6: memref<8192xf32, #tpu.memory_space<hbm>>, %arg7: memref<8192xf32, #tpu.memory_space<hbm>>, %arg8: memref<128xi32, #tpu.memory_space<vmem>>, %arg9: memref<128xi32, #tpu.memory_space<vmem>>, %arg10: memref<128xf32, #tpu.memory_space<vmem>>, %arg11: memref<128xf32, #tpu.memory_space<vmem>>, %arg12: memref<128xf32, #tpu.memory_space<vmem>>, %arg13: memref<128xf32, #tpu.memory_space<vmem>>, %arg14: memref<128xf32, #tpu.memory_space<vmem>>, %arg15: memref<!tpu.dma_semaphore, #tpu.memory_space<semaphore_mem>>) attributes {dimension_semantics = [#tpu.dimension_semantics<core_parallel>, #tpu.dimension_semantics<subcore_parallel>], iteration_bounds = array<i64: 2, 16>, scalar_prefetch = 0 : i64, scratch_operands = 8 : i64, tpu.core_type = #tpu.core_type<sc_vector_subcore>, window_params = [{transform_indices = #map}, {transform_indices = #map}, {transform_indices = #map}, {transform_indices = #map}, {transform_indices = #map}, {transform_indices = #map}]} {
    %mul3A = arith.constant 2 : i32
    %mul3A_0 = arith.muli %arg1, %mul3A : i32
    %add3A = arith.addi %mul3A_0, %arg0 : i32
    %mul3A_1 = arith.constant 256 : i32
    %mul3A_2 = arith.muli %add3A, %mul3A_1 : i32
    %add3A_3 = arith.constant 0 : i32
    %add3A_4 = arith.addi %mul3A_2, %add3A_3 : i32
    "tpu.region"() ({
      %run_scoped3A = tpu.sem_alloc : memref<!tpu.dma_semaphore, #tpu.memory_space<semaphore_mem>>
      %dma_start3A_325 = tpu.memref_slice %arg3[%add3A_4] : memref<8192xi32, #tpu.memory_space<hbm>> -> memref<128xi32, #tpu.memory_space<hbm>>
      %dma_start3A_326 = tpu.memref_slice %arg3[%add3A_4] : memref<8192xi32, #tpu.memory_space<hbm>> -> memref<128xi32, #tpu.memory_space<hbm>>
      tpu.enqueue_dma source(%dma_start3A_326 : memref<128xi32, #tpu.memory_space<hbm>>) target(%arg8 : memref<128xi32, #tpu.memory_space<vmem>>) target_semaphore(%run_scoped3A : memref<!tpu.dma_semaphore, #tpu.memory_space<semaphore_mem>>)
      %dma_wait3A_327 = tpu.memref_slice %arg3[%add3A_4] : memref<8192xi32, #tpu.memory_space<hbm>> -> memref<128xi32, #tpu.memory_space<hbm>>
      %dma_wait3A_328 = tpu.memref_slice %arg3[%add3A_4] : memref<8192xi32, #tpu.memory_space<hbm>> -> memref<128xi32, #tpu.memory_space<hbm>>
      tpu.wait_dma2 semaphore(%run_scoped3A : memref<!tpu.dma_semaphore, #tpu.memory_space<semaphore_mem>>) src(%dma_wait3A_328 : memref<128xi32, #tpu.memory_space<hbm>>) dst(%arg8 : memref<128xi32, #tpu.memory_space<vmem>>)
      tpu.yield
    }) : () -> ()
    "tpu.region"() ({
      %run_scoped3A = tpu.sem_alloc : memref<!tpu.dma_semaphore, #tpu.memory_space<semaphore_mem>>
      %dma_start3A_325 = tpu.memref_slice %arg4[%add3A_4] : memref<8192xi32, #tpu.memory_space<hbm>> -> memref<128xi32, #tpu.memory_space<hbm>>
      %dma_start3A_326 = tpu.memref_slice %arg4[%add3A_4] : memref<8192xi32, #tpu.memory_space<hbm>> -> memref<128xi32, #tpu.memory_space<hbm>>
      tpu.enqueue_dma source(%dma_start3A_326 : memref<128xi32, #tpu.memory_space<hbm>>) target(%arg9 : memref<128xi32, #tpu.memory_space<vmem>>) target_semaphore(%run_scoped3A : memref<!tpu.dma_semaphore, #tpu.memory_space<semaphore_mem>>)
      %dma_wait3A_327 = tpu.memref_slice %arg4[%add3A_4] : memref<8192xi32, #tpu.memory_space<hbm>> -> memref<128xi32, #tpu.memory_space<hbm>>
      %dma_wait3A_328 = tpu.memref_slice %arg4[%add3A_4] : memref<8192xi32, #tpu.memory_space<hbm>> -> memref<128xi32, #tpu.memory_space<hbm>>
      tpu.wait_dma2 semaphore(%run_scoped3A : memref<!tpu.dma_semaphore, #tpu.memory_space<semaphore_mem>>) src(%dma_wait3A_328 : memref<128xi32, #tpu.memory_space<hbm>>) dst(%arg9 : memref<128xi32, #tpu.memory_space<vmem>>)
      tpu.yield
    }) : () -> ()
    "tpu.region"() ({
      %run_scoped3A = tpu.sem_alloc : memref<!tpu.dma_semaphore, #tpu.memory_space<semaphore_mem>>
      %dma_start3A_325 = tpu.memref_slice %arg5[%add3A_4] : memref<8192xf32, #tpu.memory_space<hbm>> -> memref<128xf32, #tpu.memory_space<hbm>>
      %dma_start3A_326 = tpu.memref_slice %arg5[%add3A_4] : memref<8192xf32, #tpu.memory_space<hbm>> -> memref<128xf32, #tpu.memory_space<hbm>>
      tpu.enqueue_dma source(%dma_start3A_326 : memref<128xf32, #tpu.memory_space<hbm>>) target(%arg12 : memref<128xf32, #tpu.memory_space<vmem>>) target_semaphore(%run_scoped3A : memref<!tpu.dma_semaphore, #tpu.memory_space<semaphore_mem>>)
      %dma_wait3A_327 = tpu.memref_slice %arg5[%add3A_4] : memref<8192xf32, #tpu.memory_space<hbm>> -> memref<128xf32, #tpu.memory_space<hbm>>
      %dma_wait3A_328 = tpu.memref_slice %arg5[%add3A_4] : memref<8192xf32, #tpu.memory_space<hbm>> -> memref<128xf32, #tpu.memory_space<hbm>>
      tpu.wait_dma2 semaphore(%run_scoped3A : memref<!tpu.dma_semaphore, #tpu.memory_space<semaphore_mem>>) src(%dma_wait3A_328 : memref<128xf32, #tpu.memory_space<hbm>>) dst(%arg12 : memref<128xf32, #tpu.memory_space<vmem>>)
      tpu.yield
    }) : () -> ()
    "tpu.region"() ({
      %run_scoped3A = tpu.sem_alloc : memref<!tpu.dma_semaphore, #tpu.memory_space<semaphore_mem>>
      %dma_start3A_325 = tpu.memref_slice %arg6[%add3A_4] : memref<8192xf32, #tpu.memory_space<hbm>> -> memref<128xf32, #tpu.memory_space<hbm>>
      %dma_start3A_326 = tpu.memref_slice %arg6[%add3A_4] : memref<8192xf32, #tpu.memory_space<hbm>> -> memref<128xf32, #tpu.memory_space<hbm>>
      tpu.enqueue_dma source(%dma_start3A_326 : memref<128xf32, #tpu.memory_space<hbm>>) target(%arg13 : memref<128xf32, #tpu.memory_space<vmem>>) target_semaphore(%run_scoped3A : memref<!tpu.dma_semaphore, #tpu.memory_space<semaphore_mem>>)
      %dma_wait3A_327 = tpu.memref_slice %arg6[%add3A_4] : memref<8192xf32, #tpu.memory_space<hbm>> -> memref<128xf32, #tpu.memory_space<hbm>>
      %dma_wait3A_328 = tpu.memref_slice %arg6[%add3A_4] : memref<8192xf32, #tpu.memory_space<hbm>> -> memref<128xf32, #tpu.memory_space<hbm>>
      tpu.wait_dma2 semaphore(%run_scoped3A : memref<!tpu.dma_semaphore, #tpu.memory_space<semaphore_mem>>) src(%dma_wait3A_328 : memref<128xf32, #tpu.memory_space<hbm>>) dst(%arg13 : memref<128xf32, #tpu.memory_space<vmem>>)
      tpu.yield
    }) : () -> ()
    %dma_start3A = arith.constant 0 : i32
    %dma_start3A_5 = tpu.memref_slice %arg2[%dma_start3A] : memref<20480xf32, #tpu.memory_space<hbm>> -> memref<20480xf32, #tpu.memory_space<hbm>>
    tpu.enqueue_indirect_dma source(%dma_start3A_5 : memref<20480xf32, #tpu.memory_space<hbm>>) target(%arg10 : memref<128xf32, #tpu.memory_space<vmem>>) offsets(%arg8 : memref<128xi32, #tpu.memory_space<vmem>>) semaphore(%arg15 : memref<!tpu.dma_semaphore, #tpu.memory_space<semaphore_mem>>)
    %dma_wait3A = arith.constant 0 : i32
    %dma_wait3A_6 = tpu.memref_slice %arg2[%dma_wait3A] : memref<20480xf32, #tpu.memory_space<hbm>> -> memref<20480xf32, #tpu.memory_space<hbm>>
    tpu.wait_indirect_dma semaphore(%arg15 : memref<!tpu.dma_semaphore, #tpu.memory_space<semaphore_mem>>) src(%dma_wait3A_6 : memref<20480xf32, #tpu.memory_space<hbm>>) dst(%arg10 : memref<128xf32, #tpu.memory_space<vmem>>)
    %dma_start3A_7 = arith.constant 0 : i32
    %dma_start3A_8 = tpu.memref_slice %arg2[%dma_start3A_7] : memref<20480xf32, #tpu.memory_space<hbm>> -> memref<20480xf32, #tpu.memory_space<hbm>>
    tpu.enqueue_indirect_dma source(%dma_start3A_8 : memref<20480xf32, #tpu.memory_space<hbm>>) target(%arg11 : memref<128xf32, #tpu.memory_space<vmem>>) offsets(%arg9 : memref<128xi32, #tpu.memory_space<vmem>>) semaphore(%arg15 : memref<!tpu.dma_semaphore, #tpu.memory_space<semaphore_mem>>)
    %dma_wait3A_9 = arith.constant 0 : i32
    %dma_wait3A_10 = tpu.memref_slice %arg2[%dma_wait3A_9] : memref<20480xf32, #tpu.memory_space<hbm>> -> memref<20480xf32, #tpu.memory_space<hbm>>
    tpu.wait_indirect_dma semaphore(%arg15 : memref<!tpu.dma_semaphore, #tpu.memory_space<semaphore_mem>>) src(%dma_wait3A_10 : memref<20480xf32, #tpu.memory_space<hbm>>) dst(%arg11 : memref<128xf32, #tpu.memory_space<vmem>>)
    %get3A = arith.constant 0 : index
    %get3A_11 = tpu.vector_load %arg12[%get3A] {strides = array<i32>} : memref<128xf32, #tpu.memory_space<vmem>>, vector<16xf32>,
    %get3A_12 = vector.shape_cast %get3A_11 : vector<16xf32> to vector<16xf32>
    %get3A_13 = arith.constant 0 : index
    %get3A_14 = tpu.vector_load %arg10[%get3A_13] {strides = array<i32>} : memref<128xf32, #tpu.memory_space<vmem>>, vector<16xf32>,
    %get3A_15 = vector.shape_cast %get3A_14 : vector<16xf32> to vector<16xf32>
    %mul3A_16 = arith.mulf %get3A_12, %get3A_15 : vector<16xf32>
    %get3A_17 = arith.constant 0 : index
    %get3A_18 = tpu.vector_load %arg13[%get3A_17] {strides = array<i32>} : memref<128xf32, #tpu.memory_space<vmem>>, vector<16xf32>,
    %get3A_19 = vector.shape_cast %get3A_18 : vector<16xf32> to vector<16xf32>
    %get3A_20 = arith.constant 0 : index
    %get3A_21 = tpu.vector_load %arg11[%get3A_20] {strides = array<i32>} : memref<128xf32, #tpu.memory_space<vmem>>, vector<16xf32>,
    %get3A_22 = vector.shape_cast %get3A_21 : vector<16xf32> to vector<16xf32>
    %mul3A_23 = arith.mulf %get3A_19, %get3A_22 : vector<16xf32>
    %add3A_24 = arith.addf %mul3A_16, %mul3A_23 : vector<16xf32>
    %swap3A = arith.constant 0 : index
    %swap3A_25 = tpu.vector_load %arg14[%swap3A] {strides = array<i32>} : memref<128xf32, #tpu.memory_space<vmem>>, vector<16xf32>,
    %swap3A_26 = vector.shape_cast %swap3A_25 : vector<16xf32> to vector<16xf32>
    %swap3A_27 = vector.shape_cast %add3A_24 : vector<16xf32> to vector<16xf32>
    tpu.vector_store %arg14[%swap3A], %swap3A_27 {strides = array<i32>} : memref<128xf32, #tpu.memory_space<vmem>>, vector<16xf32>,
    %get3A_28 = arith.constant 16 : index
    %get3A_29 = tpu.vector_load %arg12[%get3A_28] {strides = array<i32>} : memref<128xf32, #tpu.memory_space<vmem>>, vector<16xf32>,
    %get3A_30 = vector.shape_cast %get3A_29 : vector<16xf32> to vector<16xf32>
    %get3A_31 = arith.constant 16 : index
    %get3A_32 = tpu.vector_load %arg10[%get3A_31] {strides = array<i32>} : memref<128xf32, #tpu.memory_space<vmem>>, vector<16xf32>,
    %get3A_33 = vector.shape_cast %get3A_32 : vector<16xf32> to vector<16xf32>
    %mul3A_34 = arith.mulf %get3A_30, %get3A_33 : vector<16xf32>
    %get3A_35 = arith.constant 16 : index
    %get3A_36 = tpu.vector_load %arg13[%get3A_35] {strides = array<i32>} : memref<128xf32, #tpu.memory_space<vmem>>, vector<16xf32>,
    %get3A_37 = vector.shape_cast %get3A_36 : vector<16xf32> to vector<16xf32>
    %get3A_38 = arith.constant 16 : index
    %get3A_39 = tpu.vector_load %arg11[%get3A_38] {strides = array<i32>} : memref<128xf32, #tpu.memory_space<vmem>>, vector<16xf32>,
    %get3A_40 = vector.shape_cast %get3A_39 : vector<16xf32> to vector<16xf32>
    %mul3A_41 = arith.mulf %get3A_37, %get3A_40 : vector<16xf32>
    %add3A_42 = arith.addf %mul3A_34, %mul3A_41 : vector<16xf32>
    %swap3A_43 = arith.constant 16 : index
    %swap3A_44 = tpu.vector_load %arg14[%swap3A_43] {strides = array<i32>} : memref<128xf32, #tpu.memory_space<vmem>>, vector<16xf32>,
    %swap3A_45 = vector.shape_cast %swap3A_44 : vector<16xf32> to vector<16xf32>
    %swap3A_46 = vector.shape_cast %add3A_42 : vector<16xf32> to vector<16xf32>
    tpu.vector_store %arg14[%swap3A_43], %swap3A_46 {strides = array<i32>} : memref<128xf32, #tpu.memory_space<vmem>>, vector<16xf32>,
    %get3A_47 = arith.constant 32 : index
    %get3A_48 = tpu.vector_load %arg12[%get3A_47] {strides = array<i32>} : memref<128xf32, #tpu.memory_space<vmem>>, vector<16xf32>,
    %get3A_49 = vector.shape_cast %get3A_48 : vector<16xf32> to vector<16xf32>
    %get3A_50 = arith.constant 32 : index
    %get3A_51 = tpu.vector_load %arg10[%get3A_50] {strides = array<i32>} : memref<128xf32, #tpu.memory_space<vmem>>, vector<16xf32>,
    %get3A_52 = vector.shape_cast %get3A_51 : vector<16xf32> to vector<16xf32>
    %mul3A_53 = arith.mulf %get3A_49, %get3A_52 : vector<16xf32>
    %get3A_54 = arith.constant 32 : index
    %get3A_55 = tpu.vector_load %arg13[%get3A_54] {strides = array<i32>} : memref<128xf32, #tpu.memory_space<vmem>>, vector<16xf32>,
    %get3A_56 = vector.shape_cast %get3A_55 : vector<16xf32> to vector<16xf32>
    %get3A_57 = arith.constant 32 : index
    %get3A_58 = tpu.vector_load %arg11[%get3A_57] {strides = array<i32>} : memref<128xf32, #tpu.memory_space<vmem>>, vector<16xf32>,
    %get3A_59 = vector.shape_cast %get3A_58 : vector<16xf32> to vector<16xf32>
    %mul3A_60 = arith.mulf %get3A_56, %get3A_59 : vector<16xf32>
    %add3A_61 = arith.addf %mul3A_53, %mul3A_60 : vector<16xf32>
    %swap3A_62 = arith.constant 32 : index
    %swap3A_63 = tpu.vector_load %arg14[%swap3A_62] {strides = array<i32>} : memref<128xf32, #tpu.memory_space<vmem>>, vector<16xf32>,
    %swap3A_64 = vector.shape_cast %swap3A_63 : vector<16xf32> to vector<16xf32>
    %swap3A_65 = vector.shape_cast %add3A_61 : vector<16xf32> to vector<16xf32>
    tpu.vector_store %arg14[%swap3A_62], %swap3A_65 {strides = array<i32>} : memref<128xf32, #tpu.memory_space<vmem>>, vector<16xf32>,
    %get3A_66 = arith.constant 48 : index
    %get3A_67 = tpu.vector_load %arg12[%get3A_66] {strides = array<i32>} : memref<128xf32, #tpu.memory_space<vmem>>, vector<16xf32>,
    %get3A_68 = vector.shape_cast %get3A_67 : vector<16xf32> to vector<16xf32>
    %get3A_69 = arith.constant 48 : index
    %get3A_70 = tpu.vector_load %arg10[%get3A_69] {strides = array<i32>} : memref<128xf32, #tpu.memory_space<vmem>>, vector<16xf32>,
    %get3A_71 = vector.shape_cast %get3A_70 : vector<16xf32> to vector<16xf32>
    %mul3A_72 = arith.mulf %get3A_68, %get3A_71 : vector<16xf32>
    %get3A_73 = arith.constant 48 : index
    %get3A_74 = tpu.vector_load %arg13[%get3A_73] {strides = array<i32>} : memref<128xf32, #tpu.memory_space<vmem>>, vector<16xf32>,
    %get3A_75 = vector.shape_cast %get3A_74 : vector<16xf32> to vector<16xf32>
    %get3A_76 = arith.constant 48 : index
    %get3A_77 = tpu.vector_load %arg11[%get3A_76] {strides = array<i32>} : memref<128xf32, #tpu.memory_space<vmem>>, vector<16xf32>,
    %get3A_78 = vector.shape_cast %get3A_77 : vector<16xf32> to vector<16xf32>
    %mul3A_79 = arith.mulf %get3A_75, %get3A_78 : vector<16xf32>
    %add3A_80 = arith.addf %mul3A_72, %mul3A_79 : vector<16xf32>
    %swap3A_81 = arith.constant 48 : index
    %swap3A_82 = tpu.vector_load %arg14[%swap3A_81] {strides = array<i32>} : memref<128xf32, #tpu.memory_space<vmem>>, vector<16xf32>,
    %swap3A_83 = vector.shape_cast %swap3A_82 : vector<16xf32> to vector<16xf32>
    %swap3A_84 = vector.shape_cast %add3A_80 : vector<16xf32> to vector<16xf32>
    tpu.vector_store %arg14[%swap3A_81], %swap3A_84 {strides = array<i32>} : memref<128xf32, #tpu.memory_space<vmem>>, vector<16xf32>,
    %get3A_85 = arith.constant 64 : index
    %get3A_86 = tpu.vector_load %arg12[%get3A_85] {strides = array<i32>} : memref<128xf32, #tpu.memory_space<vmem>>, vector<16xf32>,
    %get3A_87 = vector.shape_cast %get3A_86 : vector<16xf32> to vector<16xf32>
    %get3A_88 = arith.constant 64 : index
    %get3A_89 = tpu.vector_load %arg10[%get3A_88] {strides = array<i32>} : memref<128xf32, #tpu.memory_space<vmem>>, vector<16xf32>,
    %get3A_90 = vector.shape_cast %get3A_89 : vector<16xf32> to vector<16xf32>
    %mul3A_91 = arith.mulf %get3A_87, %get3A_90 : vector<16xf32>
    %get3A_92 = arith.constant 64 : index
    %get3A_93 = tpu.vector_load %arg13[%get3A_92] {strides = array<i32>} : memref<128xf32, #tpu.memory_space<vmem>>, vector<16xf32>,
    %get3A_94 = vector.shape_cast %get3A_93 : vector<16xf32> to vector<16xf32>
    %get3A_95 = arith.constant 64 : index
    %get3A_96 = tpu.vector_load %arg11[%get3A_95] {strides = array<i32>} : memref<128xf32, #tpu.memory_space<vmem>>, vector<16xf32>,
    %get3A_97 = vector.shape_cast %get3A_96 : vector<16xf32> to vector<16xf32>
    %mul3A_98 = arith.mulf %get3A_94, %get3A_97 : vector<16xf32>
    %add3A_99 = arith.addf %mul3A_91, %mul3A_98 : vector<16xf32>
    %swap3A_100 = arith.constant 64 : index
    %swap3A_101 = tpu.vector_load %arg14[%swap3A_100] {strides = array<i32>} : memref<128xf32, #tpu.memory_space<vmem>>, vector<16xf32>,
    %swap3A_102 = vector.shape_cast %swap3A_101 : vector<16xf32> to vector<16xf32>
    %swap3A_103 = vector.shape_cast %add3A_99 : vector<16xf32> to vector<16xf32>
    tpu.vector_store %arg14[%swap3A_100], %swap3A_103 {strides = array<i32>} : memref<128xf32, #tpu.memory_space<vmem>>, vector<16xf32>,
    %get3A_104 = arith.constant 80 : index
    %get3A_105 = tpu.vector_load %arg12[%get3A_104] {strides = array<i32>} : memref<128xf32, #tpu.memory_space<vmem>>, vector<16xf32>,
    %get3A_106 = vector.shape_cast %get3A_105 : vector<16xf32> to vector<16xf32>
    %get3A_107 = arith.constant 80 : index
    %get3A_108 = tpu.vector_load %arg10[%get3A_107] {strides = array<i32>} : memref<128xf32, #tpu.memory_space<vmem>>, vector<16xf32>,
    %get3A_109 = vector.shape_cast %get3A_108 : vector<16xf32> to vector<16xf32>
    %mul3A_110 = arith.mulf %get3A_106, %get3A_109 : vector<16xf32>
    %get3A_111 = arith.constant 80 : index
    %get3A_112 = tpu.vector_load %arg13[%get3A_111] {strides = array<i32>} : memref<128xf32, #tpu.memory_space<vmem>>, vector<16xf32>,
    %get3A_113 = vector.shape_cast %get3A_112 : vector<16xf32> to vector<16xf32>
    %get3A_114 = arith.constant 80 : index
    %get3A_115 = tpu.vector_load %arg11[%get3A_114] {strides = array<i32>} : memref<128xf32, #tpu.memory_space<vmem>>, vector<16xf32>,
    %get3A_116 = vector.shape_cast %get3A_115 : vector<16xf32> to vector<16xf32>
    %mul3A_117 = arith.mulf %get3A_113, %get3A_116 : vector<16xf32>
    %add3A_118 = arith.addf %mul3A_110, %mul3A_117 : vector<16xf32>
    %swap3A_119 = arith.constant 80 : index
    %swap3A_120 = tpu.vector_load %arg14[%swap3A_119] {strides = array<i32>} : memref<128xf32, #tpu.memory_space<vmem>>, vector<16xf32>,
    %swap3A_121 = vector.shape_cast %swap3A_120 : vector<16xf32> to vector<16xf32>
    %swap3A_122 = vector.shape_cast %add3A_118 : vector<16xf32> to vector<16xf32>
    tpu.vector_store %arg14[%swap3A_119], %swap3A_122 {strides = array<i32>} : memref<128xf32, #tpu.memory_space<vmem>>, vector<16xf32>,
    %get3A_123 = arith.constant 96 : index
    %get3A_124 = tpu.vector_load %arg12[%get3A_123] {strides = array<i32>} : memref<128xf32, #tpu.memory_space<vmem>>, vector<16xf32>,
    %get3A_125 = vector.shape_cast %get3A_124 : vector<16xf32> to vector<16xf32>
    %get3A_126 = arith.constant 96 : index
    %get3A_127 = tpu.vector_load %arg10[%get3A_126] {strides = array<i32>} : memref<128xf32, #tpu.memory_space<vmem>>, vector<16xf32>,
    %get3A_128 = vector.shape_cast %get3A_127 : vector<16xf32> to vector<16xf32>
    %mul3A_129 = arith.mulf %get3A_125, %get3A_128 : vector<16xf32>
    %get3A_130 = arith.constant 96 : index
    %get3A_131 = tpu.vector_load %arg13[%get3A_130] {strides = array<i32>} : memref<128xf32, #tpu.memory_space<vmem>>, vector<16xf32>,
    %get3A_132 = vector.shape_cast %get3A_131 : vector<16xf32> to vector<16xf32>
    %get3A_133 = arith.constant 96 : index
    %get3A_134 = tpu.vector_load %arg11[%get3A_133] {strides = array<i32>} : memref<128xf32, #tpu.memory_space<vmem>>, vector<16xf32>,
    %get3A_135 = vector.shape_cast %get3A_134 : vector<16xf32> to vector<16xf32>
    %mul3A_136 = arith.mulf %get3A_132, %get3A_135 : vector<16xf32>
    %add3A_137 = arith.addf %mul3A_129, %mul3A_136 : vector<16xf32>
    %swap3A_138 = arith.constant 96 : index
    %swap3A_139 = tpu.vector_load %arg14[%swap3A_138] {strides = array<i32>} : memref<128xf32, #tpu.memory_space<vmem>>, vector<16xf32>,
    %swap3A_140 = vector.shape_cast %swap3A_139 : vector<16xf32> to vector<16xf32>
    %swap3A_141 = vector.shape_cast %add3A_137 : vector<16xf32> to vector<16xf32>
    tpu.vector_store %arg14[%swap3A_138], %swap3A_141 {strides = array<i32>} : memref<128xf32, #tpu.memory_space<vmem>>, vector<16xf32>,
    %get3A_142 = arith.constant 112 : index
    %get3A_143 = tpu.vector_load %arg12[%get3A_142] {strides = array<i32>} : memref<128xf32, #tpu.memory_space<vmem>>, vector<16xf32>,
    %get3A_144 = vector.shape_cast %get3A_143 : vector<16xf32> to vector<16xf32>
    %get3A_145 = arith.constant 112 : index
    %get3A_146 = tpu.vector_load %arg10[%get3A_145] {strides = array<i32>} : memref<128xf32, #tpu.memory_space<vmem>>, vector<16xf32>,
    %get3A_147 = vector.shape_cast %get3A_146 : vector<16xf32> to vector<16xf32>
    %mul3A_148 = arith.mulf %get3A_144, %get3A_147 : vector<16xf32>
    %get3A_149 = arith.constant 112 : index
    %get3A_150 = tpu.vector_load %arg13[%get3A_149] {strides = array<i32>} : memref<128xf32, #tpu.memory_space<vmem>>, vector<16xf32>,
    %get3A_151 = vector.shape_cast %get3A_150 : vector<16xf32> to vector<16xf32>
    %get3A_152 = arith.constant 112 : index
    %get3A_153 = tpu.vector_load %arg11[%get3A_152] {strides = array<i32>} : memref<128xf32, #tpu.memory_space<vmem>>, vector<16xf32>,
    %get3A_154 = vector.shape_cast %get3A_153 : vector<16xf32> to vector<16xf32>
    %mul3A_155 = arith.mulf %get3A_151, %get3A_154 : vector<16xf32>
    %add3A_156 = arith.addf %mul3A_148, %mul3A_155 : vector<16xf32>
    %swap3A_157 = arith.constant 112 : index
    %swap3A_158 = tpu.vector_load %arg14[%swap3A_157] {strides = array<i32>} : memref<128xf32, #tpu.memory_space<vmem>>, vector<16xf32>,
    %swap3A_159 = vector.shape_cast %swap3A_158 : vector<16xf32> to vector<16xf32>
    %swap3A_160 = vector.shape_cast %add3A_156 : vector<16xf32> to vector<16xf32>
    tpu.vector_store %arg14[%swap3A_157], %swap3A_160 {strides = array<i32>} : memref<128xf32, #tpu.memory_space<vmem>>, vector<16xf32>,
    "tpu.region"() ({
      %run_scoped3A = tpu.sem_alloc : memref<!tpu.dma_semaphore, #tpu.memory_space<semaphore_mem>>
      %dma_start3A_325 = tpu.memref_slice %arg7[%add3A_4] : memref<8192xf32, #tpu.memory_space<hbm>> -> memref<128xf32, #tpu.memory_space<hbm>>
      %dma_start3A_326 = tpu.memref_slice %arg7[%add3A_4] : memref<8192xf32, #tpu.memory_space<hbm>> -> memref<128xf32, #tpu.memory_space<hbm>>
      tpu.enqueue_dma source(%arg14 : memref<128xf32, #tpu.memory_space<vmem>>) target(%dma_start3A_326 : memref<128xf32, #tpu.memory_space<hbm>>) target_semaphore(%run_scoped3A : memref<!tpu.dma_semaphore, #tpu.memory_space<semaphore_mem>>)
      %dma_wait3A_327 = tpu.memref_slice %arg7[%add3A_4] : memref<8192xf32, #tpu.memory_space<hbm>> -> memref<128xf32, #tpu.memory_space<hbm>>
      %dma_wait3A_328 = tpu.memref_slice %arg7[%add3A_4] : memref<8192xf32, #tpu.memory_space<hbm>> -> memref<128xf32, #tpu.memory_space<hbm>>
      tpu.wait_dma2 semaphore(%run_scoped3A : memref<!tpu.dma_semaphore, #tpu.memory_space<semaphore_mem>>) src(%arg14 : memref<128xf32, #tpu.memory_space<vmem>>) dst(%dma_wait3A_328 : memref<128xf32, #tpu.memory_space<hbm>>)
      tpu.yield
    }) : () -> ()
    %mul3A_161 = arith.constant 256 : i32
    %mul3A_162 = arith.muli %add3A, %mul3A_161 : i32
    %add3A_163 = arith.constant 128 : i32
    %add3A_164 = arith.addi %mul3A_162, %add3A_163 : i32
    "tpu.region"() ({
      %run_scoped3A = tpu.sem_alloc : memref<!tpu.dma_semaphore, #tpu.memory_space<semaphore_mem>>
      %dma_start3A_325 = tpu.memref_slice %arg3[%add3A_164] : memref<8192xi32, #tpu.memory_space<hbm>> -> memref<128xi32, #tpu.memory_space<hbm>>
      %dma_start3A_326 = tpu.memref_slice %arg3[%add3A_164] : memref<8192xi32, #tpu.memory_space<hbm>> -> memref<128xi32, #tpu.memory_space<hbm>>
      tpu.enqueue_dma source(%dma_start3A_326 : memref<128xi32, #tpu.memory_space<hbm>>) target(%arg8 : memref<128xi32, #tpu.memory_space<vmem>>) target_semaphore(%run_scoped3A : memref<!tpu.dma_semaphore, #tpu.memory_space<semaphore_mem>>)
      %dma_wait3A_327 = tpu.memref_slice %arg3[%add3A_164] : memref<8192xi32, #tpu.memory_space<hbm>> -> memref<128xi32, #tpu.memory_space<hbm>>
      %dma_wait3A_328 = tpu.memref_slice %arg3[%add3A_164] : memref<8192xi32, #tpu.memory_space<hbm>> -> memref<128xi32, #tpu.memory_space<hbm>>
      tpu.wait_dma2 semaphore(%run_scoped3A : memref<!tpu.dma_semaphore, #tpu.memory_space<semaphore_mem>>) src(%dma_wait3A_328 : memref<128xi32, #tpu.memory_space<hbm>>) dst(%arg8 : memref<128xi32, #tpu.memory_space<vmem>>)
      tpu.yield
    }) : () -> ()
    "tpu.region"() ({
      %run_scoped3A = tpu.sem_alloc : memref<!tpu.dma_semaphore, #tpu.memory_space<semaphore_mem>>
      %dma_start3A_325 = tpu.memref_slice %arg4[%add3A_164] : memref<8192xi32, #tpu.memory_space<hbm>> -> memref<128xi32, #tpu.memory_space<hbm>>
      %dma_start3A_326 = tpu.memref_slice %arg4[%add3A_164] : memref<8192xi32, #tpu.memory_space<hbm>> -> memref<128xi32, #tpu.memory_space<hbm>>
      tpu.enqueue_dma source(%dma_start3A_326 : memref<128xi32, #tpu.memory_space<hbm>>) target(%arg9 : memref<128xi32, #tpu.memory_space<vmem>>) target_semaphore(%run_scoped3A : memref<!tpu.dma_semaphore, #tpu.memory_space<semaphore_mem>>)
      %dma_wait3A_327 = tpu.memref_slice %arg4[%add3A_164] : memref<8192xi32, #tpu.memory_space<hbm>> -> memref<128xi32, #tpu.memory_space<hbm>>
      %dma_wait3A_328 = tpu.memref_slice %arg4[%add3A_164] : memref<8192xi32, #tpu.memory_space<hbm>> -> memref<128xi32, #tpu.memory_space<hbm>>
      tpu.wait_dma2 semaphore(%run_scoped3A : memref<!tpu.dma_semaphore, #tpu.memory_space<semaphore_mem>>) src(%dma_wait3A_328 : memref<128xi32, #tpu.memory_space<hbm>>) dst(%arg9 : memref<128xi32, #tpu.memory_space<vmem>>)
      tpu.yield
    }) : () -> ()
    "tpu.region"() ({
      %run_scoped3A = tpu.sem_alloc : memref<!tpu.dma_semaphore, #tpu.memory_space<semaphore_mem>>
      %dma_start3A_325 = tpu.memref_slice %arg5[%add3A_164] : memref<8192xf32, #tpu.memory_space<hbm>> -> memref<128xf32, #tpu.memory_space<hbm>>
      %dma_start3A_326 = tpu.memref_slice %arg5[%add3A_164] : memref<8192xf32, #tpu.memory_space<hbm>> -> memref<128xf32, #tpu.memory_space<hbm>>
      tpu.enqueue_dma source(%dma_start3A_326 : memref<128xf32, #tpu.memory_space<hbm>>) target(%arg12 : memref<128xf32, #tpu.memory_space<vmem>>) target_semaphore(%run_scoped3A : memref<!tpu.dma_semaphore, #tpu.memory_space<semaphore_mem>>)
      %dma_wait3A_327 = tpu.memref_slice %arg5[%add3A_164] : memref<8192xf32, #tpu.memory_space<hbm>> -> memref<128xf32, #tpu.memory_space<hbm>>
      %dma_wait3A_328 = tpu.memref_slice %arg5[%add3A_164] : memref<8192xf32, #tpu.memory_space<hbm>> -> memref<128xf32, #tpu.memory_space<hbm>>
      tpu.wait_dma2 semaphore(%run_scoped3A : memref<!tpu.dma_semaphore, #tpu.memory_space<semaphore_mem>>) src(%dma_wait3A_328 : memref<128xf32, #tpu.memory_space<hbm>>) dst(%arg12 : memref<128xf32, #tpu.memory_space<vmem>>)
      tpu.yield
    }) : () -> ()
    "tpu.region"() ({
      %run_scoped3A = tpu.sem_alloc : memref<!tpu.dma_semaphore, #tpu.memory_space<semaphore_mem>>
      %dma_start3A_325 = tpu.memref_slice %arg6[%add3A_164] : memref<8192xf32, #tpu.memory_space<hbm>> -> memref<128xf32, #tpu.memory_space<hbm>>
      %dma_start3A_326 = tpu.memref_slice %arg6[%add3A_164] : memref<8192xf32, #tpu.memory_space<hbm>> -> memref<128xf32, #tpu.memory_space<hbm>>
      tpu.enqueue_dma source(%dma_start3A_326 : memref<128xf32, #tpu.memory_space<hbm>>) target(%arg13 : memref<128xf32, #tpu.memory_space<vmem>>) target_semaphore(%run_scoped3A : memref<!tpu.dma_semaphore, #tpu.memory_space<semaphore_mem>>)
      %dma_wait3A_327 = tpu.memref_slice %arg6[%add3A_164] : memref<8192xf32, #tpu.memory_space<hbm>> -> memref<128xf32, #tpu.memory_space<hbm>>
      %dma_wait3A_328 = tpu.memref_slice %arg6[%add3A_164] : memref<8192xf32, #tpu.memory_space<hbm>> -> memref<128xf32, #tpu.memory_space<hbm>>
      tpu.wait_dma2 semaphore(%run_scoped3A : memref<!tpu.dma_semaphore, #tpu.memory_space<semaphore_mem>>) src(%dma_wait3A_328 : memref<128xf32, #tpu.memory_space<hbm>>) dst(%arg13 : memref<128xf32, #tpu.memory_space<vmem>>)
      tpu.yield
    }) : () -> ()
    %dma_start3A_165 = arith.constant 0 : i32
    %dma_start3A_166 = tpu.memref_slice %arg2[%dma_start3A_165] : memref<20480xf32, #tpu.memory_space<hbm>> -> memref<20480xf32, #tpu.memory_space<hbm>>
    tpu.enqueue_indirect_dma source(%dma_start3A_166 : memref<20480xf32, #tpu.memory_space<hbm>>) target(%arg10 : memref<128xf32, #tpu.memory_space<vmem>>) offsets(%arg8 : memref<128xi32, #tpu.memory_space<vmem>>) semaphore(%arg15 : memref<!tpu.dma_semaphore, #tpu.memory_space<semaphore_mem>>)
    %dma_wait3A_167 = arith.constant 0 : i32
    %dma_wait3A_168 = tpu.memref_slice %arg2[%dma_wait3A_167] : memref<20480xf32, #tpu.memory_space<hbm>> -> memref<20480xf32, #tpu.memory_space<hbm>>
    tpu.wait_indirect_dma semaphore(%arg15 : memref<!tpu.dma_semaphore, #tpu.memory_space<semaphore_mem>>) src(%dma_wait3A_168 : memref<20480xf32, #tpu.memory_space<hbm>>) dst(%arg10 : memref<128xf32, #tpu.memory_space<vmem>>)
    %dma_start3A_169 = arith.constant 0 : i32
    %dma_start3A_170 = tpu.memref_slice %arg2[%dma_start3A_169] : memref<20480xf32, #tpu.memory_space<hbm>> -> memref<20480xf32, #tpu.memory_space<hbm>>
    tpu.enqueue_indirect_dma source(%dma_start3A_170 : memref<20480xf32, #tpu.memory_space<hbm>>) target(%arg11 : memref<128xf32, #tpu.memory_space<vmem>>) offsets(%arg9 : memref<128xi32, #tpu.memory_space<vmem>>) semaphore(%arg15 : memref<!tpu.dma_semaphore, #tpu.memory_space<semaphore_mem>>)
    %dma_wait3A_171 = arith.constant 0 : i32
    %dma_wait3A_172 = tpu.memref_slice %arg2[%dma_wait3A_171] : memref<20480xf32, #tpu.memory_space<hbm>> -> memref<20480xf32, #tpu.memory_space<hbm>>
    tpu.wait_indirect_dma semaphore(%arg15 : memref<!tpu.dma_semaphore, #tpu.memory_space<semaphore_mem>>) src(%dma_wait3A_172 : memref<20480xf32, #tpu.memory_space<hbm>>) dst(%arg11 : memref<128xf32, #tpu.memory_space<vmem>>)
    %get3A_173 = arith.constant 0 : index
    %get3A_174 = tpu.vector_load %arg12[%get3A_173] {strides = array<i32>} : memref<128xf32, #tpu.memory_space<vmem>>, vector<16xf32>,
    %get3A_175 = vector.shape_cast %get3A_174 : vector<16xf32> to vector<16xf32>
    %get3A_176 = arith.constant 0 : index
    %get3A_177 = tpu.vector_load %arg10[%get3A_176] {strides = array<i32>} : memref<128xf32, #tpu.memory_space<vmem>>, vector<16xf32>,
    %get3A_178 = vector.shape_cast %get3A_177 : vector<16xf32> to vector<16xf32>
    %mul3A_179 = arith.mulf %get3A_175, %get3A_178 : vector<16xf32>
    %get3A_180 = arith.constant 0 : index
    %get3A_181 = tpu.vector_load %arg13[%get3A_180] {strides = array<i32>} : memref<128xf32, #tpu.memory_space<vmem>>, vector<16xf32>,
    %get3A_182 = vector.shape_cast %get3A_181 : vector<16xf32> to vector<16xf32>
    %get3A_183 = arith.constant 0 : index
    %get3A_184 = tpu.vector_load %arg11[%get3A_183] {strides = array<i32>} : memref<128xf32, #tpu.memory_space<vmem>>, vector<16xf32>,
    %get3A_185 = vector.shape_cast %get3A_184 : vector<16xf32> to vector<16xf32>
    %mul3A_186 = arith.mulf %get3A_182, %get3A_185 : vector<16xf32>
    %add3A_187 = arith.addf %mul3A_179, %mul3A_186 : vector<16xf32>
    %swap3A_188 = arith.constant 0 : index
    %swap3A_189 = tpu.vector_load %arg14[%swap3A_188] {strides = array<i32>} : memref<128xf32, #tpu.memory_space<vmem>>, vector<16xf32>,
    %swap3A_190 = vector.shape_cast %swap3A_189 : vector<16xf32> to vector<16xf32>
    %swap3A_191 = vector.shape_cast %add3A_187 : vector<16xf32> to vector<16xf32>
    tpu.vector_store %arg14[%swap3A_188], %swap3A_191 {strides = array<i32>} : memref<128xf32, #tpu.memory_space<vmem>>, vector<16xf32>,
    %get3A_192 = arith.constant 16 : index
    %get3A_193 = tpu.vector_load %arg12[%get3A_192] {strides = array<i32>} : memref<128xf32, #tpu.memory_space<vmem>>, vector<16xf32>,
    %get3A_194 = vector.shape_cast %get3A_193 : vector<16xf32> to vector<16xf32>
    %get3A_195 = arith.constant 16 : index
    %get3A_196 = tpu.vector_load %arg10[%get3A_195] {strides = array<i32>} : memref<128xf32, #tpu.memory_space<vmem>>, vector<16xf32>,
    %get3A_197 = vector.shape_cast %get3A_196 : vector<16xf32> to vector<16xf32>
    %mul3A_198 = arith.mulf %get3A_194, %get3A_197 : vector<16xf32>
    %get3A_199 = arith.constant 16 : index
    %get3A_200 = tpu.vector_load %arg13[%get3A_199] {strides = array<i32>} : memref<128xf32, #tpu.memory_space<vmem>>, vector<16xf32>,
    %get3A_201 = vector.shape_cast %get3A_200 : vector<16xf32> to vector<16xf32>
    %get3A_202 = arith.constant 16 : index
    %get3A_203 = tpu.vector_load %arg11[%get3A_202] {strides = array<i32>} : memref<128xf32, #tpu.memory_space<vmem>>, vector<16xf32>,
    %get3A_204 = vector.shape_cast %get3A_203 : vector<16xf32> to vector<16xf32>
    %mul3A_205 = arith.mulf %get3A_201, %get3A_204 : vector<16xf32>
    %add3A_206 = arith.addf %mul3A_198, %mul3A_205 : vector<16xf32>
    %swap3A_207 = arith.constant 16 : index
    %swap3A_208 = tpu.vector_load %arg14[%swap3A_207] {strides = array<i32>} : memref<128xf32, #tpu.memory_space<vmem>>, vector<16xf32>,
    %swap3A_209 = vector.shape_cast %swap3A_208 : vector<16xf32> to vector<16xf32>
    %swap3A_210 = vector.shape_cast %add3A_206 : vector<16xf32> to vector<16xf32>
    tpu.vector_store %arg14[%swap3A_207], %swap3A_210 {strides = array<i32>} : memref<128xf32, #tpu.memory_space<vmem>>, vector<16xf32>,
    %get3A_211 = arith.constant 32 : index
    %get3A_212 = tpu.vector_load %arg12[%get3A_211] {strides = array<i32>} : memref<128xf32, #tpu.memory_space<vmem>>, vector<16xf32>,
    %get3A_213 = vector.shape_cast %get3A_212 : vector<16xf32> to vector<16xf32>
    %get3A_214 = arith.constant 32 : index
    %get3A_215 = tpu.vector_load %arg10[%get3A_214] {strides = array<i32>} : memref<128xf32, #tpu.memory_space<vmem>>, vector<16xf32>,
    %get3A_216 = vector.shape_cast %get3A_215 : vector<16xf32> to vector<16xf32>
    %mul3A_217 = arith.mulf %get3A_213, %get3A_216 : vector<16xf32>
    %get3A_218 = arith.constant 32 : index
    %get3A_219 = tpu.vector_load %arg13[%get3A_218] {strides = array<i32>} : memref<128xf32, #tpu.memory_space<vmem>>, vector<16xf32>,
    %get3A_220 = vector.shape_cast %get3A_219 : vector<16xf32> to vector<16xf32>
    %get3A_221 = arith.constant 32 : index
    %get3A_222 = tpu.vector_load %arg11[%get3A_221] {strides = array<i32>} : memref<128xf32, #tpu.memory_space<vmem>>, vector<16xf32>,
    %get3A_223 = vector.shape_cast %get3A_222 : vector<16xf32> to vector<16xf32>
    %mul3A_224 = arith.mulf %get3A_220, %get3A_223 : vector<16xf32>
    %add3A_225 = arith.addf %mul3A_217, %mul3A_224 : vector<16xf32>
    %swap3A_226 = arith.constant 32 : index
    %swap3A_227 = tpu.vector_load %arg14[%swap3A_226] {strides = array<i32>} : memref<128xf32, #tpu.memory_space<vmem>>, vector<16xf32>,
    %swap3A_228 = vector.shape_cast %swap3A_227 : vector<16xf32> to vector<16xf32>
    %swap3A_229 = vector.shape_cast %add3A_225 : vector<16xf32> to vector<16xf32>
    tpu.vector_store %arg14[%swap3A_226], %swap3A_229 {strides = array<i32>} : memref<128xf32, #tpu.memory_space<vmem>>, vector<16xf32>,
    %get3A_230 = arith.constant 48 : index
    %get3A_231 = tpu.vector_load %arg12[%get3A_230] {strides = array<i32>} : memref<128xf32, #tpu.memory_space<vmem>>, vector<16xf32>,
    %get3A_232 = vector.shape_cast %get3A_231 : vector<16xf32> to vector<16xf32>
    %get3A_233 = arith.constant 48 : index
    %get3A_234 = tpu.vector_load %arg10[%get3A_233] {strides = array<i32>} : memref<128xf32, #tpu.memory_space<vmem>>, vector<16xf32>,
    %get3A_235 = vector.shape_cast %get3A_234 : vector<16xf32> to vector<16xf32>
    %mul3A_236 = arith.mulf %get3A_232, %get3A_235 : vector<16xf32>
    %get3A_237 = arith.constant 48 : index
    %get3A_238 = tpu.vector_load %arg13[%get3A_237] {strides = array<i32>} : memref<128xf32, #tpu.memory_space<vmem>>, vector<16xf32>,
    %get3A_239 = vector.shape_cast %get3A_238 : vector<16xf32> to vector<16xf32>
    %get3A_240 = arith.constant 48 : index
    %get3A_241 = tpu.vector_load %arg11[%get3A_240] {strides = array<i32>} : memref<128xf32, #tpu.memory_space<vmem>>, vector<16xf32>,
    %get3A_242 = vector.shape_cast %get3A_241 : vector<16xf32> to vector<16xf32>
    %mul3A_243 = arith.mulf %get3A_239, %get3A_242 : vector<16xf32>
    %add3A_244 = arith.addf %mul3A_236, %mul3A_243 : vector<16xf32>
    %swap3A_245 = arith.constant 48 : index
    %swap3A_246 = tpu.vector_load %arg14[%swap3A_245] {strides = array<i32>} : memref<128xf32, #tpu.memory_space<vmem>>, vector<16xf32>,
    %swap3A_247 = vector.shape_cast %swap3A_246 : vector<16xf32> to vector<16xf32>
    %swap3A_248 = vector.shape_cast %add3A_244 : vector<16xf32> to vector<16xf32>
    tpu.vector_store %arg14[%swap3A_245], %swap3A_248 {strides = array<i32>} : memref<128xf32, #tpu.memory_space<vmem>>, vector<16xf32>,
    %get3A_249 = arith.constant 64 : index
    %get3A_250 = tpu.vector_load %arg12[%get3A_249] {strides = array<i32>} : memref<128xf32, #tpu.memory_space<vmem>>, vector<16xf32>,
    %get3A_251 = vector.shape_cast %get3A_250 : vector<16xf32> to vector<16xf32>
    %get3A_252 = arith.constant 64 : index
    %get3A_253 = tpu.vector_load %arg10[%get3A_252] {strides = array<i32>} : memref<128xf32, #tpu.memory_space<vmem>>, vector<16xf32>,
    %get3A_254 = vector.shape_cast %get3A_253 : vector<16xf32> to vector<16xf32>
    %mul3A_255 = arith.mulf %get3A_251, %get3A_254 : vector<16xf32>
    %get3A_256 = arith.constant 64 : index
    %get3A_257 = tpu.vector_load %arg13[%get3A_256] {strides = array<i32>} : memref<128xf32, #tpu.memory_space<vmem>>, vector<16xf32>,
    %get3A_258 = vector.shape_cast %get3A_257 : vector<16xf32> to vector<16xf32>
    %get3A_259 = arith.constant 64 : index
    %get3A_260 = tpu.vector_load %arg11[%get3A_259] {strides = array<i32>} : memref<128xf32, #tpu.memory_space<vmem>>, vector<16xf32>,
    %get3A_261 = vector.shape_cast %get3A_260 : vector<16xf32> to vector<16xf32>
    %mul3A_262 = arith.mulf %get3A_258, %get3A_261 : vector<16xf32>
    %add3A_263 = arith.addf %mul3A_255, %mul3A_262 : vector<16xf32>
    %swap3A_264 = arith.constant 64 : index
    %swap3A_265 = tpu.vector_load %arg14[%swap3A_264] {strides = array<i32>} : memref<128xf32, #tpu.memory_space<vmem>>, vector<16xf32>,
    %swap3A_266 = vector.shape_cast %swap3A_265 : vector<16xf32> to vector<16xf32>
    %swap3A_267 = vector.shape_cast %add3A_263 : vector<16xf32> to vector<16xf32>
    tpu.vector_store %arg14[%swap3A_264], %swap3A_267 {strides = array<i32>} : memref<128xf32, #tpu.memory_space<vmem>>, vector<16xf32>,
    %get3A_268 = arith.constant 80 : index
    %get3A_269 = tpu.vector_load %arg12[%get3A_268] {strides = array<i32>} : memref<128xf32, #tpu.memory_space<vmem>>, vector<16xf32>,
    %get3A_270 = vector.shape_cast %get3A_269 : vector<16xf32> to vector<16xf32>
    %get3A_271 = arith.constant 80 : index
    %get3A_272 = tpu.vector_load %arg10[%get3A_271] {strides = array<i32>} : memref<128xf32, #tpu.memory_space<vmem>>, vector<16xf32>,
    %get3A_273 = vector.shape_cast %get3A_272 : vector<16xf32> to vector<16xf32>
    %mul3A_274 = arith.mulf %get3A_270, %get3A_273 : vector<16xf32>
    %get3A_275 = arith.constant 80 : index
    %get3A_276 = tpu.vector_load %arg13[%get3A_275] {strides = array<i32>} : memref<128xf32, #tpu.memory_space<vmem>>, vector<16xf32>,
    %get3A_277 = vector.shape_cast %get3A_276 : vector<16xf32> to vector<16xf32>
    %get3A_278 = arith.constant 80 : index
    %get3A_279 = tpu.vector_load %arg11[%get3A_278] {strides = array<i32>} : memref<128xf32, #tpu.memory_space<vmem>>, vector<16xf32>,
    %get3A_280 = vector.shape_cast %get3A_279 : vector<16xf32> to vector<16xf32>
    %mul3A_281 = arith.mulf %get3A_277, %get3A_280 : vector<16xf32>
    %add3A_282 = arith.addf %mul3A_274, %mul3A_281 : vector<16xf32>
    %swap3A_283 = arith.constant 80 : index
    %swap3A_284 = tpu.vector_load %arg14[%swap3A_283] {strides = array<i32>} : memref<128xf32, #tpu.memory_space<vmem>>, vector<16xf32>,
    %swap3A_285 = vector.shape_cast %swap3A_284 : vector<16xf32> to vector<16xf32>
    %swap3A_286 = vector.shape_cast %add3A_282 : vector<16xf32> to vector<16xf32>
    tpu.vector_store %arg14[%swap3A_283], %swap3A_286 {strides = array<i32>} : memref<128xf32, #tpu.memory_space<vmem>>, vector<16xf32>,
    %get3A_287 = arith.constant 96 : index
    %get3A_288 = tpu.vector_load %arg12[%get3A_287] {strides = array<i32>} : memref<128xf32, #tpu.memory_space<vmem>>, vector<16xf32>,
    %get3A_289 = vector.shape_cast %get3A_288 : vector<16xf32> to vector<16xf32>
    %get3A_290 = arith.constant 96 : index
    %get3A_291 = tpu.vector_load %arg10[%get3A_290] {strides = array<i32>} : memref<128xf32, #tpu.memory_space<vmem>>, vector<16xf32>,
    %get3A_292 = vector.shape_cast %get3A_291 : vector<16xf32> to vector<16xf32>
    %mul3A_293 = arith.mulf %get3A_289, %get3A_292 : vector<16xf32>
    %get3A_294 = arith.constant 96 : index
    %get3A_295 = tpu.vector_load %arg13[%get3A_294] {strides = array<i32>} : memref<128xf32, #tpu.memory_space<vmem>>, vector<16xf32>,
    %get3A_296 = vector.shape_cast %get3A_295 : vector<16xf32> to vector<16xf32>
    %get3A_297 = arith.constant 96 : index
    %get3A_298 = tpu.vector_load %arg11[%get3A_297] {strides = array<i32>} : memref<128xf32, #tpu.memory_space<vmem>>, vector<16xf32>,
    %get3A_299 = vector.shape_cast %get3A_298 : vector<16xf32> to vector<16xf32>
    %mul3A_300 = arith.mulf %get3A_296, %get3A_299 : vector<16xf32>
    %add3A_301 = arith.addf %mul3A_293, %mul3A_300 : vector<16xf32>
    %swap3A_302 = arith.constant 96 : index
    %swap3A_303 = tpu.vector_load %arg14[%swap3A_302] {strides = array<i32>} : memref<128xf32, #tpu.memory_space<vmem>>, vector<16xf32>,
    %swap3A_304 = vector.shape_cast %swap3A_303 : vector<16xf32> to vector<16xf32>
    %swap3A_305 = vector.shape_cast %add3A_301 : vector<16xf32> to vector<16xf32>
    tpu.vector_store %arg14[%swap3A_302], %swap3A_305 {strides = array<i32>} : memref<128xf32, #tpu.memory_space<vmem>>, vector<16xf32>,
    %get3A_306 = arith.constant 112 : index
    %get3A_307 = tpu.vector_load %arg12[%get3A_306] {strides = array<i32>} : memref<128xf32, #tpu.memory_space<vmem>>, vector<16xf32>,
    %get3A_308 = vector.shape_cast %get3A_307 : vector<16xf32> to vector<16xf32>
    %get3A_309 = arith.constant 112 : index
    %get3A_310 = tpu.vector_load %arg10[%get3A_309] {strides = array<i32>} : memref<128xf32, #tpu.memory_space<vmem>>, vector<16xf32>,
    %get3A_311 = vector.shape_cast %get3A_310 : vector<16xf32> to vector<16xf32>
    %mul3A_312 = arith.mulf %get3A_308, %get3A_311 : vector<16xf32>
    %get3A_313 = arith.constant 112 : index
    %get3A_314 = tpu.vector_load %arg13[%get3A_313] {strides = array<i32>} : memref<128xf32, #tpu.memory_space<vmem>>, vector<16xf32>,
    %get3A_315 = vector.shape_cast %get3A_314 : vector<16xf32> to vector<16xf32>
    %get3A_316 = arith.constant 112 : index
    %get3A_317 = tpu.vector_load %arg11[%get3A_316] {strides = array<i32>} : memref<128xf32, #tpu.memory_space<vmem>>, vector<16xf32>,
    %get3A_318 = vector.shape_cast %get3A_317 : vector<16xf32> to vector<16xf32>
    %mul3A_319 = arith.mulf %get3A_315, %get3A_318 : vector<16xf32>
    %add3A_320 = arith.addf %mul3A_312, %mul3A_319 : vector<16xf32>
    %swap3A_321 = arith.constant 112 : index
    %swap3A_322 = tpu.vector_load %arg14[%swap3A_321] {strides = array<i32>} : memref<128xf32, #tpu.memory_space<vmem>>, vector<16xf32>,
    %swap3A_323 = vector.shape_cast %swap3A_322 : vector<16xf32> to vector<16xf32>
    %swap3A_324 = vector.shape_cast %add3A_320 : vector<16xf32> to vector<16xf32>
    tpu.vector_store %arg14[%swap3A_321], %swap3A_324 {strides = array<i32>} : memref<128xf32, #tpu.memory_space<vmem>>, vector<16xf32>,
    "tpu.region"() ({
      %run_scoped3A = tpu.sem_alloc : memref<!tpu.dma_semaphore, #tpu.memory_space<semaphore_mem>>
      %dma_start3A_325 = tpu.memref_slice %arg7[%add3A_164] : memref<8192xf32, #tpu.memory_space<hbm>> -> memref<128xf32, #tpu.memory_space<hbm>>
      %dma_start3A_326 = tpu.memref_slice %arg7[%add3A_164] : memref<8192xf32, #tpu.memory_space<hbm>> -> memref<128xf32, #tpu.memory_space<hbm>>
      tpu.enqueue_dma source(%arg14 : memref<128xf32, #tpu.memory_space<vmem>>) target(%dma_start3A_326 : memref<128xf32, #tpu.memory_space<hbm>>) target_semaphore(%run_scoped3A : memref<!tpu.dma_semaphore, #tpu.memory_space<semaphore_mem>>)
      %dma_wait3A_327 = tpu.memref_slice %arg7[%add3A_164] : memref<8192xf32, #tpu.memory_space<hbm>> -> memref<128xf32, #tpu.memory_space<hbm>>
      %dma_wait3A_328 = tpu.memref_slice %arg7[%add3A_164] : memref<8192xf32, #tpu.memory_space<hbm>> -> memref<128xf32, #tpu.memory_space<hbm>>
      tpu.wait_dma2 semaphore(%run_scoped3A : memref<!tpu.dma_semaphore, #tpu.memory_space<semaphore_mem>>) src(%arg14 : memref<128xf32, #tpu.memory_space<vmem>>) dst(%dma_wait3A_328 : memref<128xf32, #tpu.memory_space<hbm>>)
      tpu.yield
    }) : () -> ()
    return
  }
}

#map = affine_map<(d0, d1) -> (0, 0)>
#map1 = affine_map<(d0, d1) -> (0)>
module attributes {stable_mosaic.version = 14 : i64} {
  func.func @k(%arg0: i32, %arg1: i32, %arg2: memref<8192x384xi32, #tpu.memory_space<hbm>>, %arg3: memref<8192xi32, #tpu.memory_space<hbm>>, %arg4: memref<8192xi32, #tpu.memory_space<hbm>>, %arg5: memref<20480x384xi32, #tpu.memory_space<hbm>>, %arg6: memref<256x384xi32, #tpu.memory_space<vmem>>, %arg7: memref<2x128xi32, #tpu.memory_space<vmem>>, %arg8: memref<2x128xi32, #tpu.memory_space<vmem>>, %arg9: memref<!tpu.dma_semaphore, #tpu.memory_space<semaphore_mem>>, %arg10: memref<!tpu.dma_semaphore, #tpu.memory_space<semaphore_mem>>) attributes {dimension_semantics = [#tpu.dimension_semantics<core_parallel>, #tpu.dimension_semantics<subcore_parallel>], iteration_bounds = array<i64: 2, 16>, scalar_prefetch = 0 : i64, scratch_operands = 5 : i64, tpu.core_type = #tpu.core_type<sc_vector_subcore>, window_params = [{transform_indices = #map}, {transform_indices = #map1}, {transform_indices = #map1}, {transform_indices = #map}]} {
    %mul3A = arith.constant 2 : i32
    %mul3A_0 = arith.muli %arg1, %mul3A : i32
    %add3A = arith.addi %mul3A_0, %arg0 : i32
    %mul3A_1 = arith.constant 256 : i32
    %mul3A_2 = arith.muli %add3A, %mul3A_1 : i32
    %dma_start3A = arith.constant 0 : i32
    %dma_start3A_3 = tpu.memref_slice %arg2[%mul3A_2, %dma_start3A] : memref<8192x384xi32, #tpu.memory_space<hbm>> -> memref<256x384xi32, #tpu.memory_space<hbm>>
    %dma_start3A_4 = arith.constant 0 : i32
    %dma_start3A_5 = tpu.memref_slice %arg2[%mul3A_2, %dma_start3A_4] : memref<8192x384xi32, #tpu.memory_space<hbm>> -> memref<256x384xi32, #tpu.memory_space<hbm>>
    tpu.enqueue_dma source(%dma_start3A_5 : memref<256x384xi32, #tpu.memory_space<hbm>>) target(%arg6 : memref<256x384xi32, #tpu.memory_space<vmem>>) target_semaphore(%arg9 : memref<!tpu.dma_semaphore, #tpu.memory_space<semaphore_mem>>)
    %add3A_6 = arith.constant 0 : i32
    %add3A_7 = arith.addi %mul3A_2, %add3A_6 : i32
    %run_scoped3A = arith.constant 0 : i32
    "tpu.region"() ({
      %run_scoped3A_100 = tpu.sem_alloc : memref<!tpu.dma_semaphore, #tpu.memory_space<semaphore_mem>>
      %dma_start3A_101 = arith.constant 0 : i32
      %dma_start3A_102 = tpu.memref_slice %arg7[%run_scoped3A, %dma_start3A_101] : memref<2x128xi32, #tpu.memory_space<vmem>> -> memref<1x128xi32, #tpu.memory_space<vmem>>
      %dma_start3A_103 = tpu.memref_squeeze %dma_start3A_102 : memref<1x128xi32, #tpu.memory_space<vmem>> -> memref<128xi32, #tpu.memory_space<vmem>>
      %dma_start3A_104 = tpu.memref_slice %arg3[%add3A_7] : memref<8192xi32, #tpu.memory_space<hbm>> -> memref<128xi32, #tpu.memory_space<hbm>>
      %dma_start3A_105 = arith.constant 0 : i32
      %dma_start3A_106 = tpu.memref_slice %arg7[%run_scoped3A, %dma_start3A_105] : memref<2x128xi32, #tpu.memory_space<vmem>> -> memref<1x128xi32, #tpu.memory_space<vmem>>
      %dma_start3A_107 = tpu.memref_squeeze %dma_start3A_106 : memref<1x128xi32, #tpu.memory_space<vmem>> -> memref<128xi32, #tpu.memory_space<vmem>>
      %dma_start3A_108 = tpu.memref_slice %arg3[%add3A_7] : memref<8192xi32, #tpu.memory_space<hbm>> -> memref<128xi32, #tpu.memory_space<hbm>>
      tpu.enqueue_dma source(%dma_start3A_108 : memref<128xi32, #tpu.memory_space<hbm>>) target(%dma_start3A_107 : memref<128xi32, #tpu.memory_space<vmem>>) target_semaphore(%run_scoped3A_100 : memref<!tpu.dma_semaphore, #tpu.memory_space<semaphore_mem>>)
      %dma_wait3A_109 = arith.constant 0 : i32
      %dma_wait3A_110 = tpu.memref_slice %arg7[%run_scoped3A, %dma_wait3A_109] : memref<2x128xi32, #tpu.memory_space<vmem>> -> memref<1x128xi32, #tpu.memory_space<vmem>>
      %dma_wait3A_111 = tpu.memref_squeeze %dma_wait3A_110 : memref<1x128xi32, #tpu.memory_space<vmem>> -> memref<128xi32, #tpu.memory_space<vmem>>
      %dma_wait3A_112 = tpu.memref_slice %arg3[%add3A_7] : memref<8192xi32, #tpu.memory_space<hbm>> -> memref<128xi32, #tpu.memory_space<hbm>>
      %dma_wait3A_113 = arith.constant 0 : i32
      %dma_wait3A_114 = tpu.memref_slice %arg7[%run_scoped3A, %dma_wait3A_113] : memref<2x128xi32, #tpu.memory_space<vmem>> -> memref<1x128xi32, #tpu.memory_space<vmem>>
      %dma_wait3A_115 = tpu.memref_squeeze %dma_wait3A_114 : memref<1x128xi32, #tpu.memory_space<vmem>> -> memref<128xi32, #tpu.memory_space<vmem>>
      %dma_wait3A_116 = tpu.memref_slice %arg3[%add3A_7] : memref<8192xi32, #tpu.memory_space<hbm>> -> memref<128xi32, #tpu.memory_space<hbm>>
      tpu.wait_dma2 semaphore(%run_scoped3A_100 : memref<!tpu.dma_semaphore, #tpu.memory_space<semaphore_mem>>) src(%dma_wait3A_116 : memref<128xi32, #tpu.memory_space<hbm>>) dst(%dma_wait3A_115 : memref<128xi32, #tpu.memory_space<vmem>>)
      tpu.yield
    }) : () -> ()
    %add3A_8 = arith.constant 0 : i32
    %add3A_9 = arith.addi %mul3A_2, %add3A_8 : i32
    %run_scoped3A_10 = arith.constant 0 : i32
    "tpu.region"() ({
      %run_scoped3A_100 = tpu.sem_alloc : memref<!tpu.dma_semaphore, #tpu.memory_space<semaphore_mem>>
      %dma_start3A_101 = arith.constant 0 : i32
      %dma_start3A_102 = tpu.memref_slice %arg8[%run_scoped3A_10, %dma_start3A_101] : memref<2x128xi32, #tpu.memory_space<vmem>> -> memref<1x128xi32, #tpu.memory_space<vmem>>
      %dma_start3A_103 = tpu.memref_squeeze %dma_start3A_102 : memref<1x128xi32, #tpu.memory_space<vmem>> -> memref<128xi32, #tpu.memory_space<vmem>>
      %dma_start3A_104 = tpu.memref_slice %arg4[%add3A_9] : memref<8192xi32, #tpu.memory_space<hbm>> -> memref<128xi32, #tpu.memory_space<hbm>>
      %dma_start3A_105 = arith.constant 0 : i32
      %dma_start3A_106 = tpu.memref_slice %arg8[%run_scoped3A_10, %dma_start3A_105] : memref<2x128xi32, #tpu.memory_space<vmem>> -> memref<1x128xi32, #tpu.memory_space<vmem>>
      %dma_start3A_107 = tpu.memref_squeeze %dma_start3A_106 : memref<1x128xi32, #tpu.memory_space<vmem>> -> memref<128xi32, #tpu.memory_space<vmem>>
      %dma_start3A_108 = tpu.memref_slice %arg4[%add3A_9] : memref<8192xi32, #tpu.memory_space<hbm>> -> memref<128xi32, #tpu.memory_space<hbm>>
      tpu.enqueue_dma source(%dma_start3A_108 : memref<128xi32, #tpu.memory_space<hbm>>) target(%dma_start3A_107 : memref<128xi32, #tpu.memory_space<vmem>>) target_semaphore(%run_scoped3A_100 : memref<!tpu.dma_semaphore, #tpu.memory_space<semaphore_mem>>)
      %dma_wait3A_109 = arith.constant 0 : i32
      %dma_wait3A_110 = tpu.memref_slice %arg8[%run_scoped3A_10, %dma_wait3A_109] : memref<2x128xi32, #tpu.memory_space<vmem>> -> memref<1x128xi32, #tpu.memory_space<vmem>>
      %dma_wait3A_111 = tpu.memref_squeeze %dma_wait3A_110 : memref<1x128xi32, #tpu.memory_space<vmem>> -> memref<128xi32, #tpu.memory_space<vmem>>
      %dma_wait3A_112 = tpu.memref_slice %arg4[%add3A_9] : memref<8192xi32, #tpu.memory_space<hbm>> -> memref<128xi32, #tpu.memory_space<hbm>>
      %dma_wait3A_113 = arith.constant 0 : i32
      %dma_wait3A_114 = tpu.memref_slice %arg8[%run_scoped3A_10, %dma_wait3A_113] : memref<2x128xi32, #tpu.memory_space<vmem>> -> memref<1x128xi32, #tpu.memory_space<vmem>>
      %dma_wait3A_115 = tpu.memref_squeeze %dma_wait3A_114 : memref<1x128xi32, #tpu.memory_space<vmem>> -> memref<128xi32, #tpu.memory_space<vmem>>
      %dma_wait3A_116 = tpu.memref_slice %arg4[%add3A_9] : memref<8192xi32, #tpu.memory_space<hbm>> -> memref<128xi32, #tpu.memory_space<hbm>>
      tpu.wait_dma2 semaphore(%run_scoped3A_100 : memref<!tpu.dma_semaphore, #tpu.memory_space<semaphore_mem>>) src(%dma_wait3A_116 : memref<128xi32, #tpu.memory_space<hbm>>) dst(%dma_wait3A_115 : memref<128xi32, #tpu.memory_space<vmem>>)
      tpu.yield
    }) : () -> ()
    %add3A_11 = arith.constant 128 : i32
    %add3A_12 = arith.addi %mul3A_2, %add3A_11 : i32
    %run_scoped3A_13 = arith.constant 1 : i32
    "tpu.region"() ({
      %run_scoped3A_100 = tpu.sem_alloc : memref<!tpu.dma_semaphore, #tpu.memory_space<semaphore_mem>>
      %dma_start3A_101 = arith.constant 0 : i32
      %dma_start3A_102 = tpu.memref_slice %arg7[%run_scoped3A_13, %dma_start3A_101] : memref<2x128xi32, #tpu.memory_space<vmem>> -> memref<1x128xi32, #tpu.memory_space<vmem>>
      %dma_start3A_103 = tpu.memref_squeeze %dma_start3A_102 : memref<1x128xi32, #tpu.memory_space<vmem>> -> memref<128xi32, #tpu.memory_space<vmem>>
      %dma_start3A_104 = tpu.memref_slice %arg3[%add3A_12] : memref<8192xi32, #tpu.memory_space<hbm>> -> memref<128xi32, #tpu.memory_space<hbm>>
      %dma_start3A_105 = arith.constant 0 : i32
      %dma_start3A_106 = tpu.memref_slice %arg7[%run_scoped3A_13, %dma_start3A_105] : memref<2x128xi32, #tpu.memory_space<vmem>> -> memref<1x128xi32, #tpu.memory_space<vmem>>
      %dma_start3A_107 = tpu.memref_squeeze %dma_start3A_106 : memref<1x128xi32, #tpu.memory_space<vmem>> -> memref<128xi32, #tpu.memory_space<vmem>>
      %dma_start3A_108 = tpu.memref_slice %arg3[%add3A_12] : memref<8192xi32, #tpu.memory_space<hbm>> -> memref<128xi32, #tpu.memory_space<hbm>>
      tpu.enqueue_dma source(%dma_start3A_108 : memref<128xi32, #tpu.memory_space<hbm>>) target(%dma_start3A_107 : memref<128xi32, #tpu.memory_space<vmem>>) target_semaphore(%run_scoped3A_100 : memref<!tpu.dma_semaphore, #tpu.memory_space<semaphore_mem>>)
      %dma_wait3A_109 = arith.constant 0 : i32
      %dma_wait3A_110 = tpu.memref_slice %arg7[%run_scoped3A_13, %dma_wait3A_109] : memref<2x128xi32, #tpu.memory_space<vmem>> -> memref<1x128xi32, #tpu.memory_space<vmem>>
      %dma_wait3A_111 = tpu.memref_squeeze %dma_wait3A_110 : memref<1x128xi32, #tpu.memory_space<vmem>> -> memref<128xi32, #tpu.memory_space<vmem>>
      %dma_wait3A_112 = tpu.memref_slice %arg3[%add3A_12] : memref<8192xi32, #tpu.memory_space<hbm>> -> memref<128xi32, #tpu.memory_space<hbm>>
      %dma_wait3A_113 = arith.constant 0 : i32
      %dma_wait3A_114 = tpu.memref_slice %arg7[%run_scoped3A_13, %dma_wait3A_113] : memref<2x128xi32, #tpu.memory_space<vmem>> -> memref<1x128xi32, #tpu.memory_space<vmem>>
      %dma_wait3A_115 = tpu.memref_squeeze %dma_wait3A_114 : memref<1x128xi32, #tpu.memory_space<vmem>> -> memref<128xi32, #tpu.memory_space<vmem>>
      %dma_wait3A_116 = tpu.memref_slice %arg3[%add3A_12] : memref<8192xi32, #tpu.memory_space<hbm>> -> memref<128xi32, #tpu.memory_space<hbm>>
      tpu.wait_dma2 semaphore(%run_scoped3A_100 : memref<!tpu.dma_semaphore, #tpu.memory_space<semaphore_mem>>) src(%dma_wait3A_116 : memref<128xi32, #tpu.memory_space<hbm>>) dst(%dma_wait3A_115 : memref<128xi32, #tpu.memory_space<vmem>>)
      tpu.yield
    }) : () -> ()
    %add3A_14 = arith.constant 128 : i32
    %add3A_15 = arith.addi %mul3A_2, %add3A_14 : i32
    %run_scoped3A_16 = arith.constant 1 : i32
    "tpu.region"() ({
      %run_scoped3A_100 = tpu.sem_alloc : memref<!tpu.dma_semaphore, #tpu.memory_space<semaphore_mem>>
      %dma_start3A_101 = arith.constant 0 : i32
      %dma_start3A_102 = tpu.memref_slice %arg8[%run_scoped3A_16, %dma_start3A_101] : memref<2x128xi32, #tpu.memory_space<vmem>> -> memref<1x128xi32, #tpu.memory_space<vmem>>
      %dma_start3A_103 = tpu.memref_squeeze %dma_start3A_102 : memref<1x128xi32, #tpu.memory_space<vmem>> -> memref<128xi32, #tpu.memory_space<vmem>>
      %dma_start3A_104 = tpu.memref_slice %arg4[%add3A_15] : memref<8192xi32, #tpu.memory_space<hbm>> -> memref<128xi32, #tpu.memory_space<hbm>>
      %dma_start3A_105 = arith.constant 0 : i32
      %dma_start3A_106 = tpu.memref_slice %arg8[%run_scoped3A_16, %dma_start3A_105] : memref<2x128xi32, #tpu.memory_space<vmem>> -> memref<1x128xi32, #tpu.memory_space<vmem>>
      %dma_start3A_107 = tpu.memref_squeeze %dma_start3A_106 : memref<1x128xi32, #tpu.memory_space<vmem>> -> memref<128xi32, #tpu.memory_space<vmem>>
      %dma_start3A_108 = tpu.memref_slice %arg4[%add3A_15] : memref<8192xi32, #tpu.memory_space<hbm>> -> memref<128xi32, #tpu.memory_space<hbm>>
      tpu.enqueue_dma source(%dma_start3A_108 : memref<128xi32, #tpu.memory_space<hbm>>) target(%dma_start3A_107 : memref<128xi32, #tpu.memory_space<vmem>>) target_semaphore(%run_scoped3A_100 : memref<!tpu.dma_semaphore, #tpu.memory_space<semaphore_mem>>)
      %dma_wait3A_109 = arith.constant 0 : i32
      %dma_wait3A_110 = tpu.memref_slice %arg8[%run_scoped3A_16, %dma_wait3A_109] : memref<2x128xi32, #tpu.memory_space<vmem>> -> memref<1x128xi32, #tpu.memory_space<vmem>>
      %dma_wait3A_111 = tpu.memref_squeeze %dma_wait3A_110 : memref<1x128xi32, #tpu.memory_space<vmem>> -> memref<128xi32, #tpu.memory_space<vmem>>
      %dma_wait3A_112 = tpu.memref_slice %arg4[%add3A_15] : memref<8192xi32, #tpu.memory_space<hbm>> -> memref<128xi32, #tpu.memory_space<hbm>>
      %dma_wait3A_113 = arith.constant 0 : i32
      %dma_wait3A_114 = tpu.memref_slice %arg8[%run_scoped3A_16, %dma_wait3A_113] : memref<2x128xi32, #tpu.memory_space<vmem>> -> memref<1x128xi32, #tpu.memory_space<vmem>>
      %dma_wait3A_115 = tpu.memref_squeeze %dma_wait3A_114 : memref<1x128xi32, #tpu.memory_space<vmem>> -> memref<128xi32, #tpu.memory_space<vmem>>
      %dma_wait3A_116 = tpu.memref_slice %arg4[%add3A_15] : memref<8192xi32, #tpu.memory_space<hbm>> -> memref<128xi32, #tpu.memory_space<hbm>>
      tpu.wait_dma2 semaphore(%run_scoped3A_100 : memref<!tpu.dma_semaphore, #tpu.memory_space<semaphore_mem>>) src(%dma_wait3A_116 : memref<128xi32, #tpu.memory_space<hbm>>) dst(%dma_wait3A_115 : memref<128xi32, #tpu.memory_space<vmem>>)
      tpu.yield
    }) : () -> ()
    %dma_wait3A = arith.constant 0 : i32
    %dma_wait3A_17 = tpu.memref_slice %arg2[%mul3A_2, %dma_wait3A] : memref<8192x384xi32, #tpu.memory_space<hbm>> -> memref<256x384xi32, #tpu.memory_space<hbm>>
    %dma_wait3A_18 = arith.constant 0 : i32
    %dma_wait3A_19 = tpu.memref_slice %arg2[%mul3A_2, %dma_wait3A_18] : memref<8192x384xi32, #tpu.memory_space<hbm>> -> memref<256x384xi32, #tpu.memory_space<hbm>>
    tpu.wait_dma2 semaphore(%arg9 : memref<!tpu.dma_semaphore, #tpu.memory_space<semaphore_mem>>) src(%dma_wait3A_19 : memref<256x384xi32, #tpu.memory_space<hbm>>) dst(%arg6 : memref<256x384xi32, #tpu.memory_space<vmem>>)
    %dma_start3A_20 = arith.constant 0 : i32
    %dma_start3A_21 = arith.constant 0 : i32
    %dma_start3A_22 = arith.constant 0 : i32
    %dma_start3A_23 = tpu.memref_slice %arg6[%dma_start3A_21, %dma_start3A_22] : memref<256x384xi32, #tpu.memory_space<vmem>> -> memref<128x384xi32, #tpu.memory_space<vmem>>
    %dma_start3A_24 = arith.constant 0 : i32
    %dma_start3A_25 = tpu.memref_slice %arg7[%dma_start3A_20, %dma_start3A_24] : memref<2x128xi32, #tpu.memory_space<vmem>> -> memref<1x128xi32, #tpu.memory_space<vmem>>
    %dma_start3A_26 = tpu.memref_squeeze %dma_start3A_25 : memref<1x128xi32, #tpu.memory_space<vmem>> -> memref<128xi32, #tpu.memory_space<vmem>>
    %dma_start3A_27 = arith.constant 0 : i32
    %dma_start3A_28 = arith.constant 0 : i32
    %dma_start3A_29 = tpu.memref_slice %arg5[%dma_start3A_27, %dma_start3A_28] : memref<20480x384xi32, #tpu.memory_space<hbm>> -> memref<20480x384xi32, #tpu.memory_space<hbm>>
    tpu.enqueue_indirect_dma source(%dma_start3A_23 : memref<128x384xi32, #tpu.memory_space<vmem>>) target(%dma_start3A_29 : memref<20480x384xi32, #tpu.memory_space<hbm>>) offsets(%dma_start3A_26 : memref<128xi32, #tpu.memory_space<vmem>>) semaphore(%arg10 : memref<!tpu.dma_semaphore, #tpu.memory_space<semaphore_mem>>)
    %dma_start3A_30 = arith.constant 0 : i32
    %dma_start3A_31 = arith.constant 0 : i32
    %dma_start3A_32 = arith.constant 0 : i32
    %dma_start3A_33 = tpu.memref_slice %arg6[%dma_start3A_31, %dma_start3A_32] : memref<256x384xi32, #tpu.memory_space<vmem>> -> memref<128x384xi32, #tpu.memory_space<vmem>>
    %dma_start3A_34 = arith.constant 0 : i32
    %dma_start3A_35 = tpu.memref_slice %arg8[%dma_start3A_30, %dma_start3A_34] : memref<2x128xi32, #tpu.memory_space<vmem>> -> memref<1x128xi32, #tpu.memory_space<vmem>>
    %dma_start3A_36 = tpu.memref_squeeze %dma_start3A_35 : memref<1x128xi32, #tpu.memory_space<vmem>> -> memref<128xi32, #tpu.memory_space<vmem>>
    %dma_start3A_37 = arith.constant 0 : i32
    %dma_start3A_38 = arith.constant 0 : i32
    %dma_start3A_39 = tpu.memref_slice %arg5[%dma_start3A_37, %dma_start3A_38] : memref<20480x384xi32, #tpu.memory_space<hbm>> -> memref<20480x384xi32, #tpu.memory_space<hbm>>
    tpu.enqueue_indirect_dma source(%dma_start3A_33 : memref<128x384xi32, #tpu.memory_space<vmem>>) target(%dma_start3A_39 : memref<20480x384xi32, #tpu.memory_space<hbm>>) offsets(%dma_start3A_36 : memref<128xi32, #tpu.memory_space<vmem>>) semaphore(%arg10 : memref<!tpu.dma_semaphore, #tpu.memory_space<semaphore_mem>>)
    %dma_start3A_40 = arith.constant 1 : i32
    %dma_start3A_41 = arith.constant 128 : i32
    %dma_start3A_42 = arith.constant 0 : i32
    %dma_start3A_43 = tpu.memref_slice %arg6[%dma_start3A_41, %dma_start3A_42] : memref<256x384xi32, #tpu.memory_space<vmem>> -> memref<128x384xi32, #tpu.memory_space<vmem>>
    %dma_start3A_44 = arith.constant 0 : i32
    %dma_start3A_45 = tpu.memref_slice %arg7[%dma_start3A_40, %dma_start3A_44] : memref<2x128xi32, #tpu.memory_space<vmem>> -> memref<1x128xi32, #tpu.memory_space<vmem>>
    %dma_start3A_46 = tpu.memref_squeeze %dma_start3A_45 : memref<1x128xi32, #tpu.memory_space<vmem>> -> memref<128xi32, #tpu.memory_space<vmem>>
    %dma_start3A_47 = arith.constant 0 : i32
    %dma_start3A_48 = arith.constant 0 : i32
    %dma_start3A_49 = tpu.memref_slice %arg5[%dma_start3A_47, %dma_start3A_48] : memref<20480x384xi32, #tpu.memory_space<hbm>> -> memref<20480x384xi32, #tpu.memory_space<hbm>>
    tpu.enqueue_indirect_dma source(%dma_start3A_43 : memref<128x384xi32, #tpu.memory_space<vmem>>) target(%dma_start3A_49 : memref<20480x384xi32, #tpu.memory_space<hbm>>) offsets(%dma_start3A_46 : memref<128xi32, #tpu.memory_space<vmem>>) semaphore(%arg10 : memref<!tpu.dma_semaphore, #tpu.memory_space<semaphore_mem>>)
    %dma_start3A_50 = arith.constant 1 : i32
    %dma_start3A_51 = arith.constant 128 : i32
    %dma_start3A_52 = arith.constant 0 : i32
    %dma_start3A_53 = tpu.memref_slice %arg6[%dma_start3A_51, %dma_start3A_52] : memref<256x384xi32, #tpu.memory_space<vmem>> -> memref<128x384xi32, #tpu.memory_space<vmem>>
    %dma_start3A_54 = arith.constant 0 : i32
    %dma_start3A_55 = tpu.memref_slice %arg8[%dma_start3A_50, %dma_start3A_54] : memref<2x128xi32, #tpu.memory_space<vmem>> -> memref<1x128xi32, #tpu.memory_space<vmem>>
    %dma_start3A_56 = tpu.memref_squeeze %dma_start3A_55 : memref<1x128xi32, #tpu.memory_space<vmem>> -> memref<128xi32, #tpu.memory_space<vmem>>
    %dma_start3A_57 = arith.constant 0 : i32
    %dma_start3A_58 = arith.constant 0 : i32
    %dma_start3A_59 = tpu.memref_slice %arg5[%dma_start3A_57, %dma_start3A_58] : memref<20480x384xi32, #tpu.memory_space<hbm>> -> memref<20480x384xi32, #tpu.memory_space<hbm>>
    tpu.enqueue_indirect_dma source(%dma_start3A_53 : memref<128x384xi32, #tpu.memory_space<vmem>>) target(%dma_start3A_59 : memref<20480x384xi32, #tpu.memory_space<hbm>>) offsets(%dma_start3A_56 : memref<128xi32, #tpu.memory_space<vmem>>) semaphore(%arg10 : memref<!tpu.dma_semaphore, #tpu.memory_space<semaphore_mem>>)
    %dma_wait3A_60 = arith.constant 0 : i32
    %dma_wait3A_61 = arith.constant 0 : i32
    %dma_wait3A_62 = arith.constant 0 : i32
    %dma_wait3A_63 = tpu.memref_slice %arg6[%dma_wait3A_61, %dma_wait3A_62] : memref<256x384xi32, #tpu.memory_space<vmem>> -> memref<128x384xi32, #tpu.memory_space<vmem>>
    %dma_wait3A_64 = arith.constant 0 : i32
    %dma_wait3A_65 = tpu.memref_slice %arg7[%dma_wait3A_60, %dma_wait3A_64] : memref<2x128xi32, #tpu.memory_space<vmem>> -> memref<1x128xi32, #tpu.memory_space<vmem>>
    %dma_wait3A_66 = tpu.memref_squeeze %dma_wait3A_65 : memref<1x128xi32, #tpu.memory_space<vmem>> -> memref<128xi32, #tpu.memory_space<vmem>>
    %dma_wait3A_67 = arith.constant 0 : i32
    %dma_wait3A_68 = arith.constant 0 : i32
    %dma_wait3A_69 = tpu.memref_slice %arg5[%dma_wait3A_67, %dma_wait3A_68] : memref<20480x384xi32, #tpu.memory_space<hbm>> -> memref<20480x384xi32, #tpu.memory_space<hbm>>
    tpu.wait_indirect_dma semaphore(%arg10 : memref<!tpu.dma_semaphore, #tpu.memory_space<semaphore_mem>>) src(%dma_wait3A_63 : memref<128x384xi32, #tpu.memory_space<vmem>>) dst(%dma_wait3A_69 : memref<20480x384xi32, #tpu.memory_space<hbm>>)
    %dma_wait3A_70 = arith.constant 0 : i32
    %dma_wait3A_71 = arith.constant 0 : i32
    %dma_wait3A_72 = arith.constant 0 : i32
    %dma_wait3A_73 = tpu.memref_slice %arg6[%dma_wait3A_71, %dma_wait3A_72] : memref<256x384xi32, #tpu.memory_space<vmem>> -> memref<128x384xi32, #tpu.memory_space<vmem>>
    %dma_wait3A_74 = arith.constant 0 : i32
    %dma_wait3A_75 = tpu.memref_slice %arg8[%dma_wait3A_70, %dma_wait3A_74] : memref<2x128xi32, #tpu.memory_space<vmem>> -> memref<1x128xi32, #tpu.memory_space<vmem>>
    %dma_wait3A_76 = tpu.memref_squeeze %dma_wait3A_75 : memref<1x128xi32, #tpu.memory_space<vmem>> -> memref<128xi32, #tpu.memory_space<vmem>>
    %dma_wait3A_77 = arith.constant 0 : i32
    %dma_wait3A_78 = arith.constant 0 : i32
    %dma_wait3A_79 = tpu.memref_slice %arg5[%dma_wait3A_77, %dma_wait3A_78] : memref<20480x384xi32, #tpu.memory_space<hbm>> -> memref<20480x384xi32, #tpu.memory_space<hbm>>
    tpu.wait_indirect_dma semaphore(%arg10 : memref<!tpu.dma_semaphore, #tpu.memory_space<semaphore_mem>>) src(%dma_wait3A_73 : memref<128x384xi32, #tpu.memory_space<vmem>>) dst(%dma_wait3A_79 : memref<20480x384xi32, #tpu.memory_space<hbm>>)
    %dma_wait3A_80 = arith.constant 1 : i32
    %dma_wait3A_81 = arith.constant 128 : i32
    %dma_wait3A_82 = arith.constant 0 : i32
    %dma_wait3A_83 = tpu.memref_slice %arg6[%dma_wait3A_81, %dma_wait3A_82] : memref<256x384xi32, #tpu.memory_space<vmem>> -> memref<128x384xi32, #tpu.memory_space<vmem>>
    %dma_wait3A_84 = arith.constant 0 : i32
    %dma_wait3A_85 = tpu.memref_slice %arg7[%dma_wait3A_80, %dma_wait3A_84] : memref<2x128xi32, #tpu.memory_space<vmem>> -> memref<1x128xi32, #tpu.memory_space<vmem>>
    %dma_wait3A_86 = tpu.memref_squeeze %dma_wait3A_85 : memref<1x128xi32, #tpu.memory_space<vmem>> -> memref<128xi32, #tpu.memory_space<vmem>>
    %dma_wait3A_87 = arith.constant 0 : i32
    %dma_wait3A_88 = arith.constant 0 : i32
    %dma_wait3A_89 = tpu.memref_slice %arg5[%dma_wait3A_87, %dma_wait3A_88] : memref<20480x384xi32, #tpu.memory_space<hbm>> -> memref<20480x384xi32, #tpu.memory_space<hbm>>
    tpu.wait_indirect_dma semaphore(%arg10 : memref<!tpu.dma_semaphore, #tpu.memory_space<semaphore_mem>>) src(%dma_wait3A_83 : memref<128x384xi32, #tpu.memory_space<vmem>>) dst(%dma_wait3A_89 : memref<20480x384xi32, #tpu.memory_space<hbm>>)
    %dma_wait3A_90 = arith.constant 1 : i32
    %dma_wait3A_91 = arith.constant 128 : i32
    %dma_wait3A_92 = arith.constant 0 : i32
    %dma_wait3A_93 = tpu.memref_slice %arg6[%dma_wait3A_91, %dma_wait3A_92] : memref<256x384xi32, #tpu.memory_space<vmem>> -> memref<128x384xi32, #tpu.memory_space<vmem>>
    %dma_wait3A_94 = arith.constant 0 : i32
    %dma_wait3A_95 = tpu.memref_slice %arg8[%dma_wait3A_90, %dma_wait3A_94] : memref<2x128xi32, #tpu.memory_space<vmem>> -> memref<1x128xi32, #tpu.memory_space<vmem>>
    %dma_wait3A_96 = tpu.memref_squeeze %dma_wait3A_95 : memref<1x128xi32, #tpu.memory_space<vmem>> -> memref<128xi32, #tpu.memory_space<vmem>>
    %dma_wait3A_97 = arith.constant 0 : i32
    %dma_wait3A_98 = arith.constant 0 : i32
    %dma_wait3A_99 = tpu.memref_slice %arg5[%dma_wait3A_97, %dma_wait3A_98] : memref<20480x384xi32, #tpu.memory_space<hbm>> -> memref<20480x384xi32, #tpu.memory_space<hbm>>
    tpu.wait_indirect_dma semaphore(%arg10 : memref<!tpu.dma_semaphore, #tpu.memory_space<semaphore_mem>>) src(%dma_wait3A_93 : memref<128x384xi32, #tpu.memory_space<vmem>>) dst(%dma_wait3A_99 : memref<20480x384xi32, #tpu.memory_space<hbm>>)
    return
  }
}

module attributes {stable_mosaic.version = 14 : i64} {
  func.func @_prep_body(%arg0: i32, %arg1: memref<64x128xi32, #tpu.memory_space<vmem>>, %arg2: memref<64x128xi32, #tpu.memory_space<vmem>>, %arg3: memref<64x128xi32, #tpu.memory_space<vmem>>, %arg4: memref<64x128xi32, #tpu.memory_space<vmem>>, %arg5: memref<1x40xi32, #tpu.memory_space<vmem>>) attributes {dimension_semantics = [#tpu.dimension_semantics<arbitrary>], iteration_bounds = array<i64: 1>, scalar_prefetch = 0 : i64, scratch_operands = 0 : i64, tpu.core_type = #tpu.core_type<tc>, window_params = [{pipeline_mode = #tpu.pipeline_mode<synchronous>, transform_indices = @transform_0, window_bounds = array<i64: 64, 128>}, {pipeline_mode = #tpu.pipeline_mode<synchronous>, transform_indices = @transform_1, window_bounds = array<i64: 64, 128>}, {pipeline_mode = #tpu.pipeline_mode<synchronous>, transform_indices = @transform_2, window_bounds = array<i64: 64, 128>}, {pipeline_mode = #tpu.pipeline_mode<synchronous>, transform_indices = @transform_3, window_bounds = array<i64: 64, 128>}, {pipeline_mode = #tpu.pipeline_mode<synchronous>, transform_indices = @transform_4, window_bounds = array<i64: 1, 40>}]} {
    %get3A = arith.constant 0 : index
    %get3A_0 = arith.constant 0 : index
    %get3A_1 = vector.load %arg1[%get3A, %get3A_0] : memref<64x128xi32, #tpu.memory_space<vmem>>, vector<64x128xi32>
    %get3A_2 = arith.constant 0 : index
    %get3A_3 = arith.constant 0 : index
    %get3A_4 = vector.load %arg2[%get3A_2, %get3A_3] : memref<64x128xi32, #tpu.memory_space<vmem>>, vector<64x128xi32>
    %concatenate3A = tpu.concatenate %get3A_1, %get3A_4 in 0 : vector<64x128xi32>, vector<64x128xi32> -> vector<128x128xi32>
    %iota3A = tpu.iota {dimensions = array<i32: 0>} : vector<128x128xi32>
    %iota3A_5 = tpu.iota {dimensions = array<i32: 1>} : vector<128x128xi32>
    %le3A = arith.cmpi sle, %iota3A, %iota3A_5 : vector<128x128xi32>
    %convert_element_type3A = arith.extui %le3A : vector<128x128xi1> to vector<128x128xi32>
    %convert_element_type3A_6 = arith.sitofp %convert_element_type3A : vector<128x128xi32> to vector<128x128xf32>
    %convert_element_type3A_7 = arith.truncf %convert_element_type3A_6 : vector<128x128xf32> to vector<128x128xbf16>
    %iota3A_8 = tpu.iota {dimensions = array<i32: 0>} : vector<128x128xi32>
    %iota3A_9 = tpu.iota {dimensions = array<i32: 1>} : vector<128x128xi32>
    %gt3A = arith.cmpi sgt, %iota3A_8, %iota3A_9 : vector<128x128xi32>
    %convert_element_type3A_10 = arith.extui %gt3A : vector<128x128xi1> to vector<128x128xi32>
    %convert_element_type3A_11 = arith.sitofp %convert_element_type3A_10 : vector<128x128xi32> to vector<128x128xf32>
    %convert_element_type3A_12 = arith.truncf %convert_element_type3A_11 : vector<128x128xf32> to vector<128x128xbf16>
    %eq3A = arith.constant 0 : i32
    %eq3A_13 = vector.broadcast %eq3A : i32 to vector<128x128xi32>
    %eq3A_14 = arith.cmpi eq, %concatenate3A, %eq3A_13 : vector<128x128xi32>
    %convert_element_type3A_15 = arith.extui %eq3A_14 : vector<128x128xi1> to vector<128x128xi32>
    %convert_element_type3A_16 = arith.sitofp %convert_element_type3A_15 : vector<128x128xi32> to vector<128x128xf32>
    %convert_element_type3A_17 = arith.truncf %convert_element_type3A_16 : vector<128x128xf32> to vector<128x128xbf16>
    %dot_general3A = arith.constant dense<0.000000e+00> : vector<128x128xf32>
    %dot_general3A_18 = tpu.matmul %convert_element_type3A_17, %convert_element_type3A_7, %dot_general3A {dimension_numbers = #tpu.dot_dimension_numbers<[1], [0], [0], [1], [0, 0, 1, 1], [], []>, transpose_lhs_hint = false} : vector<128x128xbf16>, vector<128x128xbf16>, vector<128x128xf32> -> vector<128x128xf32>
    %slice3A = vector.extract_strided_slice %dot_general3A_18 {offsets = [0, 127], sizes = [128, 1], strides = [1, 1]} : vector<128x128xf32> to vector<128x1xf32>
    %dot_general3A_19 = arith.constant dense<0.000000e+00> : vector<128x1xf32>
    %dot_general3A_20 = tpu.matmul %convert_element_type3A_12, %slice3A, %dot_general3A_19 {dimension_numbers = #tpu.dot_dimension_numbers<[1], [0], [0], [1], [0, 0, 1, 1], [], []>, transpose_lhs_hint = false} : vector<128x128xbf16>, vector<128x1xf32>, vector<128x1xf32> -> vector<128x1xf32>
    %add3A = vector.broadcast %dot_general3A_20 : vector<128x1xf32> to vector<128x128xf32>
    %add3A_21 = arith.addf %dot_general3A_18, %add3A : vector<128x128xf32>
    %reduce_sum3A = vector.shape_cast %slice3A : vector<128x1xf32> to vector<1x128x1xf32>
    %reduce_sum3A_22 = arith.constant dense<0.000000e+00> : vector<1xf32>
    %reduce_sum3A_23 = vector.multi_reduction <add>, %reduce_sum3A, %reduce_sum3A_22 [1, 2] : vector<1x128x1xf32> to vector<1xf32>
    %reduce_sum3A_24 = vector.shape_cast %reduce_sum3A_23 : vector<1xf32> to vector<1x1x1xf32>
    %reduce_sum3A_25 = vector.extract %reduce_sum3A_24[0, 0, 0] : f32 from vector<1x1x1xf32>
    %eq3A_26 = arith.constant 1 : i32
    %eq3A_27 = vector.broadcast %eq3A_26 : i32 to vector<128x128xi32>
    %eq3A_28 = arith.cmpi eq, %concatenate3A, %eq3A_27 : vector<128x128xi32>
    %convert_element_type3A_29 = arith.extui %eq3A_28 : vector<128x128xi1> to vector<128x128xi32>
    %convert_element_type3A_30 = arith.sitofp %convert_element_type3A_29 : vector<128x128xi32> to vector<128x128xf32>
    %convert_element_type3A_31 = arith.truncf %convert_element_type3A_30 : vector<128x128xf32> to vector<128x128xbf16>
    %dot_general3A_32 = arith.constant dense<0.000000e+00> : vector<128x128xf32>
    %dot_general3A_33 = tpu.matmul %convert_element_type3A_31, %convert_element_type3A_7, %dot_general3A_32 {dimension_numbers = #tpu.dot_dimension_numbers<[1], [0], [0], [1], [0, 0, 1, 1], [], []>, transpose_lhs_hint = false} : vector<128x128xbf16>, vector<128x128xbf16>, vector<128x128xf32> -> vector<128x128xf32>
    %slice3A_34 = vector.extract_strided_slice %dot_general3A_33 {offsets = [0, 127], sizes = [128, 1], strides = [1, 1]} : vector<128x128xf32> to vector<128x1xf32>
    %dot_general3A_35 = arith.constant dense<0.000000e+00> : vector<128x1xf32>
    %dot_general3A_36 = tpu.matmul %convert_element_type3A_12, %slice3A_34, %dot_general3A_35 {dimension_numbers = #tpu.dot_dimension_numbers<[1], [0], [0], [1], [0, 0, 1, 1], [], []>, transpose_lhs_hint = false} : vector<128x128xbf16>, vector<128x1xf32>, vector<128x1xf32> -> vector<128x1xf32>
    %add3A_37 = vector.broadcast %dot_general3A_36 : vector<128x1xf32> to vector<128x128xf32>
    %add3A_38 = arith.addf %dot_general3A_33, %add3A_37 : vector<128x128xf32>
    %reduce_sum3A_39 = vector.shape_cast %slice3A_34 : vector<128x1xf32> to vector<1x128x1xf32>
    %reduce_sum3A_40 = arith.constant dense<0.000000e+00> : vector<1xf32>
    %reduce_sum3A_41 = vector.multi_reduction <add>, %reduce_sum3A_39, %reduce_sum3A_40 [1, 2] : vector<1x128x1xf32> to vector<1xf32>
    %reduce_sum3A_42 = vector.shape_cast %reduce_sum3A_41 : vector<1xf32> to vector<1x1x1xf32>
    %reduce_sum3A_43 = vector.extract %reduce_sum3A_42[0, 0, 0] : f32 from vector<1x1x1xf32>
    %eq3A_44 = arith.constant 2 : i32
    %eq3A_45 = vector.broadcast %eq3A_44 : i32 to vector<128x128xi32>
    %eq3A_46 = arith.cmpi eq, %concatenate3A, %eq3A_45 : vector<128x128xi32>
    %convert_element_type3A_47 = arith.extui %eq3A_46 : vector<128x128xi1> to vector<128x128xi32>
    %convert_element_type3A_48 = arith.sitofp %convert_element_type3A_47 : vector<128x128xi32> to vector<128x128xf32>
    %convert_element_type3A_49 = arith.truncf %convert_element_type3A_48 : vector<128x128xf32> to vector<128x128xbf16>
    %dot_general3A_50 = arith.constant dense<0.000000e+00> : vector<128x128xf32>
    %dot_general3A_51 = tpu.matmul %convert_element_type3A_49, %convert_element_type3A_7, %dot_general3A_50 {dimension_numbers = #tpu.dot_dimension_numbers<[1], [0], [0], [1], [0, 0, 1, 1], [], []>, transpose_lhs_hint = false} : vector<128x128xbf16>, vector<128x128xbf16>, vector<128x128xf32> -> vector<128x128xf32>
    %slice3A_52 = vector.extract_strided_slice %dot_general3A_51 {offsets = [0, 127], sizes = [128, 1], strides = [1, 1]} : vector<128x128xf32> to vector<128x1xf32>
    %dot_general3A_53 = arith.constant dense<0.000000e+00> : vector<128x1xf32>
    %dot_general3A_54 = tpu.matmul %convert_element_type3A_12, %slice3A_52, %dot_general3A_53 {dimension_numbers = #tpu.dot_dimension_numbers<[1], [0], [0], [1], [0, 0, 1, 1], [], []>, transpose_lhs_hint = false} : vector<128x128xbf16>, vector<128x1xf32>, vector<128x1xf32> -> vector<128x1xf32>
    %add3A_55 = vector.broadcast %dot_general3A_54 : vector<128x1xf32> to vector<128x128xf32>
    %add3A_56 = arith.addf %dot_general3A_51, %add3A_55 : vector<128x128xf32>
    %reduce_sum3A_57 = vector.shape_cast %slice3A_52 : vector<128x1xf32> to vector<1x128x1xf32>
    %reduce_sum3A_58 = arith.constant dense<0.000000e+00> : vector<1xf32>
    %reduce_sum3A_59 = vector.multi_reduction <add>, %reduce_sum3A_57, %reduce_sum3A_58 [1, 2] : vector<1x128x1xf32> to vector<1xf32>
    %reduce_sum3A_60 = vector.shape_cast %reduce_sum3A_59 : vector<1xf32> to vector<1x1x1xf32>
    %reduce_sum3A_61 = vector.extract %reduce_sum3A_60[0, 0, 0] : f32 from vector<1x1x1xf32>
    %eq3A_62 = arith.constant 3 : i32
    %eq3A_63 = vector.broadcast %eq3A_62 : i32 to vector<128x128xi32>
    %eq3A_64 = arith.cmpi eq, %concatenate3A, %eq3A_63 : vector<128x128xi32>
    %convert_element_type3A_65 = arith.extui %eq3A_64 : vector<128x128xi1> to vector<128x128xi32>
    %convert_element_type3A_66 = arith.sitofp %convert_element_type3A_65 : vector<128x128xi32> to vector<128x128xf32>
    %convert_element_type3A_67 = arith.truncf %convert_element_type3A_66 : vector<128x128xf32> to vector<128x128xbf16>
    %dot_general3A_68 = arith.constant dense<0.000000e+00> : vector<128x128xf32>
    %dot_general3A_69 = tpu.matmul %convert_element_type3A_67, %convert_element_type3A_7, %dot_general3A_68 {dimension_numbers = #tpu.dot_dimension_numbers<[1], [0], [0], [1], [0, 0, 1, 1], [], []>, transpose_lhs_hint = false} : vector<128x128xbf16>, vector<128x128xbf16>, vector<128x128xf32> -> vector<128x128xf32>
    %slice3A_70 = vector.extract_strided_slice %dot_general3A_69 {offsets = [0, 127], sizes = [128, 1], strides = [1, 1]} : vector<128x128xf32> to vector<128x1xf32>
    %dot_general3A_71 = arith.constant dense<0.000000e+00> : vector<128x1xf32>
    %dot_general3A_72 = tpu.matmul %convert_element_type3A_12, %slice3A_70, %dot_general3A_71 {dimension_numbers = #tpu.dot_dimension_numbers<[1], [0], [0], [1], [0, 0, 1, 1], [], []>, transpose_lhs_hint = false} : vector<128x128xbf16>, vector<128x1xf32>, vector<128x1xf32> -> vector<128x1xf32>
    %add3A_73 = vector.broadcast %dot_general3A_72 : vector<128x1xf32> to vector<128x128xf32>
    %add3A_74 = arith.addf %dot_general3A_69, %add3A_73 : vector<128x128xf32>
    %reduce_sum3A_75 = vector.shape_cast %slice3A_70 : vector<128x1xf32> to vector<1x128x1xf32>
    %reduce_sum3A_76 = arith.constant dense<0.000000e+00> : vector<1xf32>
    %reduce_sum3A_77 = vector.multi_reduction <add>, %reduce_sum3A_75, %reduce_sum3A_76 [1, 2] : vector<1x128x1xf32> to vector<1xf32>
    %reduce_sum3A_78 = vector.shape_cast %reduce_sum3A_77 : vector<1xf32> to vector<1x1x1xf32>
    %reduce_sum3A_79 = vector.extract %reduce_sum3A_78[0, 0, 0] : f32 from vector<1x1x1xf32>
    %eq3A_80 = arith.constant 4 : i32
    %eq3A_81 = vector.broadcast %eq3A_80 : i32 to vector<128x128xi32>
    %eq3A_82 = arith.cmpi eq, %concatenate3A, %eq3A_81 : vector<128x128xi32>
    %convert_element_type3A_83 = arith.extui %eq3A_82 : vector<128x128xi1> to vector<128x128xi32>
    %convert_element_type3A_84 = arith.sitofp %convert_element_type3A_83 : vector<128x128xi32> to vector<128x128xf32>
    %convert_element_type3A_85 = arith.truncf %convert_element_type3A_84 : vector<128x128xf32> to vector<128x128xbf16>
    %dot_general3A_86 = arith.constant dense<0.000000e+00> : vector<128x128xf32>
    %dot_general3A_87 = tpu.matmul %convert_element_type3A_85, %convert_element_type3A_7, %dot_general3A_86 {dimension_numbers = #tpu.dot_dimension_numbers<[1], [0], [0], [1], [0, 0, 1, 1], [], []>, transpose_lhs_hint = false} : vector<128x128xbf16>, vector<128x128xbf16>, vector<128x128xf32> -> vector<128x128xf32>
    %slice3A_88 = vector.extract_strided_slice %dot_general3A_87 {offsets = [0, 127], sizes = [128, 1], strides = [1, 1]} : vector<128x128xf32> to vector<128x1xf32>
    %dot_general3A_89 = arith.constant dense<0.000000e+00> : vector<128x1xf32>
    %dot_general3A_90 = tpu.matmul %convert_element_type3A_12, %slice3A_88, %dot_general3A_89 {dimension_numbers = #tpu.dot_dimension_numbers<[1], [0], [0], [1], [0, 0, 1, 1], [], []>, transpose_lhs_hint = false} : vector<128x128xbf16>, vector<128x1xf32>, vector<128x1xf32> -> vector<128x1xf32>
    %add3A_91 = vector.broadcast %dot_general3A_90 : vector<128x1xf32> to vector<128x128xf32>
    %add3A_92 = arith.addf %dot_general3A_87, %add3A_91 : vector<128x128xf32>
    %reduce_sum3A_93 = vector.shape_cast %slice3A_88 : vector<128x1xf32> to vector<1x128x1xf32>
    %reduce_sum3A_94 = arith.constant dense<0.000000e+00> : vector<1xf32>
    %reduce_sum3A_95 = vector.multi_reduction <add>, %reduce_sum3A_93, %reduce_sum3A_94 [1, 2] : vector<1x128x1xf32> to vector<1xf32>
    %reduce_sum3A_96 = vector.shape_cast %reduce_sum3A_95 : vector<1xf32> to vector<1x1x1xf32>
    %reduce_sum3A_97 = vector.extract %reduce_sum3A_96[0, 0, 0] : f32 from vector<1x1x1xf32>
    %eq3A_98 = arith.constant 5 : i32
    %eq3A_99 = vector.broadcast %eq3A_98 : i32 to vector<128x128xi32>
    %eq3A_100 = arith.cmpi eq, %concatenate3A, %eq3A_99 : vector<128x128xi32>
    %convert_element_type3A_101 = arith.extui %eq3A_100 : vector<128x128xi1> to vector<128x128xi32>
    %convert_element_type3A_102 = arith.sitofp %convert_element_type3A_101 : vector<128x128xi32> to vector<128x128xf32>
    %convert_element_type3A_103 = arith.truncf %convert_element_type3A_102 : vector<128x128xf32> to vector<128x128xbf16>
    %dot_general3A_104 = arith.constant dense<0.000000e+00> : vector<128x128xf32>
    %dot_general3A_105 = tpu.matmul %convert_element_type3A_103, %convert_element_type3A_7, %dot_general3A_104 {dimension_numbers = #tpu.dot_dimension_numbers<[1], [0], [0], [1], [0, 0, 1, 1], [], []>, transpose_lhs_hint = false} : vector<128x128xbf16>, vector<128x128xbf16>, vector<128x128xf32> -> vector<128x128xf32>
    %slice3A_106 = vector.extract_strided_slice %dot_general3A_105 {offsets = [0, 127], sizes = [128, 1], strides = [1, 1]} : vector<128x128xf32> to vector<128x1xf32>
    %dot_general3A_107 = arith.constant dense<0.000000e+00> : vector<128x1xf32>
    %dot_general3A_108 = tpu.matmul %convert_element_type3A_12, %slice3A_106, %dot_general3A_107 {dimension_numbers = #tpu.dot_dimension_numbers<[1], [0], [0], [1], [0, 0, 1, 1], [], []>, transpose_lhs_hint = false} : vector<128x128xbf16>, vector<128x1xf32>, vector<128x1xf32> -> vector<128x1xf32>
    %add3A_109 = vector.broadcast %dot_general3A_108 : vector<128x1xf32> to vector<128x128xf32>
    %add3A_110 = arith.addf %dot_general3A_105, %add3A_109 : vector<128x128xf32>
    %reduce_sum3A_111 = vector.shape_cast %slice3A_106 : vector<128x1xf32> to vector<1x128x1xf32>
    %reduce_sum3A_112 = arith.constant dense<0.000000e+00> : vector<1xf32>
    %reduce_sum3A_113 = vector.multi_reduction <add>, %reduce_sum3A_111, %reduce_sum3A_112 [1, 2] : vector<1x128x1xf32> to vector<1xf32>
    %reduce_sum3A_114 = vector.shape_cast %reduce_sum3A_113 : vector<1xf32> to vector<1x1x1xf32>
    %reduce_sum3A_115 = vector.extract %reduce_sum3A_114[0, 0, 0] : f32 from vector<1x1x1xf32>
    %eq3A_116 = arith.constant 6 : i32
    %eq3A_117 = vector.broadcast %eq3A_116 : i32 to vector<128x128xi32>
    %eq3A_118 = arith.cmpi eq, %concatenate3A, %eq3A_117 : vector<128x128xi32>
    %convert_element_type3A_119 = arith.extui %eq3A_118 : vector<128x128xi1> to vector<128x128xi32>
    %convert_element_type3A_120 = arith.sitofp %convert_element_type3A_119 : vector<128x128xi32> to vector<128x128xf32>
    %convert_element_type3A_121 = arith.truncf %convert_element_type3A_120 : vector<128x128xf32> to vector<128x128xbf16>
    %dot_general3A_122 = arith.constant dense<0.000000e+00> : vector<128x128xf32>
    %dot_general3A_123 = tpu.matmul %convert_element_type3A_121, %convert_element_type3A_7, %dot_general3A_122 {dimension_numbers = #tpu.dot_dimension_numbers<[1], [0], [0], [1], [0, 0, 1, 1], [], []>, transpose_lhs_hint = false} : vector<128x128xbf16>, vector<128x128xbf16>, vector<128x128xf32> -> vector<128x128xf32>
    %slice3A_124 = vector.extract_strided_slice %dot_general3A_123 {offsets = [0, 127], sizes = [128, 1], strides = [1, 1]} : vector<128x128xf32> to vector<128x1xf32>
    %dot_general3A_125 = arith.constant dense<0.000000e+00> : vector<128x1xf32>
    %dot_general3A_126 = tpu.matmul %convert_element_type3A_12, %slice3A_124, %dot_general3A_125 {dimension_numbers = #tpu.dot_dimension_numbers<[1], [0], [0], [1], [0, 0, 1, 1], [], []>, transpose_lhs_hint = false} : vector<128x128xbf16>, vector<128x1xf32>, vector<128x1xf32> -> vector<128x1xf32>
    %add3A_127 = vector.broadcast %dot_general3A_126 : vector<128x1xf32> to vector<128x128xf32>
    %add3A_128 = arith.addf %dot_general3A_123, %add3A_127 : vector<128x128xf32>
    %reduce_sum3A_129 = vector.shape_cast %slice3A_124 : vector<128x1xf32> to vector<1x128x1xf32>
    %reduce_sum3A_130 = arith.constant dense<0.000000e+00> : vector<1xf32>
    %reduce_sum3A_131 = vector.multi_reduction <add>, %reduce_sum3A_129, %reduce_sum3A_130 [1, 2] : vector<1x128x1xf32> to vector<1xf32>
    %reduce_sum3A_132 = vector.shape_cast %reduce_sum3A_131 : vector<1xf32> to vector<1x1x1xf32>
    %reduce_sum3A_133 = vector.extract %reduce_sum3A_132[0, 0, 0] : f32 from vector<1x1x1xf32>
    %eq3A_134 = arith.constant 7 : i32
    %eq3A_135 = vector.broadcast %eq3A_134 : i32 to vector<128x128xi32>
    %eq3A_136 = arith.cmpi eq, %concatenate3A, %eq3A_135 : vector<128x128xi32>
    %convert_element_type3A_137 = arith.extui %eq3A_136 : vector<128x128xi1> to vector<128x128xi32>
    %convert_element_type3A_138 = arith.sitofp %convert_element_type3A_137 : vector<128x128xi32> to vector<128x128xf32>
    %convert_element_type3A_139 = arith.truncf %convert_element_type3A_138 : vector<128x128xf32> to vector<128x128xbf16>
    %dot_general3A_140 = arith.constant dense<0.000000e+00> : vector<128x128xf32>
    %dot_general3A_141 = tpu.matmul %convert_element_type3A_139, %convert_element_type3A_7, %dot_general3A_140 {dimension_numbers = #tpu.dot_dimension_numbers<[1], [0], [0], [1], [0, 0, 1, 1], [], []>, transpose_lhs_hint = false} : vector<128x128xbf16>, vector<128x128xbf16>, vector<128x128xf32> -> vector<128x128xf32>
    %slice3A_142 = vector.extract_strided_slice %dot_general3A_141 {offsets = [0, 127], sizes = [128, 1], strides = [1, 1]} : vector<128x128xf32> to vector<128x1xf32>
    %dot_general3A_143 = arith.constant dense<0.000000e+00> : vector<128x1xf32>
    %dot_general3A_144 = tpu.matmul %convert_element_type3A_12, %slice3A_142, %dot_general3A_143 {dimension_numbers = #tpu.dot_dimension_numbers<[1], [0], [0], [1], [0, 0, 1, 1], [], []>, transpose_lhs_hint = false} : vector<128x128xbf16>, vector<128x1xf32>, vector<128x1xf32> -> vector<128x1xf32>
    %add3A_145 = vector.broadcast %dot_general3A_144 : vector<128x1xf32> to vector<128x128xf32>
    %add3A_146 = arith.addf %dot_general3A_141, %add3A_145 : vector<128x128xf32>
    %broadcast_in_dim3A = arith.constant 0.000000e+00 : f32
    %broadcast_in_dim3A_147 = vector.broadcast %broadcast_in_dim3A : f32 to vector<128x128xf32>
    %div3A = arith.constant 5.120000e+02 : f32
    %div3A_148 = arith.divf %reduce_sum3A_25, %div3A : f32
    %ceil3A = math.ceil %div3A_148 : f32
    %mul3A = arith.constant 5.120000e+02 : f32
    %mul3A_149 = arith.mulf %ceil3A, %mul3A : f32
    %eq3A_150 = arith.constant 0 : i32
    %eq3A_151 = vector.broadcast %eq3A_150 : i32 to vector<128x128xi32>
    %eq3A_152 = arith.cmpi eq, %concatenate3A, %eq3A_151 : vector<128x128xi32>
    %convert_element_type3A_153 = arith.extui %eq3A_152 : vector<128x128xi1> to vector<128x128xi32>
    %convert_element_type3A_154 = arith.sitofp %convert_element_type3A_153 : vector<128x128xi32> to vector<128x128xf32>
    %sub3A = arith.constant 0.000000e+00 : f32
    %sub3A_155 = arith.constant 1.000000e+00 : f32
    %sub3A_156 = arith.subf %sub3A, %sub3A_155 : f32
    %add3A_157 = vector.broadcast %sub3A_156 : f32 to vector<128x128xf32>
    %add3A_158 = arith.addf %add3A_157, %add3A_21 : vector<128x128xf32>
    %mul3A_159 = arith.mulf %convert_element_type3A_154, %add3A_158 : vector<128x128xf32>
    %add3A_160 = arith.addf %broadcast_in_dim3A_147, %mul3A_159 : vector<128x128xf32>
    %add3A_161 = arith.constant 0.000000e+00 : f32
    %add3A_162 = arith.addf %add3A_161, %mul3A_149 : f32
    %div3A_163 = arith.constant 5.120000e+02 : f32
    %div3A_164 = arith.divf %reduce_sum3A_43, %div3A_163 : f32
    %ceil3A_165 = math.ceil %div3A_164 : f32
    %mul3A_166 = arith.constant 5.120000e+02 : f32
    %mul3A_167 = arith.mulf %ceil3A_165, %mul3A_166 : f32
    %eq3A_168 = arith.constant 1 : i32
    %eq3A_169 = vector.broadcast %eq3A_168 : i32 to vector<128x128xi32>
    %eq3A_170 = arith.cmpi eq, %concatenate3A, %eq3A_169 : vector<128x128xi32>
    %convert_element_type3A_171 = arith.extui %eq3A_170 : vector<128x128xi1> to vector<128x128xi32>
    %convert_element_type3A_172 = arith.sitofp %convert_element_type3A_171 : vector<128x128xi32> to vector<128x128xf32>
    %sub3A_173 = arith.constant 1.000000e+00 : f32
    %sub3A_174 = arith.subf %add3A_162, %sub3A_173 : f32
    %add3A_175 = vector.broadcast %sub3A_174 : f32 to vector<128x128xf32>
    %add3A_176 = arith.addf %add3A_175, %add3A_38 : vector<128x128xf32>
    %mul3A_177 = arith.mulf %convert_element_type3A_172, %add3A_176 : vector<128x128xf32>
    %add3A_178 = arith.addf %add3A_160, %mul3A_177 : vector<128x128xf32>
    %add3A_179 = arith.addf %add3A_162, %mul3A_167 : f32
    %div3A_180 = arith.constant 5.120000e+02 : f32
    %div3A_181 = arith.divf %reduce_sum3A_61, %div3A_180 : f32
    %ceil3A_182 = math.ceil %div3A_181 : f32
    %mul3A_183 = arith.constant 5.120000e+02 : f32
    %mul3A_184 = arith.mulf %ceil3A_182, %mul3A_183 : f32
    %eq3A_185 = arith.constant 2 : i32
    %eq3A_186 = vector.broadcast %eq3A_185 : i32 to vector<128x128xi32>
    %eq3A_187 = arith.cmpi eq, %concatenate3A, %eq3A_186 : vector<128x128xi32>
    %convert_element_type3A_188 = arith.extui %eq3A_187 : vector<128x128xi1> to vector<128x128xi32>
    %convert_element_type3A_189 = arith.sitofp %convert_element_type3A_188 : vector<128x128xi32> to vector<128x128xf32>
    %sub3A_190 = arith.constant 1.000000e+00 : f32
    %sub3A_191 = arith.subf %add3A_179, %sub3A_190 : f32
    %add3A_192 = vector.broadcast %sub3A_191 : f32 to vector<128x128xf32>
    %add3A_193 = arith.addf %add3A_192, %add3A_56 : vector<128x128xf32>
    %mul3A_194 = arith.mulf %convert_element_type3A_189, %add3A_193 : vector<128x128xf32>
    %add3A_195 = arith.addf %add3A_178, %mul3A_194 : vector<128x128xf32>
    %add3A_196 = arith.addf %add3A_179, %mul3A_184 : f32
    %div3A_197 = arith.constant 5.120000e+02 : f32
    %div3A_198 = arith.divf %reduce_sum3A_79, %div3A_197 : f32
    %ceil3A_199 = math.ceil %div3A_198 : f32
    %mul3A_200 = arith.constant 5.120000e+02 : f32
    %mul3A_201 = arith.mulf %ceil3A_199, %mul3A_200 : f32
    %eq3A_202 = arith.constant 3 : i32
    %eq3A_203 = vector.broadcast %eq3A_202 : i32 to vector<128x128xi32>
    %eq3A_204 = arith.cmpi eq, %concatenate3A, %eq3A_203 : vector<128x128xi32>
    %convert_element_type3A_205 = arith.extui %eq3A_204 : vector<128x128xi1> to vector<128x128xi32>
    %convert_element_type3A_206 = arith.sitofp %convert_element_type3A_205 : vector<128x128xi32> to vector<128x128xf32>
    %sub3A_207 = arith.constant 1.000000e+00 : f32
    %sub3A_208 = arith.subf %add3A_196, %sub3A_207 : f32
    %add3A_209 = vector.broadcast %sub3A_208 : f32 to vector<128x128xf32>
    %add3A_210 = arith.addf %add3A_209, %add3A_74 : vector<128x128xf32>
    %mul3A_211 = arith.mulf %convert_element_type3A_206, %add3A_210 : vector<128x128xf32>
    %add3A_212 = arith.addf %add3A_195, %mul3A_211 : vector<128x128xf32>
    %add3A_213 = arith.addf %add3A_196, %mul3A_201 : f32
    %div3A_214 = arith.constant 5.120000e+02 : f32
    %div3A_215 = arith.divf %reduce_sum3A_97, %div3A_214 : f32
    %ceil3A_216 = math.ceil %div3A_215 : f32
    %mul3A_217 = arith.constant 5.120000e+02 : f32
    %mul3A_218 = arith.mulf %ceil3A_216, %mul3A_217 : f32
    %eq3A_219 = arith.constant 4 : i32
    %eq3A_220 = vector.broadcast %eq3A_219 : i32 to vector<128x128xi32>
    %eq3A_221 = arith.cmpi eq, %concatenate3A, %eq3A_220 : vector<128x128xi32>
    %convert_element_type3A_222 = arith.extui %eq3A_221 : vector<128x128xi1> to vector<128x128xi32>
    %convert_element_type3A_223 = arith.sitofp %convert_element_type3A_222 : vector<128x128xi32> to vector<128x128xf32>
    %sub3A_224 = arith.constant 1.000000e+00 : f32
    %sub3A_225 = arith.subf %add3A_213, %sub3A_224 : f32
    %add3A_226 = vector.broadcast %sub3A_225 : f32 to vector<128x128xf32>
    %add3A_227 = arith.addf %add3A_226, %add3A_92 : vector<128x128xf32>
    %mul3A_228 = arith.mulf %convert_element_type3A_223, %add3A_227 : vector<128x128xf32>
    %add3A_229 = arith.addf %add3A_212, %mul3A_228 : vector<128x128xf32>
    %add3A_230 = arith.addf %add3A_213, %mul3A_218 : f32
    %div3A_231 = arith.constant 5.120000e+02 : f32
    %div3A_232 = arith.divf %reduce_sum3A_115, %div3A_231 : f32
    %ceil3A_233 = math.ceil %div3A_232 : f32
    %mul3A_234 = arith.constant 5.120000e+02 : f32
    %mul3A_235 = arith.mulf %ceil3A_233, %mul3A_234 : f32
    %eq3A_236 = arith.constant 5 : i32
    %eq3A_237 = vector.broadcast %eq3A_236 : i32 to vector<128x128xi32>
    %eq3A_238 = arith.cmpi eq, %concatenate3A, %eq3A_237 : vector<128x128xi32>
    %convert_element_type3A_239 = arith.extui %eq3A_238 : vector<128x128xi1> to vector<128x128xi32>
    %convert_element_type3A_240 = arith.sitofp %convert_element_type3A_239 : vector<128x128xi32> to vector<128x128xf32>
    %sub3A_241 = arith.constant 1.000000e+00 : f32
    %sub3A_242 = arith.subf %add3A_230, %sub3A_241 : f32
    %add3A_243 = vector.broadcast %sub3A_242 : f32 to vector<128x128xf32>
    %add3A_244 = arith.addf %add3A_243, %add3A_110 : vector<128x128xf32>
    %mul3A_245 = arith.mulf %convert_element_type3A_240, %add3A_244 : vector<128x128xf32>
    %add3A_246 = arith.addf %add3A_229, %mul3A_245 : vector<128x128xf32>
    %add3A_247 = arith.addf %add3A_230, %mul3A_235 : f32
    %div3A_248 = arith.constant 5.120000e+02 : f32
    %div3A_249 = arith.divf %reduce_sum3A_133, %div3A_248 : f32
    %ceil3A_250 = math.ceil %div3A_249 : f32
    %mul3A_251 = arith.constant 5.120000e+02 : f32
    %mul3A_252 = arith.mulf %ceil3A_250, %mul3A_251 : f32
    %eq3A_253 = arith.constant 6 : i32
    %eq3A_254 = vector.broadcast %eq3A_253 : i32 to vector<128x128xi32>
    %eq3A_255 = arith.cmpi eq, %concatenate3A, %eq3A_254 : vector<128x128xi32>
    %convert_element_type3A_256 = arith.extui %eq3A_255 : vector<128x128xi1> to vector<128x128xi32>
    %convert_element_type3A_257 = arith.sitofp %convert_element_type3A_256 : vector<128x128xi32> to vector<128x128xf32>
    %sub3A_258 = arith.constant 1.000000e+00 : f32
    %sub3A_259 = arith.subf %add3A_247, %sub3A_258 : f32
    %add3A_260 = vector.broadcast %sub3A_259 : f32 to vector<128x128xf32>
    %add3A_261 = arith.addf %add3A_260, %add3A_128 : vector<128x128xf32>
    %mul3A_262 = arith.mulf %convert_element_type3A_257, %add3A_261 : vector<128x128xf32>
    %add3A_263 = arith.addf %add3A_246, %mul3A_262 : vector<128x128xf32>
    %add3A_264 = arith.addf %add3A_247, %mul3A_252 : f32
    %eq3A_265 = arith.constant 7 : i32
    %eq3A_266 = vector.broadcast %eq3A_265 : i32 to vector<128x128xi32>
    %eq3A_267 = arith.cmpi eq, %concatenate3A, %eq3A_266 : vector<128x128xi32>
    %convert_element_type3A_268 = arith.extui %eq3A_267 : vector<128x128xi1> to vector<128x128xi32>
    %convert_element_type3A_269 = arith.sitofp %convert_element_type3A_268 : vector<128x128xi32> to vector<128x128xf32>
    %sub3A_270 = arith.constant 1.000000e+00 : f32
    %sub3A_271 = arith.subf %add3A_264, %sub3A_270 : f32
    %add3A_272 = vector.broadcast %sub3A_271 : f32 to vector<128x128xf32>
    %add3A_273 = arith.addf %add3A_272, %add3A_146 : vector<128x128xf32>
    %mul3A_274 = arith.mulf %convert_element_type3A_269, %add3A_273 : vector<128x128xf32>
    %add3A_275 = arith.addf %add3A_263, %mul3A_274 : vector<128x128xf32>
    %convert_element_type3A_276 = arith.fptosi %add3A_275 : vector<128x128xf32> to vector<128x128xi32>
    %slice3A_277 = vector.extract_strided_slice %convert_element_type3A_276 {offsets = [0, 0], sizes = [64, 128], strides = [1, 1]} : vector<128x128xi32> to vector<64x128xi32>
    %swap3A = arith.constant 0 : index
    %swap3A_278 = arith.constant 0 : index
    %swap3A_279 = vector.load %arg3[%swap3A, %swap3A_278] : memref<64x128xi32, #tpu.memory_space<vmem>>, vector<64x128xi32>
    tpu.vector_store %arg3[%swap3A, %swap3A_278], %slice3A_277 {strides = array<i32>} : memref<64x128xi32, #tpu.memory_space<vmem>>, vector<64x128xi32>,
    %slice3A_280 = vector.extract_strided_slice %convert_element_type3A_276 {offsets = [64, 0], sizes = [64, 128], strides = [1, 1]} : vector<128x128xi32> to vector<64x128xi32>
    %swap3A_281 = arith.constant 0 : index
    %swap3A_282 = arith.constant 0 : index
    %swap3A_283 = vector.load %arg4[%swap3A_281, %swap3A_282] : memref<64x128xi32, #tpu.memory_space<vmem>>, vector<64x128xi32>
    tpu.vector_store %arg4[%swap3A_281, %swap3A_282], %slice3A_280 {strides = array<i32>} : memref<64x128xi32, #tpu.memory_space<vmem>>, vector<64x128xi32>,
    %iota3A_284 = tpu.iota {dimensions = array<i32: 1>} : vector<1x40xi32>
    %mul3A_285 = arith.constant 512 : i32
    %mul3A_286 = vector.broadcast %mul3A_285 : i32 to vector<1x40xi32>
    %mul3A_287 = arith.muli %iota3A_284, %mul3A_286 : vector<1x40xi32>
    %convert_element_type3A_288 = arith.sitofp %mul3A_287 : vector<1x40xi32> to vector<1x40xf32>
    %broadcast_in_dim3A_289 = arith.constant 0.000000e+00 : f32
    %broadcast_in_dim3A_290 = vector.broadcast %broadcast_in_dim3A_289 : f32 to vector<1x40xf32>
    %ge3A = vector.broadcast %add3A_162 : f32 to vector<1x40xf32>
    %ge3A_291 = arith.cmpf oge, %convert_element_type3A_288, %ge3A : vector<1x40xf32>
    %convert_element_type3A_292 = arith.extui %ge3A_291 : vector<1x40xi1> to vector<1x40xi32>
    %convert_element_type3A_293 = arith.sitofp %convert_element_type3A_292 : vector<1x40xi32> to vector<1x40xf32>
    %add3A_294 = arith.addf %broadcast_in_dim3A_290, %convert_element_type3A_293 : vector<1x40xf32>
    %ge3A_295 = vector.broadcast %add3A_179 : f32 to vector<1x40xf32>
    %ge3A_296 = arith.cmpf oge, %convert_element_type3A_288, %ge3A_295 : vector<1x40xf32>
    %convert_element_type3A_297 = arith.extui %ge3A_296 : vector<1x40xi1> to vector<1x40xi32>
    %convert_element_type3A_298 = arith.sitofp %convert_element_type3A_297 : vector<1x40xi32> to vector<1x40xf32>
    %add3A_299 = arith.addf %add3A_294, %convert_element_type3A_298 : vector<1x40xf32>
    %ge3A_300 = vector.broadcast %add3A_196 : f32 to vector<1x40xf32>
    %ge3A_301 = arith.cmpf oge, %convert_element_type3A_288, %ge3A_300 : vector<1x40xf32>
    %convert_element_type3A_302 = arith.extui %ge3A_301 : vector<1x40xi1> to vector<1x40xi32>
    %convert_element_type3A_303 = arith.sitofp %convert_element_type3A_302 : vector<1x40xi32> to vector<1x40xf32>
    %add3A_304 = arith.addf %add3A_299, %convert_element_type3A_303 : vector<1x40xf32>
    %ge3A_305 = vector.broadcast %add3A_213 : f32 to vector<1x40xf32>
    %ge3A_306 = arith.cmpf oge, %convert_element_type3A_288, %ge3A_305 : vector<1x40xf32>
    %convert_element_type3A_307 = arith.extui %ge3A_306 : vector<1x40xi1> to vector<1x40xi32>
    %convert_element_type3A_308 = arith.sitofp %convert_element_type3A_307 : vector<1x40xi32> to vector<1x40xf32>
    %add3A_309 = arith.addf %add3A_304, %convert_element_type3A_308 : vector<1x40xf32>
    %ge3A_310 = vector.broadcast %add3A_230 : f32 to vector<1x40xf32>
    %ge3A_311 = arith.cmpf oge, %convert_element_type3A_288, %ge3A_310 : vector<1x40xf32>
    %convert_element_type3A_312 = arith.extui %ge3A_311 : vector<1x40xi1> to vector<1x40xi32>
    %convert_element_type3A_313 = arith.sitofp %convert_element_type3A_312 : vector<1x40xi32> to vector<1x40xf32>
    %add3A_314 = arith.addf %add3A_309, %convert_element_type3A_313 : vector<1x40xf32>
    %ge3A_315 = vector.broadcast %add3A_247 : f32 to vector<1x40xf32>
    %ge3A_316 = arith.cmpf oge, %convert_element_type3A_288, %ge3A_315 : vector<1x40xf32>
    %convert_element_type3A_317 = arith.extui %ge3A_316 : vector<1x40xi1> to vector<1x40xi32>
    %convert_element_type3A_318 = arith.sitofp %convert_element_type3A_317 : vector<1x40xi32> to vector<1x40xf32>
    %add3A_319 = arith.addf %add3A_314, %convert_element_type3A_318 : vector<1x40xf32>
    %ge3A_320 = vector.broadcast %add3A_264 : f32 to vector<1x40xf32>
    %ge3A_321 = arith.cmpf oge, %convert_element_type3A_288, %ge3A_320 : vector<1x40xf32>
    %convert_element_type3A_322 = arith.extui %ge3A_321 : vector<1x40xi1> to vector<1x40xi32>
    %convert_element_type3A_323 = arith.sitofp %convert_element_type3A_322 : vector<1x40xi32> to vector<1x40xf32>
    %add3A_324 = arith.addf %add3A_319, %convert_element_type3A_323 : vector<1x40xf32>
    %convert_element_type3A_325 = arith.fptosi %add3A_324 : vector<1x40xf32> to vector<1x40xi32>
    %swap3A_326 = arith.constant 0 : index
    %swap3A_327 = arith.constant 0 : index
    %swap3A_328 = vector.load %arg5[%swap3A_326, %swap3A_327] : memref<1x40xi32, #tpu.memory_space<vmem>>, vector<1x40xi32>
    tpu.vector_store %arg5[%swap3A_326, %swap3A_327], %convert_element_type3A_325 {strides = array<i32>} : memref<1x40xi32, #tpu.memory_space<vmem>>, vector<1x40xi32>,
    return
  }
  func.func @transform_0(%arg0: i32) -> (i32, i32) {
    %c0_i32 = arith.constant 0 : i32
    %c0_i32_0 = arith.constant 0 : i32
    %c0_i32_1 = arith.constant 0 : i32
    return %c0_i32, %c0_i32_0 : i32, i32
  }
  func.func @transform_1(%arg0: i32) -> (i32, i32) {
    %c0_i32 = arith.constant 0 : i32
    %c0_i32_0 = arith.constant 0 : i32
    %c0_i32_1 = arith.constant 0 : i32
    return %c0_i32, %c0_i32_0 : i32, i32
  }
  func.func @transform_2(%arg0: i32) -> (i32, i32) {
    %c0_i32 = arith.constant 0 : i32
    %c0_i32_0 = arith.constant 0 : i32
    %c0_i32_1 = arith.constant 0 : i32
    return %c0_i32, %c0_i32_0 : i32, i32
  }
  func.func @transform_3(%arg0: i32) -> (i32, i32) {
    %c0_i32 = arith.constant 0 : i32
    %c0_i32_0 = arith.constant 0 : i32
    %c0_i32_1 = arith.constant 0 : i32
    return %c0_i32, %c0_i32_0 : i32, i32
  }
  func.func @transform_4(%arg0: i32) -> (i32, i32) {
    %c0_i32 = arith.constant 0 : i32
    %c0_i32_0 = arith.constant 0 : i32
    %c0_i32_1 = arith.constant 0 : i32
    return %c0_i32, %c0_i32_0 : i32, i32
  }
}

module attributes {stable_mosaic.version = 14 : i64} {
  func.func @_router_body(%arg0: i32, %arg1: memref<512x768xf32, #tpu.memory_space<vmem>>, %arg2: memref<768xf32, #tpu.memory_space<vmem>>, %arg3: memref<768xf32, #tpu.memory_space<vmem>>, %arg4: memref<768xf32, #tpu.memory_space<vmem>>, %arg5: memref<768xf32, #tpu.memory_space<vmem>>, %arg6: memref<768x8xf32, #tpu.memory_space<vmem>>, %arg7: memref<8xf32, #tpu.memory_space<vmem>>, %arg8: memref<512x384xi32, #tpu.memory_space<vmem>>, %arg9: memref<512x1xi32, #tpu.memory_space<vmem>>, %arg10: memref<512x1xi32, #tpu.memory_space<vmem>>, %arg11: memref<512x1xf32, #tpu.memory_space<vmem>>, %arg12: memref<512x1xf32, #tpu.memory_space<vmem>>) attributes {dimension_semantics = [#tpu.dimension_semantics<arbitrary>], iteration_bounds = array<i64: 16>, scalar_prefetch = 0 : i64, scratch_operands = 0 : i64, tpu.core_type = #tpu.core_type<tc>, window_params = [{transform_indices = @transform_0, window_bounds = array<i64: 512, 768>}, {pipeline_mode = #tpu.pipeline_mode<synchronous>, transform_indices = @transform_1, window_bounds = array<i64: 768>}, {pipeline_mode = #tpu.pipeline_mode<synchronous>, transform_indices = @transform_2, window_bounds = array<i64: 768>}, {pipeline_mode = #tpu.pipeline_mode<synchronous>, transform_indices = @transform_3, window_bounds = array<i64: 768>}, {pipeline_mode = #tpu.pipeline_mode<synchronous>, transform_indices = @transform_4, window_bounds = array<i64: 768>}, {pipeline_mode = #tpu.pipeline_mode<synchronous>, transform_indices = @transform_5, window_bounds = array<i64: 768, 8>}, {pipeline_mode = #tpu.pipeline_mode<synchronous>, transform_indices = @transform_6, window_bounds = array<i64: 8>}, {transform_indices = @transform_7, window_bounds = array<i64: 512, 384>}, {transform_indices = @transform_8, window_bounds = array<i64: 512, 1>}, {transform_indices = @transform_9, window_bounds = array<i64: 512, 1>}, {transform_indices = @transform_10, window_bounds = array<i64: 512, 1>}, {transform_indices = @transform_11, window_bounds = array<i64: 512, 1>}]} {
    %get3A = arith.constant 0 : index
    %get3A_0 = arith.constant 0 : index
    %get3A_1 = vector.load %arg1[%get3A, %get3A_0] : memref<512x768xf32, #tpu.memory_space<vmem>>, vector<512x768xf32>
    %reduce_sum3A = arith.constant dense<0.000000e+00> : vector<512xf32>
    %reduce_sum3A_2 = vector.multi_reduction <add>, %get3A_1, %reduce_sum3A [1] : vector<512x768xf32> to vector<512xf32>
    %broadcast_in_dim3A = vector.shape_cast %reduce_sum3A_2 : vector<512xf32> to vector<512x1xf32>
    %div3A = arith.constant 7.680000e+02 : f32
    %div3A_3 = vector.broadcast %div3A : f32 to vector<512x1xf32>
    %div3A_4 = arith.divf %broadcast_in_dim3A, %div3A_3 : vector<512x1xf32>
    %sub3A = vector.broadcast %div3A_4 : vector<512x1xf32> to vector<512x768xf32>
    %sub3A_5 = arith.subf %get3A_1, %sub3A : vector<512x768xf32>
    %mul3A = arith.mulf %sub3A_5, %sub3A_5 : vector<512x768xf32>
    %reduce_sum3A_6 = arith.constant dense<0.000000e+00> : vector<512xf32>
    %reduce_sum3A_7 = vector.multi_reduction <add>, %mul3A, %reduce_sum3A_6 [1] : vector<512x768xf32> to vector<512xf32>
    %broadcast_in_dim3A_8 = vector.shape_cast %reduce_sum3A_7 : vector<512xf32> to vector<512x1xf32>
    %div3A_9 = arith.constant 7.680000e+02 : f32
    %div3A_10 = vector.broadcast %div3A_9 : f32 to vector<512x1xf32>
    %div3A_11 = arith.divf %broadcast_in_dim3A_8, %div3A_10 : vector<512x1xf32>
    %add3A = arith.constant 9.99999974E-6 : f32
    %add3A_12 = vector.broadcast %add3A : f32 to vector<512x1xf32>
    %add3A_13 = arith.addf %div3A_11, %add3A_12 : vector<512x1xf32>
    %rsqrt3A = math.rsqrt %add3A_13 : vector<512x1xf32>
    %mul3A_14 = vector.broadcast %rsqrt3A : vector<512x1xf32> to vector<512x768xf32>
    %mul3A_15 = arith.mulf %sub3A_5, %mul3A_14 : vector<512x768xf32>
    %get3A_16 = arith.constant 0 : index
    %get3A_17 = vector.load %arg2[%get3A_16] : memref<768xf32, #tpu.memory_space<vmem>>, vector<768xf32>
    %broadcast_in_dim3A_18 = vector.shape_cast %get3A_17 : vector<768xf32> to vector<1x768xf32>
    %mul3A_19 = vector.broadcast %broadcast_in_dim3A_18 : vector<1x768xf32> to vector<512x768xf32>
    %mul3A_20 = arith.mulf %mul3A_15, %mul3A_19 : vector<512x768xf32>
    %get3A_21 = arith.constant 0 : index
    %get3A_22 = vector.load %arg3[%get3A_21] : memref<768xf32, #tpu.memory_space<vmem>>, vector<768xf32>
    %broadcast_in_dim3A_23 = vector.shape_cast %get3A_22 : vector<768xf32> to vector<1x768xf32>
    %add3A_24 = vector.broadcast %broadcast_in_dim3A_23 : vector<1x768xf32> to vector<512x768xf32>
    %add3A_25 = arith.addf %mul3A_20, %add3A_24 : vector<512x768xf32>
    %reduce_sum3A_26 = arith.constant dense<0.000000e+00> : vector<512xf32>
    %reduce_sum3A_27 = vector.multi_reduction <add>, %add3A_25, %reduce_sum3A_26 [1] : vector<512x768xf32> to vector<512xf32>
    %broadcast_in_dim3A_28 = vector.shape_cast %reduce_sum3A_27 : vector<512xf32> to vector<512x1xf32>
    %div3A_29 = arith.constant 7.680000e+02 : f32
    %div3A_30 = vector.broadcast %div3A_29 : f32 to vector<512x1xf32>
    %div3A_31 = arith.divf %broadcast_in_dim3A_28, %div3A_30 : vector<512x1xf32>
    %sub3A_32 = vector.broadcast %div3A_31 : vector<512x1xf32> to vector<512x768xf32>
    %sub3A_33 = arith.subf %add3A_25, %sub3A_32 : vector<512x768xf32>
    %mul3A_34 = arith.mulf %sub3A_33, %sub3A_33 : vector<512x768xf32>
    %reduce_sum3A_35 = arith.constant dense<0.000000e+00> : vector<512xf32>
    %reduce_sum3A_36 = vector.multi_reduction <add>, %mul3A_34, %reduce_sum3A_35 [1] : vector<512x768xf32> to vector<512xf32>
    %broadcast_in_dim3A_37 = vector.shape_cast %reduce_sum3A_36 : vector<512xf32> to vector<512x1xf32>
    %div3A_38 = arith.constant 7.680000e+02 : f32
    %div3A_39 = vector.broadcast %div3A_38 : f32 to vector<512x1xf32>
    %div3A_40 = arith.divf %broadcast_in_dim3A_37, %div3A_39 : vector<512x1xf32>
    %add3A_41 = arith.constant 9.99999974E-6 : f32
    %add3A_42 = vector.broadcast %add3A_41 : f32 to vector<512x1xf32>
    %add3A_43 = arith.addf %div3A_40, %add3A_42 : vector<512x1xf32>
    %rsqrt3A_44 = math.rsqrt %add3A_43 : vector<512x1xf32>
    %mul3A_45 = vector.broadcast %rsqrt3A_44 : vector<512x1xf32> to vector<512x768xf32>
    %mul3A_46 = arith.mulf %sub3A_33, %mul3A_45 : vector<512x768xf32>
    %get3A_47 = arith.constant 0 : index
    %get3A_48 = vector.load %arg4[%get3A_47] : memref<768xf32, #tpu.memory_space<vmem>>, vector<768xf32>
    %broadcast_in_dim3A_49 = vector.shape_cast %get3A_48 : vector<768xf32> to vector<1x768xf32>
    %mul3A_50 = vector.broadcast %broadcast_in_dim3A_49 : vector<1x768xf32> to vector<512x768xf32>
    %mul3A_51 = arith.mulf %mul3A_46, %mul3A_50 : vector<512x768xf32>
    %get3A_52 = arith.constant 0 : index
    %get3A_53 = vector.load %arg5[%get3A_52] : memref<768xf32, #tpu.memory_space<vmem>>, vector<768xf32>
    %broadcast_in_dim3A_54 = vector.shape_cast %get3A_53 : vector<768xf32> to vector<1x768xf32>
    %add3A_55 = vector.broadcast %broadcast_in_dim3A_54 : vector<1x768xf32> to vector<512x768xf32>
    %add3A_56 = arith.addf %mul3A_51, %add3A_55 : vector<512x768xf32>
    %get3A_57 = arith.constant 0 : index
    %get3A_58 = arith.constant 0 : index
    %get3A_59 = vector.load %arg6[%get3A_57, %get3A_58] : memref<768x8xf32, #tpu.memory_space<vmem>>, vector<768x8xf32>
    %dot_general3A = arith.constant dense<0.000000e+00> : vector<512x8xf32>
    %dot_general3A_60 = tpu.matmul %add3A_56, %get3A_59, %dot_general3A {dimension_numbers = #tpu.dot_dimension_numbers<[1], [0], [0], [1], [0, 0, 1, 1], [], []>, transpose_lhs_hint = false} : vector<512x768xf32>, vector<768x8xf32>, vector<512x8xf32> -> vector<512x8xf32>
    %get3A_61 = arith.constant 0 : index
    %get3A_62 = vector.load %arg7[%get3A_61] : memref<8xf32, #tpu.memory_space<vmem>>, vector<8xf32>
    %broadcast_in_dim3A_63 = vector.shape_cast %get3A_62 : vector<8xf32> to vector<1x8xf32>
    %add3A_64 = vector.broadcast %broadcast_in_dim3A_63 : vector<1x8xf32> to vector<512x8xf32>
    %add3A_65 = arith.addf %dot_general3A_60, %add3A_64 : vector<512x8xf32>
    %iota3A = tpu.iota {dimensions = array<i32: 1>} : vector<512x8xi32>
    %reduce_max3A = arith.constant dense<0xFF800000> : vector<512xf32>
    %reduce_max3A_66 = vector.multi_reduction <maximumf>, %add3A_65, %reduce_max3A [1] : vector<512x8xf32> to vector<512xf32>
    %broadcast_in_dim3A_67 = vector.shape_cast %reduce_max3A_66 : vector<512xf32> to vector<512x1xf32>
    %eq3A = vector.broadcast %broadcast_in_dim3A_67 : vector<512x1xf32> to vector<512x8xf32>
    %eq3A_68 = arith.cmpf oeq, %add3A_65, %eq3A : vector<512x8xf32>
    %jit3A = arith.constant 8 : i32
    %broadcast_in_dim3A_69 = vector.broadcast %jit3A : i32 to vector<512x8xi32>
    %select_n3A = arith.select %eq3A_68, %iota3A, %broadcast_in_dim3A_69 : vector<512x8xi1>, vector<512x8xi32>
    %reduce_min3A = arith.constant dense<2147483647> : vector<512xi32>
    %reduce_min3A_70 = vector.multi_reduction <minsi>, %select_n3A, %reduce_min3A [1] : vector<512x8xi32> to vector<512xi32>
    %broadcast_in_dim3A_71 = vector.shape_cast %reduce_min3A_70 : vector<512xi32> to vector<512x1xi32>
    %eq3A_72 = vector.broadcast %broadcast_in_dim3A_71 : vector<512x1xi32> to vector<512x8xi32>
    %eq3A_73 = arith.cmpi eq, %iota3A, %eq3A_72 : vector<512x8xi32>
    %jit3A_74 = arith.constant 0xFF800000 : f32
    %broadcast_in_dim3A_75 = vector.broadcast %jit3A_74 : f32 to vector<512x8xf32>
    %select_n3A_76 = arith.select %eq3A_73, %broadcast_in_dim3A_75, %add3A_65 : vector<512x8xi1>, vector<512x8xf32>
    %reduce_max3A_77 = arith.constant dense<0xFF800000> : vector<512xf32>
    %reduce_max3A_78 = vector.multi_reduction <maximumf>, %select_n3A_76, %reduce_max3A_77 [1] : vector<512x8xf32> to vector<512xf32>
    %broadcast_in_dim3A_79 = vector.shape_cast %reduce_max3A_78 : vector<512xf32> to vector<512x1xf32>
    %eq3A_80 = vector.broadcast %broadcast_in_dim3A_79 : vector<512x1xf32> to vector<512x8xf32>
    %eq3A_81 = arith.cmpf oeq, %select_n3A_76, %eq3A_80 : vector<512x8xf32>
    %jit3A_82 = arith.constant 8 : i32
    %broadcast_in_dim3A_83 = vector.broadcast %jit3A_82 : i32 to vector<512x8xi32>
    %select_n3A_84 = arith.select %eq3A_81, %iota3A, %broadcast_in_dim3A_83 : vector<512x8xi1>, vector<512x8xi32>
    %reduce_min3A_85 = arith.constant dense<2147483647> : vector<512xi32>
    %reduce_min3A_86 = vector.multi_reduction <minsi>, %select_n3A_84, %reduce_min3A_85 [1] : vector<512x8xi32> to vector<512xi32>
    %broadcast_in_dim3A_87 = vector.shape_cast %reduce_min3A_86 : vector<512xi32> to vector<512x1xi32>
    %sub3A_88 = arith.subf %broadcast_in_dim3A_79, %broadcast_in_dim3A_67 : vector<512x1xf32>
    %exp3A = math.exp %sub3A_88 : vector<512x1xf32>
    %add3A_89 = arith.constant 1.000000e+00 : f32
    %add3A_90 = vector.broadcast %add3A_89 : f32 to vector<512x1xf32>
    %add3A_91 = arith.addf %add3A_90, %exp3A : vector<512x1xf32>
    %div3A_92 = arith.constant 1.000000e+00 : f32
    %div3A_93 = vector.broadcast %div3A_92 : f32 to vector<512x1xf32>
    %div3A_94 = arith.divf %div3A_93, %add3A_91 : vector<512x1xf32>
    %slice3A = vector.extract_strided_slice %mul3A_46 {offsets = [0, 0], sizes = [512, 384], strides = [1, 1]} : vector<512x768xf32> to vector<512x384xf32>
    %convert_element_type3A = arith.truncf %slice3A : vector<512x384xf32> to vector<512x384xbf16>
    %bitcast_convert_type3A = tpu.bitcast %convert_element_type3A : vector<512x384xbf16> -> vector<512x384xi16>
    %convert_element_type3A_95 = arith.extui %bitcast_convert_type3A : vector<512x384xi16> to vector<512x384xi32>
    %slice3A_96 = vector.extract_strided_slice %mul3A_46 {offsets = [0, 384], sizes = [512, 384], strides = [1, 1]} : vector<512x768xf32> to vector<512x384xf32>
    %convert_element_type3A_97 = arith.truncf %slice3A_96 : vector<512x384xf32> to vector<512x384xbf16>
    %bitcast_convert_type3A_98 = tpu.bitcast %convert_element_type3A_97 : vector<512x384xbf16> -> vector<512x384xi16>
    %convert_element_type3A_99 = arith.extui %bitcast_convert_type3A_98 : vector<512x384xi16> to vector<512x384xi32>
    %shift_left3A = arith.constant 16 : i32
    %shift_left3A_100 = vector.broadcast %shift_left3A : i32 to vector<512x384xi32>
    %shift_left3A_101 = arith.shli %convert_element_type3A_99, %shift_left3A_100 : vector<512x384xi32>
    %or3A = arith.ori %convert_element_type3A_95, %shift_left3A_101 : vector<512x384xi32>
    %bitcast_convert_type3A_102 = tpu.bitcast %or3A : vector<512x384xi32> -> vector<512x384xi32>
    %swap3A = arith.constant 0 : index
    %swap3A_103 = arith.constant 0 : index
    %swap3A_104 = vector.load %arg8[%swap3A, %swap3A_103] : memref<512x384xi32, #tpu.memory_space<vmem>>, vector<512x384xi32>
    tpu.vector_store %arg8[%swap3A, %swap3A_103], %bitcast_convert_type3A_102 {strides = array<i32>} : memref<512x384xi32, #tpu.memory_space<vmem>>, vector<512x384xi32>,
    %swap3A_105 = arith.constant 0 : index
    %swap3A_106 = arith.constant 0 : index
    %swap3A_107 = vector.load %arg9[%swap3A_105, %swap3A_106] : memref<512x1xi32, #tpu.memory_space<vmem>>, vector<512x1xi32>
    tpu.vector_store %arg9[%swap3A_105, %swap3A_106], %broadcast_in_dim3A_71 {strides = array<i32>} : memref<512x1xi32, #tpu.memory_space<vmem>>, vector<512x1xi32>,
    %swap3A_108 = arith.constant 0 : index
    %swap3A_109 = arith.constant 0 : index
    %swap3A_110 = vector.load %arg10[%swap3A_108, %swap3A_109] : memref<512x1xi32, #tpu.memory_space<vmem>>, vector<512x1xi32>
    tpu.vector_store %arg10[%swap3A_108, %swap3A_109], %broadcast_in_dim3A_87 {strides = array<i32>} : memref<512x1xi32, #tpu.memory_space<vmem>>, vector<512x1xi32>,
    %swap3A_111 = arith.constant 0 : index
    %swap3A_112 = arith.constant 0 : index
    %swap3A_113 = vector.load %arg11[%swap3A_111, %swap3A_112] : memref<512x1xf32, #tpu.memory_space<vmem>>, vector<512x1xf32>
    tpu.vector_store %arg11[%swap3A_111, %swap3A_112], %div3A_94 {strides = array<i32>} : memref<512x1xf32, #tpu.memory_space<vmem>>, vector<512x1xf32>,
    %sub3A_114 = arith.constant 1.000000e+00 : f32
    %sub3A_115 = vector.broadcast %sub3A_114 : f32 to vector<512x1xf32>
    %sub3A_116 = arith.subf %sub3A_115, %div3A_94 : vector<512x1xf32>
    %swap3A_117 = arith.constant 0 : index
    %swap3A_118 = arith.constant 0 : index
    %swap3A_119 = vector.load %arg12[%swap3A_117, %swap3A_118] : memref<512x1xf32, #tpu.memory_space<vmem>>, vector<512x1xf32>
    tpu.vector_store %arg12[%swap3A_117, %swap3A_118], %sub3A_116 {strides = array<i32>} : memref<512x1xf32, #tpu.memory_space<vmem>>, vector<512x1xf32>,
    return
  }
  func.func @transform_0(%arg0: i32) -> (i32, i32) {
    %c0_i32 = arith.constant 0 : i32
    %c0_i32_0 = arith.constant 0 : i32
    return %arg0, %c0_i32 : i32, i32
  }
  func.func @transform_1(%arg0: i32) -> i32 {
    %c0_i32 = arith.constant 0 : i32
    %c0_i32_0 = arith.constant 0 : i32
    return %c0_i32 : i32
  }
  func.func @transform_2(%arg0: i32) -> i32 {
    %c0_i32 = arith.constant 0 : i32
    %c0_i32_0 = arith.constant 0 : i32
    return %c0_i32 : i32
  }
  func.func @transform_3(%arg0: i32) -> i32 {
    %c0_i32 = arith.constant 0 : i32
    %c0_i32_0 = arith.constant 0 : i32
    return %c0_i32 : i32
  }
  func.func @transform_4(%arg0: i32) -> i32 {
    %c0_i32 = arith.constant 0 : i32
    %c0_i32_0 = arith.constant 0 : i32
    return %c0_i32 : i32
  }
  func.func @transform_5(%arg0: i32) -> (i32, i32) {
    %c0_i32 = arith.constant 0 : i32
    %c0_i32_0 = arith.constant 0 : i32
    %c0_i32_1 = arith.constant 0 : i32
    return %c0_i32, %c0_i32_0 : i32, i32
  }
  func.func @transform_6(%arg0: i32) -> i32 {
    %c0_i32 = arith.constant 0 : i32
    %c0_i32_0 = arith.constant 0 : i32
    return %c0_i32 : i32
  }
  func.func @transform_7(%arg0: i32) -> (i32, i32) {
    %c0_i32 = arith.constant 0 : i32
    %c0_i32_0 = arith.constant 0 : i32
    return %arg0, %c0_i32 : i32, i32
  }
  func.func @transform_8(%arg0: i32) -> (i32, i32) {
    %c0_i32 = arith.constant 0 : i32
    %c0_i32_0 = arith.constant 0 : i32
    return %arg0, %c0_i32 : i32, i32
  }
  func.func @transform_9(%arg0: i32) -> (i32, i32) {
    %c0_i32 = arith.constant 0 : i32
    %c0_i32_0 = arith.constant 0 : i32
    return %arg0, %c0_i32 : i32, i32
  }
  func.func @transform_10(%arg0: i32) -> (i32, i32) {
    %c0_i32 = arith.constant 0 : i32
    %c0_i32_0 = arith.constant 0 : i32
    return %arg0, %c0_i32 : i32, i32
  }
  func.func @transform_11(%arg0: i32) -> (i32, i32) {
    %c0_i32 = arith.constant 0 : i32
    %c0_i32_0 = arith.constant 0 : i32
    return %arg0, %c0_i32 : i32, i32
  }
}

module attributes {stable_mosaic.version = 14 : i64} {
  func.func @_expert_body(%arg0: i32, %arg1: memref<40xi32, #tpu.memory_space<smem>>, %arg2: memref<512x384xi32, #tpu.memory_space<vmem>>, %arg3: memref<1x768x512xbf16, #tpu.memory_space<vmem>>, %arg4: memref<1x1x512xf32, #tpu.memory_space<vmem>>, %arg5: memref<1x512x256xbf16, #tpu.memory_space<vmem>>, %arg6: memref<1x1x256xf32, #tpu.memory_space<vmem>>, %arg7: memref<1x256x1xf32, #tpu.memory_space<vmem>>, %arg8: memref<1x1x1xf32, #tpu.memory_space<vmem>>, %arg9: memref<512x1xf32, #tpu.memory_space<vmem>>) attributes {dimension_semantics = [#tpu.dimension_semantics<arbitrary>], iteration_bounds = array<i64: 40>, scalar_prefetch = 1 : i64, scratch_operands = 0 : i64, tpu.core_type = #tpu.core_type<tc>, window_params = [{transform_indices = @transform_0, window_bounds = array<i64: 512, 384>}, {transform_indices = @transform_1, window_bounds = array<i64: 1, 768, 512>}, {transform_indices = @transform_2, window_bounds = array<i64: 1, 1, 512>}, {transform_indices = @transform_3, window_bounds = array<i64: 1, 512, 256>}, {transform_indices = @transform_4, window_bounds = array<i64: 1, 1, 256>}, {transform_indices = @transform_5, window_bounds = array<i64: 1, 256, 1>}, {transform_indices = @transform_6, window_bounds = array<i64: 1, 1, 1>}, {transform_indices = @transform_7, window_bounds = array<i64: 512, 1>}]} {
    %get3A = arith.constant 0 : index
    %get3A_0 = arith.constant 0 : index
    %get3A_1 = vector.load %arg2[%get3A, %get3A_0] : memref<512x384xi32, #tpu.memory_space<vmem>>, vector<512x384xi32>
    %bitcast_convert_type3A = tpu.bitcast %get3A_1 : vector<512x384xi32> -> vector<512x384xi32>
    %shift_left3A = arith.constant 16 : i32
    %shift_left3A_2 = vector.broadcast %shift_left3A : i32 to vector<512x384xi32>
    %shift_left3A_3 = arith.shli %bitcast_convert_type3A, %shift_left3A_2 : vector<512x384xi32>
    %bitcast_convert_type3A_4 = tpu.bitcast %shift_left3A_3 : vector<512x384xi32> -> vector<512x384xf32>
    %and3A = arith.constant -65536 : i32
    %and3A_5 = vector.broadcast %and3A : i32 to vector<512x384xi32>
    %and3A_6 = arith.andi %bitcast_convert_type3A, %and3A_5 : vector<512x384xi32>
    %bitcast_convert_type3A_7 = tpu.bitcast %and3A_6 : vector<512x384xi32> -> vector<512x384xf32>
    %concatenate3A = tpu.concatenate %bitcast_convert_type3A_4, %bitcast_convert_type3A_7 in 1 : vector<512x384xf32>, vector<512x384xf32> -> vector<512x768xf32>
    %convert_element_type3A = arith.truncf %concatenate3A : vector<512x768xf32> to vector<512x768xbf16>
    %get3A_8 = arith.constant 0 : index
    %get3A_9 = arith.constant 0 : index
    %get3A_10 = arith.constant 0 : index
    %get3A_11 = vector.load %arg3[%get3A_8, %get3A_9, %get3A_10] : memref<1x768x512xbf16, #tpu.memory_space<vmem>>, vector<1x768x512xbf16>
    %get3A_12 = vector.shape_cast %get3A_11 : vector<1x768x512xbf16> to vector<768x512xbf16>
    %dot_general3A = arith.constant dense<0.000000e+00> : vector<512x512xf32>
    %dot_general3A_13 = tpu.matmul %convert_element_type3A, %get3A_12, %dot_general3A {dimension_numbers = #tpu.dot_dimension_numbers<[1], [0], [0], [1], [0, 0, 1, 1], [], []>, transpose_lhs_hint = false} : vector<512x768xbf16>, vector<768x512xbf16>, vector<512x512xf32> -> vector<512x512xf32>
    %get3A_14 = arith.constant 0 : index
    %get3A_15 = arith.constant 0 : index
    %get3A_16 = arith.constant 0 : index
    %get3A_17 = vector.load %arg4[%get3A_14, %get3A_15, %get3A_16] : memref<1x1x512xf32, #tpu.memory_space<vmem>>, vector<1x1x512xf32>
    %get3A_18 = vector.shape_cast %get3A_17 : vector<1x1x512xf32> to vector<1x512xf32>
    %add3A = vector.broadcast %get3A_18 : vector<1x512xf32> to vector<512x512xf32>
    %add3A_19 = arith.addf %dot_general3A_13, %add3A : vector<512x512xf32>
    %mul3A = arith.constant 0.707106769 : f32
    %mul3A_20 = vector.broadcast %mul3A : f32 to vector<512x512xf32>
    %mul3A_21 = arith.mulf %add3A_19, %mul3A_20 : vector<512x512xf32>
    %erf3A = math.erf %mul3A_21 : vector<512x512xf32>
    %add3A_22 = arith.constant 1.000000e+00 : f32
    %add3A_23 = vector.broadcast %add3A_22 : f32 to vector<512x512xf32>
    %add3A_24 = arith.addf %add3A_23, %erf3A : vector<512x512xf32>
    %mul3A_25 = arith.mulf %add3A_19, %add3A_24 : vector<512x512xf32>
    %reduce_sum3A = arith.constant dense<0.000000e+00> : vector<512xf32>
    %reduce_sum3A_26 = vector.multi_reduction <add>, %mul3A_25, %reduce_sum3A [1] : vector<512x512xf32> to vector<512xf32>
    %broadcast_in_dim3A = vector.shape_cast %reduce_sum3A_26 : vector<512xf32> to vector<512x1xf32>
    %div3A = arith.constant 5.120000e+02 : f32
    %div3A_27 = vector.broadcast %div3A : f32 to vector<512x1xf32>
    %div3A_28 = arith.divf %broadcast_in_dim3A, %div3A_27 : vector<512x1xf32>
    %sub3A = vector.broadcast %div3A_28 : vector<512x1xf32> to vector<512x512xf32>
    %sub3A_29 = arith.subf %mul3A_25, %sub3A : vector<512x512xf32>
    %mul3A_30 = arith.mulf %sub3A_29, %sub3A_29 : vector<512x512xf32>
    %reduce_sum3A_31 = arith.constant dense<0.000000e+00> : vector<512xf32>
    %reduce_sum3A_32 = vector.multi_reduction <add>, %mul3A_30, %reduce_sum3A_31 [1] : vector<512x512xf32> to vector<512xf32>
    %broadcast_in_dim3A_33 = vector.shape_cast %reduce_sum3A_32 : vector<512xf32> to vector<512x1xf32>
    %div3A_34 = arith.constant 5.120000e+02 : f32
    %div3A_35 = vector.broadcast %div3A_34 : f32 to vector<512x1xf32>
    %div3A_36 = arith.divf %broadcast_in_dim3A_33, %div3A_35 : vector<512x1xf32>
    %add3A_37 = arith.constant 9.99999974E-6 : f32
    %add3A_38 = vector.broadcast %add3A_37 : f32 to vector<512x1xf32>
    %add3A_39 = arith.addf %div3A_36, %add3A_38 : vector<512x1xf32>
    %rsqrt3A = math.rsqrt %add3A_39 : vector<512x1xf32>
    %mul3A_40 = vector.broadcast %rsqrt3A : vector<512x1xf32> to vector<512x512xf32>
    %mul3A_41 = arith.mulf %sub3A_29, %mul3A_40 : vector<512x512xf32>
    %convert_element_type3A_42 = arith.truncf %mul3A_41 : vector<512x512xf32> to vector<512x512xbf16>
    %get3A_43 = arith.constant 0 : index
    %get3A_44 = arith.constant 0 : index
    %get3A_45 = arith.constant 0 : index
    %get3A_46 = vector.load %arg5[%get3A_43, %get3A_44, %get3A_45] : memref<1x512x256xbf16, #tpu.memory_space<vmem>>, vector<1x512x256xbf16>
    %get3A_47 = vector.shape_cast %get3A_46 : vector<1x512x256xbf16> to vector<512x256xbf16>
    %dot_general3A_48 = arith.constant dense<0.000000e+00> : vector<512x256xf32>
    %dot_general3A_49 = tpu.matmul %convert_element_type3A_42, %get3A_47, %dot_general3A_48 {dimension_numbers = #tpu.dot_dimension_numbers<[1], [0], [0], [1], [0, 0, 1, 1], [], []>, transpose_lhs_hint = false} : vector<512x512xbf16>, vector<512x256xbf16>, vector<512x256xf32> -> vector<512x256xf32>
    %get3A_50 = arith.constant 0 : index
    %get3A_51 = arith.constant 0 : index
    %get3A_52 = arith.constant 0 : index
    %get3A_53 = vector.load %arg6[%get3A_50, %get3A_51, %get3A_52] : memref<1x1x256xf32, #tpu.memory_space<vmem>>, vector<1x1x256xf32>
    %get3A_54 = vector.shape_cast %get3A_53 : vector<1x1x256xf32> to vector<1x256xf32>
    %add3A_55 = vector.broadcast %get3A_54 : vector<1x256xf32> to vector<512x256xf32>
    %add3A_56 = arith.addf %dot_general3A_49, %add3A_55 : vector<512x256xf32>
    %mul3A_57 = arith.constant 0.707106769 : f32
    %mul3A_58 = vector.broadcast %mul3A_57 : f32 to vector<512x256xf32>
    %mul3A_59 = arith.mulf %add3A_56, %mul3A_58 : vector<512x256xf32>
    %erf3A_60 = math.erf %mul3A_59 : vector<512x256xf32>
    %add3A_61 = arith.constant 1.000000e+00 : f32
    %add3A_62 = vector.broadcast %add3A_61 : f32 to vector<512x256xf32>
    %add3A_63 = arith.addf %add3A_62, %erf3A_60 : vector<512x256xf32>
    %mul3A_64 = arith.mulf %add3A_56, %add3A_63 : vector<512x256xf32>
    %reduce_sum3A_65 = arith.constant dense<0.000000e+00> : vector<512xf32>
    %reduce_sum3A_66 = vector.multi_reduction <add>, %mul3A_64, %reduce_sum3A_65 [1] : vector<512x256xf32> to vector<512xf32>
    %broadcast_in_dim3A_67 = vector.shape_cast %reduce_sum3A_66 : vector<512xf32> to vector<512x1xf32>
    %div3A_68 = arith.constant 2.560000e+02 : f32
    %div3A_69 = vector.broadcast %div3A_68 : f32 to vector<512x1xf32>
    %div3A_70 = arith.divf %broadcast_in_dim3A_67, %div3A_69 : vector<512x1xf32>
    %sub3A_71 = vector.broadcast %div3A_70 : vector<512x1xf32> to vector<512x256xf32>
    %sub3A_72 = arith.subf %mul3A_64, %sub3A_71 : vector<512x256xf32>
    %mul3A_73 = arith.mulf %sub3A_72, %sub3A_72 : vector<512x256xf32>
    %reduce_sum3A_74 = arith.constant dense<0.000000e+00> : vector<512xf32>
    %reduce_sum3A_75 = vector.multi_reduction <add>, %mul3A_73, %reduce_sum3A_74 [1] : vector<512x256xf32> to vector<512xf32>
    %broadcast_in_dim3A_76 = vector.shape_cast %reduce_sum3A_75 : vector<512xf32> to vector<512x1xf32>
    %div3A_77 = arith.constant 2.560000e+02 : f32
    %div3A_78 = vector.broadcast %div3A_77 : f32 to vector<512x1xf32>
    %div3A_79 = arith.divf %broadcast_in_dim3A_76, %div3A_78 : vector<512x1xf32>
    %add3A_80 = arith.constant 9.99999974E-6 : f32
    %add3A_81 = vector.broadcast %add3A_80 : f32 to vector<512x1xf32>
    %add3A_82 = arith.addf %div3A_79, %add3A_81 : vector<512x1xf32>
    %rsqrt3A_83 = math.rsqrt %add3A_82 : vector<512x1xf32>
    %mul3A_84 = vector.broadcast %rsqrt3A_83 : vector<512x1xf32> to vector<512x256xf32>
    %mul3A_85 = arith.mulf %sub3A_72, %mul3A_84 : vector<512x256xf32>
    %get3A_86 = arith.constant 0 : index
    %get3A_87 = arith.constant 0 : index
    %get3A_88 = arith.constant 0 : index
    %get3A_89 = vector.load %arg7[%get3A_86, %get3A_87, %get3A_88] : memref<1x256x1xf32, #tpu.memory_space<vmem>>, vector<1x256x1xf32>
    %get3A_90 = vector.shape_cast %get3A_89 : vector<1x256x1xf32> to vector<256x1xf32>
    %dot_general3A_91 = arith.constant dense<0.000000e+00> : vector<512x1xf32>
    %dot_general3A_92 = tpu.matmul %mul3A_85, %get3A_90, %dot_general3A_91 {dimension_numbers = #tpu.dot_dimension_numbers<[1], [0], [0], [1], [0, 0, 1, 1], [], []>, transpose_lhs_hint = false} : vector<512x256xf32>, vector<256x1xf32>, vector<512x1xf32> -> vector<512x1xf32>
    %get3A_93 = arith.constant 0 : index
    %get3A_94 = arith.constant 0 : index
    %get3A_95 = arith.constant 0 : index
    %get3A_96 = vector.load %arg8[%get3A_93, %get3A_94, %get3A_95] : memref<1x1x1xf32, #tpu.memory_space<vmem>>, vector<1x1x1xf32>
    %get3A_97 = vector.shape_cast %get3A_96 : vector<1x1x1xf32> to vector<1x1xf32>
    %add3A_98 = vector.broadcast %get3A_97 : vector<1x1xf32> to vector<512x1xf32>
    %add3A_99 = arith.addf %dot_general3A_92, %add3A_98 : vector<512x1xf32>
    %swap3A = arith.constant 0 : index
    %swap3A_100 = arith.constant 0 : index
    %swap3A_101 = vector.load %arg9[%swap3A, %swap3A_100] : memref<512x1xf32, #tpu.memory_space<vmem>>, vector<512x1xf32>
    tpu.vector_store %arg9[%swap3A, %swap3A_100], %add3A_99 {strides = array<i32>} : memref<512x1xf32, #tpu.memory_space<vmem>>, vector<512x1xf32>,
    return
  }
  func.func @transform_0(%arg0: i32, %arg1: memref<40xi32, #tpu.memory_space<smem>>) -> (i32, i32) {
    %c0_i32 = arith.constant 0 : i32
    %c0_i32_0 = arith.constant 0 : i32
    return %arg0, %c0_i32 : i32, i32
  }
  func.func @transform_1(%arg0: i32, %arg1: memref<40xi32, #tpu.memory_space<smem>>) -> (i32, i32, i32) {
    %get3A = arith.index_cast %arg0 : i32 to index
    %get3A_0 = memref.load %arg1[%get3A] : memref<40xi32, #tpu.memory_space<smem>>
    %c0_i32 = arith.constant 0 : i32
    %c0_i32_1 = arith.constant 0 : i32
    %c0_i32_2 = arith.constant 0 : i32
    return %get3A_0, %c0_i32, %c0_i32_1 : i32, i32, i32
  }
  func.func @transform_2(%arg0: i32, %arg1: memref<40xi32, #tpu.memory_space<smem>>) -> (i32, i32, i32) {
    %get3A = arith.index_cast %arg0 : i32 to index
    %get3A_0 = memref.load %arg1[%get3A] : memref<40xi32, #tpu.memory_space<smem>>
    %c0_i32 = arith.constant 0 : i32
    %c0_i32_1 = arith.constant 0 : i32
    %c0_i32_2 = arith.constant 0 : i32
    return %get3A_0, %c0_i32, %c0_i32_1 : i32, i32, i32
  }
  func.func @transform_3(%arg0: i32, %arg1: memref<40xi32, #tpu.memory_space<smem>>) -> (i32, i32, i32) {
    %get3A = arith.index_cast %arg0 : i32 to index
    %get3A_0 = memref.load %arg1[%get3A] : memref<40xi32, #tpu.memory_space<smem>>
    %c0_i32 = arith.constant 0 : i32
    %c0_i32_1 = arith.constant 0 : i32
    %c0_i32_2 = arith.constant 0 : i32
    return %get3A_0, %c0_i32, %c0_i32_1 : i32, i32, i32
  }
  func.func @transform_4(%arg0: i32, %arg1: memref<40xi32, #tpu.memory_space<smem>>) -> (i32, i32, i32) {
    %get3A = arith.index_cast %arg0 : i32 to index
    %get3A_0 = memref.load %arg1[%get3A] : memref<40xi32, #tpu.memory_space<smem>>
    %c0_i32 = arith.constant 0 : i32
    %c0_i32_1 = arith.constant 0 : i32
    %c0_i32_2 = arith.constant 0 : i32
    return %get3A_0, %c0_i32, %c0_i32_1 : i32, i32, i32
  }
  func.func @transform_5(%arg0: i32, %arg1: memref<40xi32, #tpu.memory_space<smem>>) -> (i32, i32, i32) {
    %get3A = arith.index_cast %arg0 : i32 to index
    %get3A_0 = memref.load %arg1[%get3A] : memref<40xi32, #tpu.memory_space<smem>>
    %c0_i32 = arith.constant 0 : i32
    %c0_i32_1 = arith.constant 0 : i32
    %c0_i32_2 = arith.constant 0 : i32
    return %get3A_0, %c0_i32, %c0_i32_1 : i32, i32, i32
  }
  func.func @transform_6(%arg0: i32, %arg1: memref<40xi32, #tpu.memory_space<smem>>) -> (i32, i32, i32) {
    %get3A = arith.index_cast %arg0 : i32 to index
    %get3A_0 = memref.load %arg1[%get3A] : memref<40xi32, #tpu.memory_space<smem>>
    %c0_i32 = arith.constant 0 : i32
    %c0_i32_1 = arith.constant 0 : i32
    %c0_i32_2 = arith.constant 0 : i32
    return %get3A_0, %c0_i32, %c0_i32_1 : i32, i32, i32
  }
  func.func @transform_7(%arg0: i32, %arg1: memref<40xi32, #tpu.memory_space<smem>>) -> (i32, i32) {
    %c0_i32 = arith.constant 0 : i32
    %c0_i32_0 = arith.constant 0 : i32
    return %arg0, %c0_i32 : i32, i32
  }
}

</mosaic_0001>

<sc_bundles>
// kernel: kernel.10.cloned.1.call-start
scs
__scs_entry_jumppad:
0x0: {  	(pc) =	sbr.rel $0x88, $3  }
0x1: {  	(tag) =	ssettag $0x0;
	lr =	simm.s32 $0x1  }
0x2: {  	[smem:$0x3F8E] =	sst lr;
	_ =	strace $0xD0000000  }
0x3: {  	_ = 	snop  }
0x4: {  	_ = 	snop  }
0x5: {  	_ = 	snop  }
0x6: {  	_ = 	snop  }
0x7: {  	_ = 	snop  }
__scs_overlays_trampoline_lowered:
0x8: {  	[smem:$0x3F9D] =	sst s0  }
0x9: {  	[smem:$0x3F9E] =	sst s1  }
0xa: {  	[smem:$0x3F9F] =	sst s2  }
0xb: {  	[smem:$0x3FA0] =	sst s3  }
0xc: {  	[smem:$0x3FA1] =	sst s4  }
0xd: {  	[smem:$0x3FA2] =	sst s5  }
0xe: {  	[smem:$0x3FA3] =	sst s6  }
0xf: {  	[smem:$0x3FA4] =	sst s7  }
0x10: {  	[smem:$0x3FA5] =	sst s8  }
0x11: {  	[smem:$0x3FA6] =	sst s9;
	s0 =	simm.s32 @!p0 $0x0  }
0x12: {  	s1 =	sld [smem:$0x3F8C];
	s0 =	simm.s32 @p0 $0x1  }
0x13: {  	[smem:$0x3FA7] =	sst s0;
	s0 =	simm.s32 @!p1 $0x0  }
0x14: {  	s2 =	sld [smem:$0x3F8B];
	s0 =	simm.s32 @p1 $0x1  }
0x15: {  	[smem:$0x3FA8] =	sst s0;
	s0 =	simm.s32 @!p2 $0x0  }
0x16: {  	s3 =	sld [smem:$0x3FDB];
	s0 =	simm.s32 @p2 $0x1  }
0x17: {  	s4 =	simm.s32 $0x1BF5;
	[smem:$0x3FAA] =	sst s0  }
0x18: {  	s0 =	sld [smem:$0x3F8D];
	_ =	swait.ge [sflag:s4], $0x0  }
0x19: {  	s7 =	sld [smem:$0x3F8E]  }
0x1a: {  	s8 =	sadd.s32 $0xFFFFE003, lr  }
0x1b: {  	s9 =	sadd.s32 $0xFFFFFEF7, lr;
	s5 =	simm.s32 $0xFFFFFFFF;
	p2 =	slt.u32 s8, $0xFFFFF086  }
0x1c: {  	p1 =	slt.u32 s9, $0xF7A;
	s5 =	simm.s32 @!p2 $0x0  }
0x1d: {  	s5 =	simm.s32 @p1 $0x1;
	p0 =	seq.s32 s7, s2  }
0x1e: {  	s7 =	smul.u32 @!p0 $0xF7A, s2;
	p2 =	seq.s32 @!p0 s5, $0x0  }
0x1f: {  	s9 =	smul.u32 $0xF7A, s1;
	s8 =	simm.s32 @!p0 $0x1BF5;
	p2 =	por !p2, p0  }
0x20: {  	[sflag:s8] =	ssyncset.s32 @!p0 $0xFFFFF086;
	s6 =	sadd.s32 @!p0 s3, s7;
	s7 =	simm.s32 @!p0 $0x108  }
0x21: {  	s3 =	sadd.s32 s3, s9;
	s6 =	sadd.s32 @!p0 $0x88, s6;
	s7 =	simm.s32 @p2 $0x1082  }
0x22: {  	[simem:s7], [sflag:s8] =	dma.local @!p0 [hbm:s6], $0xF7A  }
0x23: {  	s9 =	sor.u32 $0xD0000000, s2;
	s6 =	simm.s32 $0x108;
	_ =	swait.ge @!p0 [sflag:s8], $0x0  }
0x24: {  	s3 =	sadd.s32 $0x88, s3;
	s6 =	simm.s32 @!p1 $0x1082;
	[sflag:s4] =	ssyncset.s32 $0xFFFFF086  }
0x25: {  	[simem:s6], [sflag:s4] =	dma.local [hbm:s3], $0xF7A  }
0x26: {  	[smem:$0x3F8E] =	sst s1;
	(tag) =	ssettag s2;
	_ =	strace s9  }
0x27: {  	s1 =	sld [smem:$0x3F9E]  }
0x28: {  	s2 =	sld [smem:$0x3F9F]  }
0x29: {  	s4 =	sld [smem:$0x3FA1]  }
0x2a: {  	p0 =	seq.s32 s5, $0x0;
	s5 =	sld [smem:$0x3FA2]  }
0x2b: {  	s6 =	sld [smem:$0x3FA3]  }
0x2c: {  	s7 =	sld [smem:$0x3FA4]  }
0x2d: {  	s3 =	simm.s32 $0x108;
	s8 =	sld [smem:$0x3FA5]  }
0x2e: {  	s3 =	simm.s32 @!p0 $0x1082;
	s9 =	sld [smem:$0x3FA6]  }
0x2f: {  	lr =	sadd.s32 s0, s3;
	s0 =	sld [smem:$0x3F9D]  }
0x30: {  	s3 =	sld [smem:$0x3FA0]  }
0x31: {  	[smem:$0x3FA9] =	sst s10  }
0x32: {  	s10 =	sld [smem:$0x3FA7];
	_ =	sdelay $0x3  }
0x33: {  	p0 =	seq.s32 s10, $0x1;
	s10 =	sld [smem:$0x3FA9];
	_ =	sdelay $0x3  }
0x34: {  	[smem:$0x3FA9] =	sst s10  }
0x35: {  	s10 =	sld [smem:$0x3FA8];
	_ =	sdelay $0x3  }
0x36: {  	p1 =	seq.s32 s10, $0x1;
	s10 =	sld [smem:$0x3FA9];
	_ =	sdelay $0x3  }
0x37: {  	[smem:$0x3FA9] =	sst s10  }
0x38: {  	s10 =	sld [smem:$0x3FAA]  }
0x39: {  	_ = 	snop;
	(pc) =	sbr.ind lr, $3  }
0x3a: {  	_ = 	snop  }
0x3b: {  	_ = 	snop  }
0x3c: {  	p2 =	seq.s32 s10, $0x1;
	s10 =	sld [smem:$0x3FA9]  }
0x3d: {  	_ =	shalt  }
0x3e: {  	_ =	shalt  }
0x3f: {  	_ =	shalt  }
0x40: {  	_ =	shalt  }
0x41: {  	_ =	shalt  }
0x42: {  	_ =	shalt  }
0x43: {  	_ =	shalt  }
0x44: {  	_ =	shalt  }
0x45: {  	_ =	shalt  }
0x46: {  	_ =	shalt  }
0x47: {  	_ =	shalt  }
0x48: {  	_ =	shalt  }
0x49: {  	_ =	shalt  }
0x4a: {  	_ =	shalt  }
0x4b: {  	_ =	shalt  }
0x4c: {  	_ =	shalt  }
0x4d: {  	_ =	shalt  }
0x4e: {  	_ =	shalt  }
0x4f: {  	_ =	shalt  }
0x50: {  	_ =	shalt  }
0x51: {  	_ =	shalt  }
0x52: {  	_ =	shalt  }
0x53: {  	_ =	shalt  }
0x54: {  	_ =	shalt  }
0x55: {  	_ =	shalt  }
0x56: {  	_ =	shalt  }
0x57: {  	_ =	shalt  }
0x58: {  	_ =	shalt  }
0x59: {  	_ =	shalt  }
0x5a: {  	_ =	shalt  }
0x5b: {  	_ =	shalt  }
0x5c: {  	_ =	shalt  }
0x5d: {  	_ =	shalt  }
0x5e: {  	_ =	shalt  }
0x5f: {  	_ =	shalt  }
0x60: {  	_ =	shalt  }
0x61: {  	_ =	shalt  }
0x62: {  	_ =	shalt  }
0x63: {  	_ =	shalt  }
0x64: {  	_ =	shalt  }
0x65: {  	_ =	shalt  }
0x66: {  	_ =	shalt  }
0x67: {  	_ =	shalt  }
0x68: {  	_ =	shalt  }
0x69: {  	_ =	shalt  }
0x6a: {  	_ =	shalt  }
0x6b: {  	_ =	shalt  }
0x6c: {  	_ =	shalt  }
0x6d: {  	_ =	shalt  }
0x6e: {  	_ =	shalt  }
0x6f: {  	_ =	shalt  }
0x70: {  	_ =	shalt  }
0x71: {  	_ =	shalt  }
0x72: {  	_ =	shalt  }
0x73: {  	_ =	shalt  }
0x74: {  	_ =	shalt  }
0x75: {  	_ =	shalt  }
0x76: {  	_ =	shalt  }
0x77: {  	_ =	shalt  }
0x78: {  	_ =	shalt  }
0x79: {  	_ =	shalt  }
0x7a: {  	_ =	shalt  }
0x7b: {  	_ =	shalt  }
0x7c: {  	_ =	shalt  }
0x7d: {  	_ =	shalt  }
0x7e: {  	_ =	shalt  }
0x7f: {  	_ =	shalt  }
0x80: {  	_ =	shalt  }
0x81: {  	_ =	shalt  }
0x82: {  	_ =	shalt  }
0x83: {  	_ =	shalt  }
0x84: {  	_ =	shalt  }
0x85: {  	_ =	shalt  }
0x86: {  	_ =	shalt  }
0x87: {  	_ =	shalt  }
.Lfunc_end0:
.L_simem_size_0:
called_computation.1_lowered:
.L_overlay_start_0:
0x88: {  	s2 =	sld [smem:$0x3FD9]  }
0x89: {  	s3 =	sld [smem:$0x3FFE];
	_ =	sdelay $0x1  }
0x8a: {  	s1 =	srdreg.scid  }
0x8b: {  	s0 =	sand.u32 $0x1, s1  }
0x8c: {  	s17 =	sshll.u32 s0, $0xA;
	s2 =	sadd.s32 s3, s2  }
0x8d: {  	s2 =	sadd.s32 s2, s17  }
0x8e: {  	[smem:$0x3FB5] =	sst s2  }
0x8f: {  	_ = 	snop  }
0x90: {  	s2 =	sld [smem:$0x3FD0];
	(tm) =	ssettm $0x1  }
0x91: {  	s18 =	sld [smem:$0x3FFB];
	_ =	sdelay $0x3  }
0x92: {  	_ =	strace s18  }
0x93: {  	s3 =	sld [smem:$0x3FFC];
	_ =	sdelay $0x3  }
0x94: {  	_ =	strace s3  }
0x95: {  	s3 =	sld [smem:$0x3FFD];
	_ =	sdelay $0x3  }
0x96: {  	_ =	strace s3  }
0x97: {  	_ =	strace $0x8FFFFFFF  }
0x98: {  	s19 =	sld [smem:$0x3FDB];
	_ =	sdelay $0x1  }
0x99: {  	s4 =	simm.s32 $_scs_section_size  }
0x9a: {  	s5 =	simm.s32 $_size__tile_overlayer_lowered;
	s6 =	simm.s32 $_tile_overlayer_lowered  }
0x9b: {  	s22 =	simm.s32 $0x1BFF;
	s21 =	sshll.u32 s6, $0x1;
	s3 =	sadd.s32 s4, s19  }
0x9c: {  	s7 =	simm.s32 $0x0;
	s20 =	sshll.u32 s5, $0x1;
	s5 =	sadd.s32 s21, s3  }
0x9d: {  	[timem:s7], [sflag:s22] =	dma.local [hbm:s5], s20  }
0x9e: {  	_ =	swait.ge [sflag:s22], s20  }
0x9f: {  	s4 =	ssub.s32 $0x0, s20;
	[sflag:s22] =	ssyncset.done $0x0  }
0xa0: {  	[sflag:s22] =	ssyncadd.s32 s4;
	_ =	sdelay $0x1  }
0xa1: {  	s23 =	simm.s32 $0x1B8B  }
0xa2: {  	_ =	swait.ge [sflag:s23], $0x1  }
0xa3: {  	[sflag:s23] =	ssyncset.done $0x0  }
0xa4: {  	s25 =	simm.s32 $0x1B8E;
	s24 =	sld [smem:$0x3FFE];
	[sflag:s23] =	ssyncadd.s32 $0xFFFFFFFF  }
0xa5: {  	s26 =	simm.s32 $execute0_lowered;
	[smem:$0x3FD2] =	sst s25  }
0xa6: {  	s5 =	sshll.u32 s26, $0x1;
	_ =	strace $0x80000049;
	[dreg:$0x1] =	wrdreg $0xFFFFFFFF  }
0xa7: {  	s28 =	simm.s32 $_size_execute0_lowered;
	s3 =	sadd.s32 s3, s5;
	[dreg:$0x0] =	wrdreg $0x0  }
0xa8: {  	s5 =	sshll.u32 s28, $0x1;
	[dreg:$0x2] =	wrdreg s3  }
0xa9: {  	[dreg:$0x3] =	wrdreg s5  }
0xaa: {  	[dreg:$0x4] =	wrdreg $0xC0  }
0xab: {  	_ =	task [dreg:s7], $0x5FFFF  }
0xac: {  	[dreg:$0x1] =	wrdreg $0xFFFFFFFF  }
0xad: {  	[dreg:$0x0] =	wrdreg $0x60  }
0xae: {  	[dreg:$0x2] =	wrdreg s24  }
0xaf: {  	[dreg:$0x3] =	wrdreg s2  }
0xb0: {  	[dreg:$0x4] =	wrdreg $0x9  }
0xb1: {  	_ =	task.clear_ibuf [dreg:s7], $0x5FFFF;
	_ =	strace $0x90000049  }
0xb2: {  	s29 =	simm.s32 $0x9;
	_ =	strace $0x8000004B  }
0xb3: {  	_ =	swait.ge [sflag:s29], $0x1  }
0xb4: {  	[sflag:s29] =	ssyncadd.s32 $0xFFFFFFFF  }
0xb5: {  	_ =	strace $0x9000004B  }
0xb6: {  	_ =	sfence  }
0xb7: {  	s30 =	sld [smem:$0x0];
	_ =	sdelay $0x2  }
0xb8: {  	s31 =	sshll.u32 s1, $0xD;
	s1 =	sshrl.u32 s1, $0x2  }
0xb9: {  	s3 =	sand.u32 $0x4000, s31;
	s1 =	sadd.s32 s1, s30  }
0xba: {  	s0 =	sor.u32 s3, s0;
	s1 =	sshll.u32 s1, $0x11  }
0xbb: {  	s0 =	sor.u32 s1, s0  }
0xbc: {  	s0 =	sadd.s32 $0x8F2B, s0  }
0xbd: {  	[sflag:s0] =	ssyncadd.remote.s32 $0x1  }
0xbe: {  	_ =	sfence.sel $0xFFFF  }
0xbf: {  	[dreg:$0x0] =	wrdreg $0xFFFFFFFF;
	(pc) =	sbr.abs _section_cstart, $3  }
0xc0: {  	[dreg:$0x1] =	wrdreg $0xFFFFFFFF  }
0xc1: {  	_ =	task.clear_ibuf [dreg:s7], $0x2FFFF;
	_ =	strace $0x9FFFFFFF  }
0xc2: {  	(tm) =	ssettm $0x7FFFFFFF  }
0xc3: {  	_ =	shalt  }
tec
execute0_lowered:
.L_overlay_start_1:
0x0: {  	(tag) =	ssettag $0x1  }
0x1: {  	s4 =	rddreg [dreg:$0x0]  }
0x2: {  	s13 =	rddreg [dreg:$0x1]  }
0x3: {  	s0 =	rddreg [dreg:$0x2];
	s1 =	simm.s32 $0x0  }
0x4: {  	s5 =	srdreg.scid;
	s3 =	stileid.u32;
	s16 =	simm.s32 $0x80  }
0x5: {  	s17 =	simm.s32 $0x200;
	s18 =	simm.s32 $0x280;
	s19 =	simm.s32 $0x100  }
0x6: {  	s20 =	simm.s32 $0x1;
	s21 =	simm.s32 $0x180;
	s22 =	simm.s32 $0x300  }
0x7: {  	[smem:$0x7FF] =	sst s1;
	s2 =	sadd.s32 $0x1A00, s4;
	s9 =	sadd.s32 $0x61A00, s4  }
0x8: {  	s10 =	sadd.s32 $0x61E00, s4;
	s11 =	sadd.s32 $0x152200, s4;
	s5 =	sand.u32 $0x1, s5  }
0x9: {  	s7 =	sshll.u32 s3, $0x6;
	s6 =	ssub.s32 $0x2, s5;
	s5 =	sshll.u32 s5, $0x5  }
0xa: {  	s12 =	sadd.s32 $0x152600, s4;
	s31 =	sshrl.u32 s6, $0x1;
	s8 =	sor.u32 s5, s7  }
0xb: {  	_ =	strace $0x8000004A;
	s14 =	ssub.s32 s6, s31;
	s4 =	sadd.s32 s9, s8  }
0xc: {  	s5 =	sadd.s32 s10, s8;
	s6 =	sadd.s32 s11, s8;
	s15 =	sor.u32 $0x10, s8  }
0xd: {  	s7 =	sadd.s32 s12, s8;
	s8 =	sadd.s32 s13, s8;
	s9 =	sadd.s32 s9, s15  }
0xe: {  	s10 =	sadd.s32 s10, s15;
	s11 =	sadd.s32 s11, s15;
	s12 =	sadd.s32 s12, s15  }
0xf: {  	s13 =	sadd.s32 s13, s15;
	s14 =	smax.u32 s14, $0x1;
	s15 =	simm.s32 $0x2  }
.LBB2_1:
0x10: {  	[tilespmem:s1], [sflag:$0x2] =	stream.linear.gather [hbm4b:s4+s1], $0x80, $0x38;
	[tilespmem:$0x380] =	vst v63  }
0x11: {  	_ =	swait.ge [sflag:s15], $0x80  }
0x12: {  	[sflag:s15] =	ssyncset.done $0x0  }
0x13: {  	[sflag:s15] =	ssyncadd.s32 $0xFFFFFF80  }
0x14: {  	[tilespmem:s16], [sflag:$0x2] =	stream.linear.gather [hbm4b:s5+s1], $0x80, $0x38;
	[tilespmem:$0x380] =	vst v63  }
0x15: {  	_ =	swait.ge [sflag:s15], $0x80  }
0x16: {  	[sflag:s15] =	ssyncset.done $0x0  }
0x17: {  	[sflag:s15] =	ssyncadd.s32 $0xFFFFFF80  }
0x18: {  	[tilespmem:s17], [sflag:$0x2] =	stream.linear.gather [hbm4b:s6+s1], $0x80, $0x38;
	[tilespmem:$0x380] =	vst v63  }
0x19: {  	_ =	swait.ge [sflag:s15], $0x80  }
0x1a: {  	[sflag:s15] =	ssyncset.done $0x0  }
0x1b: {  	[sflag:s15] =	ssyncadd.s32 $0xFFFFFF80  }
0x1c: {  	[tilespmem:s18], [sflag:$0x2] =	stream.linear.gather [hbm4b:s7+s1], $0x80, $0x38;
	[tilespmem:$0x380] =	vst v63  }
0x1d: {  	_ =	swait.ge [sflag:s15], $0x80  }
0x1e: {  	[sflag:s15] =	ssyncset.done $0x0  }
0x1f: {  	[sflag:s15] =	ssyncadd.s32 $0xFFFFFF80  }
0x20: {  	[tilespmem:s19], [sflag:$0x1] =	stream.indirect.gather [hbm4b:s2+s16], $0x1, s1, s16, $0xb8;
	[tilespmem:$0x380] =	vst v63  }
0x21: {  	_ =	swait.ge [sflag:s20], $0x80  }
0x22: {  	[sflag:s20] =	ssyncset.done $0x0  }
0x23: {  	[sflag:s20] =	ssyncadd.s32 $0xFFFFFF80  }
0x24: {  	[tilespmem:s21], [sflag:$0x1] =	stream.indirect.gather [hbm4b:s2+s16], $0x1, s16, s16, $0xb8;
	[tilespmem:$0x380] =	vst v63  }
0x25: {  	_ =	swait.ge [sflag:s20], $0x80  }
0x26: {  	[sflag:s20] =	ssyncset.done $0x0  }
0x27: {  	[sflag:s20] =	ssyncadd.s32 $0xFFFFFF80  }
0x28: {  	v0 =	vld [tilespmem:$0x200]  }
0x29: {  	v1 =	vld [tilespmem:$0x100]  }
0x2a: {  	v2 =	vld [tilespmem:$0x280]  }
0x2b: {  	v3 =	vld [tilespmem:$0x180]  }
0x2c: {  	v4 =	vld [tilespmem:$0x210]  }
0x2d: {  	v5 =	vld [tilespmem:$0x110]  }
0x2e: {  	v6 =	vld [tilespmem:$0x290]  }
0x2f: {  	v7 =	vld [tilespmem:$0x190]  }
0x30: {  	v8 =	vld [tilespmem:$0x220]  }
0x31: {  	v9 =	vld [tilespmem:$0x120]  }
0x32: {  	v10 =	vld [tilespmem:$0x2A0]  }
0x33: {  	v11 =	vld [tilespmem:$0x1A0]  }
0x34: {  	v12 =	vld [tilespmem:$0x230]  }
0x35: {  	v13 =	vld [tilespmem:$0x130]  }
0x36: {  	v14 =	vld [tilespmem:$0x2B0]  }
0x37: {  	v15 =	vld [tilespmem:$0x1B0]  }
0x38: {  	v16 =	vld [tilespmem:$0x240]  }
0x39: {  	v17 =	vld [tilespmem:$0x140]  }
0x3a: {  	v18 =	vld [tilespmem:$0x2C0]  }
0x3b: {  	v19 =	vld [tilespmem:$0x1C0]  }
0x3c: {  	v20 =	vld [tilespmem:$0x250]  }
0x3d: {  	v21 =	vld [tilespmem:$0x150]  }
0x3e: {  	v22 =	vld [tilespmem:$0x2D0]  }
0x3f: {  	v23 =	vld [tilespmem:$0x1D0]  }
0x40: {  	v24 =	vld [tilespmem:$0x260]  }
0x41: {  	v25 =	vld [tilespmem:$0x160]  }
0x42: {  	v26 =	vld [tilespmem:$0x2E0]  }
0x43: {  	v27 =	vld [tilespmem:$0x1E0]  }
0x44: {  	v28 =	vld [tilespmem:$0x270]  }
0x45: {  	v57 =	vld [tilespmem:$0x170];
	v0 =	vmul.f32 v1, v0;
	v56 =	vmul.f32 v3, v2  }
0x46: {  	v60 =	vld [tilespmem:$0x2F0];
	v58 =	vmul.f32 v5, v4;
	v59 =	vmul.f32 v7, v6  }
0x47: {  	v63 =	vld [tilespmem:$0x1F0];
	v61 =	vmul.f32 v9, v8;
	v62 =	vmul.f32 v11, v10;
	v0 =	vadd.f32 v56, v0  }
0x48: {  	v29 =	vmul.f32 v13, v12;
	v30 =	vmul.f32 v15, v14;
	v3 =	vadd.f32 v59, v58  }
0x49: {  	v32 =	vmul.f32 v17, v16;
	v33 =	vmul.f32 v19, v18;
	v31 =	vadd.f32 v62, v61;
	[tilespmem:$0x300] =	vst v0  }
0x4a: {  	v35 =	vmul.f32 v21, v20;
	v36 =	vmul.f32 v23, v22;
	v34 =	vadd.f32 v30, v29;
	[tilespmem:$0x310] =	vst v3  }
0x4b: {  	v38 =	vmul.f32 v25, v24;
	v39 =	vmul.f32 v27, v26;
	v37 =	vadd.f32 v33, v32;
	[tilespmem:$0x320] =	vst v31  }
0x4c: {  	v2 =	vmul.f32 v57, v28;
	v41 =	vmul.f32 v63, v60;
	v40 =	vadd.f32 v36, v35;
	[tilespmem:$0x330] =	vst v34  }
0x4d: {  	v42 =	vadd.f32 v39, v38;
	[tilespmem:$0x340] =	vst v37  }
0x4e: {  	v43 =	vadd.f32 v41, v2;
	[tilespmem:$0x350] =	vst v40  }
0x4f: {  	[tilespmem:$0x360] =	vst v42  }
0x50: {  	[tilespmem:$0x370] =	vst v43  }
0x51: {  	[hbm4b:s8+s1] =	stream.linear.scatter [tilespmem:s22], [sflag:$0x2], $0x80, $0x38;
	[tilespmem:$0x380] =	vst v63  }
0x52: {  	_ =	swait.ge [sflag:s15], $0x80  }
0x53: {  	[sflag:s15] =	ssyncset.done $0x0  }
0x54: {  	[sflag:s15] =	ssyncadd.s32 $0xFFFFFF80  }
0x55: {  	[tilespmem:s1], [sflag:$0x2] =	stream.linear.gather [hbm4b:s9+s1], $0x80, $0x38;
	[tilespmem:$0x380] =	vst v63  }
0x56: {  	_ =	swait.ge [sflag:s15], $0x80  }
0x57: {  	[sflag:s15] =	ssyncset.done $0x0  }
0x58: {  	[sflag:s15] =	ssyncadd.s32 $0xFFFFFF80  }
0x59: {  	[tilespmem:s16], [sflag:$0x2] =	stream.linear.gather [hbm4b:s10+s1], $0x80, $0x38;
	[tilespmem:$0x380] =	vst v63  }
0x5a: {  	_ =	swait.ge [sflag:s15], $0x80  }
0x5b: {  	[sflag:s15] =	ssyncset.done $0x0  }
0x5c: {  	[sflag:s15] =	ssyncadd.s32 $0xFFFFFF80  }
0x5d: {  	[tilespmem:s17], [sflag:$0x2] =	stream.linear.gather [hbm4b:s11+s1], $0x80, $0x38;
	[tilespmem:$0x380] =	vst v63  }
0x5e: {  	_ =	swait.ge [sflag:s15], $0x80  }
0x5f: {  	[sflag:s15] =	ssyncset.done $0x0  }
0x60: {  	[sflag:s15] =	ssyncadd.s32 $0xFFFFFF80  }
0x61: {  	[tilespmem:s18], [sflag:$0x2] =	stream.linear.gather [hbm4b:s12+s1], $0x80, $0x38;
	[tilespmem:$0x380] =	vst v63  }
0x62: {  	_ =	swait.ge [sflag:s15], $0x80  }
0x63: {  	[sflag:s15] =	ssyncset.done $0x0  }
0x64: {  	[sflag:s15] =	ssyncadd.s32 $0xFFFFFF80  }
0x65: {  	[tilespmem:s19], [sflag:$0x1] =	stream.indirect.gather [hbm4b:s2+s16], $0x1, s1, s16, $0xb8;
	[tilespmem:$0x380] =	vst v63  }
0x66: {  	_ =	swait.ge [sflag:s20], $0x80  }
0x67: {  	[sflag:s20] =	ssyncset.done $0x0  }
0x68: {  	[sflag:s20] =	ssyncadd.s32 $0xFFFFFF80  }
0x69: {  	[tilespmem:s21], [sflag:$0x1] =	stream.indirect.gather [hbm4b:s2+s16], $0x1, s16, s16, $0xb8;
	[tilespmem:$0x380] =	vst v63  }
0x6a: {  	_ =	swait.ge [sflag:s20], $0x80  }
0x6b: {  	[sflag:s20] =	ssyncset.done $0x0  }
0x6c: {  	[sflag:s20] =	ssyncadd.s32 $0xFFFFFF80  }
0x6d: {  	v44 =	vld [tilespmem:$0x200]  }
0x6e: {  	v45 =	vld [tilespmem:$0x100]  }
0x6f: {  	v46 =	vld [tilespmem:$0x280]  }
0x70: {  	v47 =	vld [tilespmem:$0x180]  }
0x71: {  	v48 =	vld [tilespmem:$0x210]  }
0x72: {  	v49 =	vld [tilespmem:$0x110]  }
0x73: {  	v50 =	vld [tilespmem:$0x290]  }
0x74: {  	v51 =	vld [tilespmem:$0x190]  }
0x75: {  	v52 =	vld [tilespmem:$0x220]  }
0x76: {  	v53 =	vld [tilespmem:$0x120]  }
0x77: {  	v54 =	vld [tilespmem:$0x2A0]  }
0x78: {  	v55 =	vld [tilespmem:$0x1A0]  }
0x79: {  	v56 =	vld [tilespmem:$0x230]  }
0x7a: {  	v57 =	vld [tilespmem:$0x130]  }
0x7b: {  	v58 =	vld [tilespmem:$0x2B0]  }
0x7c: {  	v59 =	vld [tilespmem:$0x1B0]  }
0x7d: {  	v60 =	vld [tilespmem:$0x240]  }
0x7e: {  	v61 =	vld [tilespmem:$0x140]  }
0x7f: {  	v62 =	vld [tilespmem:$0x2C0]  }
0x80: {  	v63 =	vld [tilespmem:$0x1C0]  }
0x81: {  	v32 =	vld [tilespmem:$0x250]  }
0x82: {  	v33 =	vld [tilespmem:$0x150]  }
0x83: {  	v34 =	vld [tilespmem:$0x2D0]  }
0x84: {  	v35 =	vld [tilespmem:$0x1D0]  }
0x85: {  	v36 =	vld [tilespmem:$0x260]  }
0x86: {  	v37 =	vld [tilespmem:$0x160]  }
0x87: {  	v38 =	vld [tilespmem:$0x2E0]  }
0x88: {  	v39 =	vld [tilespmem:$0x1E0]  }
0x89: {  	v40 =	vld [tilespmem:$0x270]  }
0x8a: {  	v42 =	vld [tilespmem:$0x170];
	v0 =	vmul.f32 v45, v44;
	v41 =	vmul.f32 v47, v46  }
0x8b: {  	v43 =	vmul.f32 v49, v48;
	v44 =	vmul.f32 v51, v50;
	v45 =	vld [tilespmem:$0x2F0]  }
0x8c: {  	v46 =	vmul.f32 v53, v52;
	v47 =	vmul.f32 v55, v54;
	v48 =	vld [tilespmem:$0x1F0];
	v0 =	vadd.f32 v41, v0  }
0x8d: {  	v49 =	vmul.f32 v57, v56;
	v50 =	vmul.f32 v59, v58;
	v3 =	vadd.f32 v44, v43  }
0x8e: {  	v52 =	vmul.f32 v61, v60;
	v53 =	vmul.f32 v63, v62;
	v51 =	vadd.f32 v47, v46;
	[tilespmem:$0x300] =	vst v0  }
0x8f: {  	v55 =	vmul.f32 v33, v32;
	v56 =	vmul.f32 v35, v34;
	v54 =	vadd.f32 v50, v49;
	[tilespmem:$0x310] =	vst v3  }
0x90: {  	v58 =	vmul.f32 v37, v36;
	v59 =	vmul.f32 v39, v38;
	v57 =	vadd.f32 v53, v52;
	[tilespmem:$0x320] =	vst v51  }
0x91: {  	v2 =	vmul.f32 v42, v40;
	v60 =	vadd.f32 v56, v55;
	[tilespmem:$0x330] =	vst v54;
	v61 =	vmul.f32 v48, v45  }
0x92: {  	v62 =	vadd.f32 v59, v58;
	[tilespmem:$0x340] =	vst v57  }
0x93: {  	[tilespmem:$0x350] =	vst v60;
	v63 =	vadd.f32 v61, v2  }
0x94: {  	p0 =	sne.s32 s14, $0x1;
	[tilespmem:$0x360] =	vst v62  }
.Ltmp0:
0x95: {  	[tilespmem:$0x370] =	vst v63;
	(pc) =	sbr.rel @p0 .LBB2_1-.Ltmp0, $4  }
0x96: {  	[hbm4b:s13+s1] =	stream.linear.scatter [tilespmem:s22], [sflag:$0x2], $0x80, $0x38;
	[tilespmem:$0x380] =	vst v63  }
0x97: {  	_ =	swait.ge [sflag:s15], $0x80  }
0x98: {  	[sflag:s15] =	ssyncset.done $0x0  }
0x99: {  	s14 =	sadd.s32 $0xFFFFFFFF, s14;
	[sflag:s15] =	ssyncadd.s32 $0xFFFFFF80  }
0x9a: {  	_ =	sfence.sel $0x180000  }
0x9b: {  	[bflag:$0x0] =	sbarrier.arrive $0xFFFF  }
0x9c: {  	p0 =	sne.s32 s3, $0x0;
	_ =	strace $0x9000004A  }
0x9d: {  	s0 =	sadd.s32 @!p0 $0x100000, s0;
	[bflag:$0x2] =	sbarrier.arrive $0xFFFF  }
0x9e: {  	[sflag:s0] =	ssyncadd.tile.s32 @!p0 $0x1;
	_ =	shalt  }
.Lfunc_end2:
_tile_overlayer_lowered:
.L_overlay_start_2:
0x9f: {  	(tag) =	ssettag $0x2  }
0xa0: {  	s0 =	rddreg [dreg:$0x0];
	s2 =	stileid.u32  }
0xa1: {  	s1 =	rddreg [dreg:$0x1];
	p0 =	sne.s32 s2, $0x0  }
0xa2: {  	s3 =	rddreg [dreg:$0x2];
	[bflag:$0x3] =	sbarrier.arrive $0xFFFF;
	s2 =	simm.s32 @!p0 $0x1C02  }
0xa3: {  	[timem:s3], [sflag:s2] =	dma.local @!p0 [hbm:s0], s1  }
0xa4: {  	s0 =	simm.s32 @!p0 $0x2  }
0xa5: {  	_ =	swait.ge @!p0 [sflag:s0], s1  }
0xa6: {  	s1 =	ssub.s32 @!p0 $0x0, s1;
	[sflag:s0] =	ssyncset.done @!p0 $0x0  }
0xa7: {  	[sflag:s0] =	ssyncadd.s32 @!p0 s1  }
0xa8: {  	[bflag:$0x3] =	sbarrier.arrive $0xFFFF  }
0xa9: {  	_ =	shalt  }

// kernel: kernel.7.cloned.1.call-start
scs
__scs_entry_jumppad:
0x0: {  	(pc) =	sbr.rel $0x88, $3  }
0x1: {  	(tag) =	ssettag $0x0;
	lr =	simm.s32 $0x1  }
0x2: {  	[smem:$0x3F8E] =	sst lr;
	_ =	strace $0xD0000000  }
0x3: {  	_ = 	snop  }
0x4: {  	_ = 	snop  }
0x5: {  	_ = 	snop  }
0x6: {  	_ = 	snop  }
0x7: {  	_ = 	snop  }
__scs_overlays_trampoline_lowered:
0x8: {  	[smem:$0x3F9D] =	sst s0  }
0x9: {  	[smem:$0x3F9E] =	sst s1  }
0xa: {  	[smem:$0x3F9F] =	sst s2  }
0xb: {  	[smem:$0x3FA0] =	sst s3  }
0xc: {  	[smem:$0x3FA1] =	sst s4  }
0xd: {  	[smem:$0x3FA2] =	sst s5  }
0xe: {  	[smem:$0x3FA3] =	sst s6  }
0xf: {  	[smem:$0x3FA4] =	sst s7  }
0x10: {  	[smem:$0x3FA5] =	sst s8  }
0x11: {  	[smem:$0x3FA6] =	sst s9;
	s0 =	simm.s32 @!p0 $0x0  }
0x12: {  	s1 =	sld [smem:$0x3F8C];
	s0 =	simm.s32 @p0 $0x1  }
0x13: {  	[smem:$0x3FA7] =	sst s0;
	s0 =	simm.s32 @!p1 $0x0  }
0x14: {  	s2 =	sld [smem:$0x3F8B];
	s0 =	simm.s32 @p1 $0x1  }
0x15: {  	[smem:$0x3FA8] =	sst s0;
	s0 =	simm.s32 @!p2 $0x0  }
0x16: {  	s3 =	sld [smem:$0x3FDB];
	s0 =	simm.s32 @p2 $0x1  }
0x17: {  	s4 =	simm.s32 $0x1BF5;
	[smem:$0x3FAA] =	sst s0  }
0x18: {  	s0 =	sld [smem:$0x3F8D];
	_ =	swait.ge [sflag:s4], $0x0  }
0x19: {  	s7 =	sld [smem:$0x3F8E]  }
0x1a: {  	s8 =	sadd.s32 $0xFFFFE003, lr  }
0x1b: {  	s9 =	sadd.s32 $0xFFFFFEF7, lr;
	s5 =	simm.s32 $0xFFFFFFFF;
	p2 =	slt.u32 s8, $0xFFFFF086  }
0x1c: {  	p1 =	slt.u32 s9, $0xF7A;
	s5 =	simm.s32 @!p2 $0x0  }
0x1d: {  	s5 =	simm.s32 @p1 $0x1;
	p0 =	seq.s32 s7, s2  }
0x1e: {  	s7 =	smul.u32 @!p0 $0xF7A, s2;
	p2 =	seq.s32 @!p0 s5, $0x0  }
0x1f: {  	s9 =	smul.u32 $0xF7A, s1;
	s8 =	simm.s32 @!p0 $0x1BF5;
	p2 =	por !p2, p0  }
0x20: {  	[sflag:s8] =	ssyncset.s32 @!p0 $0xFFFFF086;
	s6 =	sadd.s32 @!p0 s3, s7;
	s7 =	simm.s32 @!p0 $0x108  }
0x21: {  	s3 =	sadd.s32 s3, s9;
	s6 =	sadd.s32 @!p0 $0x88, s6;
	s7 =	simm.s32 @p2 $0x1082  }
0x22: {  	[simem:s7], [sflag:s8] =	dma.local @!p0 [hbm:s6], $0xF7A  }
0x23: {  	s9 =	sor.u32 $0xD0000000, s2;
	s6 =	simm.s32 $0x108;
	_ =	swait.ge @!p0 [sflag:s8], $0x0  }
0x24: {  	s3 =	sadd.s32 $0x88, s3;
	s6 =	simm.s32 @!p1 $0x1082;
	[sflag:s4] =	ssyncset.s32 $0xFFFFF086  }
0x25: {  	[simem:s6], [sflag:s4] =	dma.local [hbm:s3], $0xF7A  }
0x26: {  	[smem:$0x3F8E] =	sst s1;
	(tag) =	ssettag s2;
	_ =	strace s9  }
0x27: {  	s1 =	sld [smem:$0x3F9E]  }
0x28: {  	s2 =	sld [smem:$0x3F9F]  }
0x29: {  	s4 =	sld [smem:$0x3FA1]  }
0x2a: {  	p0 =	seq.s32 s5, $0x0;
	s5 =	sld [smem:$0x3FA2]  }
0x2b: {  	s6 =	sld [smem:$0x3FA3]  }
0x2c: {  	s7 =	sld [smem:$0x3FA4]  }
0x2d: {  	s3 =	simm.s32 $0x108;
	s8 =	sld [smem:$0x3FA5]  }
0x2e: {  	s3 =	simm.s32 @!p0 $0x1082;
	s9 =	sld [smem:$0x3FA6]  }
0x2f: {  	lr =	sadd.s32 s0, s3;
	s0 =	sld [smem:$0x3F9D]  }
0x30: {  	s3 =	sld [smem:$0x3FA0]  }
0x31: {  	[smem:$0x3FA9] =	sst s10  }
0x32: {  	s10 =	sld [smem:$0x3FA7];
	_ =	sdelay $0x3  }
0x33: {  	p0 =	seq.s32 s10, $0x1;
	s10 =	sld [smem:$0x3FA9];
	_ =	sdelay $0x3  }
0x34: {  	[smem:$0x3FA9] =	sst s10  }
0x35: {  	s10 =	sld [smem:$0x3FA8];
	_ =	sdelay $0x3  }
0x36: {  	p1 =	seq.s32 s10, $0x1;
	s10 =	sld [smem:$0x3FA9];
	_ =	sdelay $0x3  }
0x37: {  	[smem:$0x3FA9] =	sst s10  }
0x38: {  	s10 =	sld [smem:$0x3FAA]  }
0x39: {  	_ = 	snop;
	(pc) =	sbr.ind lr, $3  }
0x3a: {  	_ = 	snop  }
0x3b: {  	_ = 	snop  }
0x3c: {  	p2 =	seq.s32 s10, $0x1;
	s10 =	sld [smem:$0x3FA9]  }
0x3d: {  	_ =	shalt  }
0x3e: {  	_ =	shalt  }
0x3f: {  	_ =	shalt  }
0x40: {  	_ =	shalt  }
0x41: {  	_ =	shalt  }
0x42: {  	_ =	shalt  }
0x43: {  	_ =	shalt  }
0x44: {  	_ =	shalt  }
0x45: {  	_ =	shalt  }
0x46: {  	_ =	shalt  }
0x47: {  	_ =	shalt  }
0x48: {  	_ =	shalt  }
0x49: {  	_ =	shalt  }
0x4a: {  	_ =	shalt  }
0x4b: {  	_ =	shalt  }
0x4c: {  	_ =	shalt  }
0x4d: {  	_ =	shalt  }
0x4e: {  	_ =	shalt  }
0x4f: {  	_ =	shalt  }
0x50: {  	_ =	shalt  }
0x51: {  	_ =	shalt  }
0x52: {  	_ =	shalt  }
0x53: {  	_ =	shalt  }
0x54: {  	_ =	shalt  }
0x55: {  	_ =	shalt  }
0x56: {  	_ =	shalt  }
0x57: {  	_ =	shalt  }
0x58: {  	_ =	shalt  }
0x59: {  	_ =	shalt  }
0x5a: {  	_ =	shalt  }
0x5b: {  	_ =	shalt  }
0x5c: {  	_ =	shalt  }
0x5d: {  	_ =	shalt  }
0x5e: {  	_ =	shalt  }
0x5f: {  	_ =	shalt  }
0x60: {  	_ =	shalt  }
0x61: {  	_ =	shalt  }
0x62: {  	_ =	shalt  }
0x63: {  	_ =	shalt  }
0x64: {  	_ =	shalt  }
0x65: {  	_ =	shalt  }
0x66: {  	_ =	shalt  }
0x67: {  	_ =	shalt  }
0x68: {  	_ =	shalt  }
0x69: {  	_ =	shalt  }
0x6a: {  	_ =	shalt  }
0x6b: {  	_ =	shalt  }
0x6c: {  	_ =	shalt  }
0x6d: {  	_ =	shalt  }
0x6e: {  	_ =	shalt  }
0x6f: {  	_ =	shalt  }
0x70: {  	_ =	shalt  }
0x71: {  	_ =	shalt  }
0x72: {  	_ =	shalt  }
0x73: {  	_ =	shalt  }
0x74: {  	_ =	shalt  }
0x75: {  	_ =	shalt  }
0x76: {  	_ =	shalt  }
0x77: {  	_ =	shalt  }
0x78: {  	_ =	shalt  }
0x79: {  	_ =	shalt  }
0x7a: {  	_ =	shalt  }
0x7b: {  	_ =	shalt  }
0x7c: {  	_ =	shalt  }
0x7d: {  	_ =	shalt  }
0x7e: {  	_ =	shalt  }
0x7f: {  	_ =	shalt  }
0x80: {  	_ =	shalt  }
0x81: {  	_ =	shalt  }
0x82: {  	_ =	shalt  }
0x83: {  	_ =	shalt  }
0x84: {  	_ =	shalt  }
0x85: {  	_ =	shalt  }
0x86: {  	_ =	shalt  }
0x87: {  	_ =	shalt  }
.Lfunc_end0:
.L_simem_size_0:
called_computation_lowered:
.L_overlay_start_0:
0x88: {  	s2 =	sld [smem:$0x3FD9]  }
0x89: {  	s3 =	sld [smem:$0x3FFE];
	_ =	sdelay $0x1  }
0x8a: {  	s1 =	srdreg.scid  }
0x8b: {  	s0 =	sand.u32 $0x1, s1  }
0x8c: {  	s16 =	sshll.u32 s0, $0xA;
	s2 =	sadd.s32 s3, s2  }
0x8d: {  	s2 =	sadd.s32 s2, s16  }
0x8e: {  	[smem:$0x3FB5] =	sst s2  }
0x8f: {  	_ = 	snop  }
0x90: {  	(tm) =	ssettm $0x1  }
0x91: {  	s17 =	sld [smem:$0x3FFB];
	_ =	sdelay $0x3  }
0x92: {  	_ =	strace s17  }
0x93: {  	s2 =	sld [smem:$0x3FFC];
	_ =	sdelay $0x3  }
0x94: {  	_ =	strace s2  }
0x95: {  	s2 =	sld [smem:$0x3FFD];
	_ =	sdelay $0x3  }
0x96: {  	_ =	strace s2  }
0x97: {  	_ =	strace $0x8FFFFFFF  }
0x98: {  	s18 =	sld [smem:$0x3FDB];
	_ =	sdelay $0x1  }
0x99: {  	s19 =	simm.s32 $_scs_section_size  }
0x9a: {  	s4 =	simm.s32 $_size__tile_overlayer_lowered;
	s5 =	simm.s32 $_tile_overlayer_lowered  }
0x9b: {  	s22 =	simm.s32 $0x1BFF;
	s21 =	sshll.u32 s5, $0x1;
	s2 =	sadd.s32 s19, s18  }
0x9c: {  	s6 =	simm.s32 $0x0;
	s20 =	sshll.u32 s4, $0x1;
	s4 =	sadd.s32 s21, s2  }
0x9d: {  	[timem:s6], [sflag:s22] =	dma.local [hbm:s4], s20  }
0x9e: {  	_ =	swait.ge [sflag:s22], s20  }
0x9f: {  	s3 =	ssub.s32 $0x0, s20;
	[sflag:s22] =	ssyncset.done $0x0  }
0xa0: {  	[sflag:s22] =	ssyncadd.s32 s3;
	_ =	sdelay $0x1  }
0xa1: {  	s23 =	simm.s32 $0x1B8B  }
0xa2: {  	_ =	swait.ge [sflag:s23], $0x1  }
0xa3: {  	[sflag:s23] =	ssyncset.done $0x0  }
0xa4: {  	s25 =	simm.s32 $0x1B8E;
	s24 =	sld [smem:$0x3FFE];
	[sflag:s23] =	ssyncadd.s32 $0xFFFFFFFF  }
0xa5: {  	s26 =	simm.s32 $execute0_lowered;
	[smem:$0x3FD2] =	sst s25  }
0xa6: {  	s4 =	sshll.u32 s26, $0x1;
	_ =	strace $0x80000046;
	[dreg:$0x1] =	wrdreg $0xFFFFFFFF  }
0xa7: {  	s28 =	simm.s32 $_size_execute0_lowered;
	s2 =	sadd.s32 s2, s4;
	[dreg:$0x0] =	wrdreg $0x0  }
0xa8: {  	s4 =	sshll.u32 s28, $0x1;
	[dreg:$0x2] =	wrdreg s2  }
0xa9: {  	[dreg:$0x3] =	wrdreg s4  }
0xaa: {  	[dreg:$0x4] =	wrdreg $0xC0  }
0xab: {  	_ =	task [dreg:s6], $0x5FFFF  }
0xac: {  	[dreg:$0x1] =	wrdreg $0xFFFFFFFF  }
0xad: {  	[dreg:$0x0] =	wrdreg $0x60  }
0xae: {  	[dreg:$0x2] =	wrdreg s24  }
0xaf: {  	[dreg:$0x3] =	wrdreg $0x9  }
0xb0: {  	_ =	task.clear_ibuf [dreg:s6], $0x4FFFF;
	_ =	strace $0x90000046  }
0xb1: {  	s29 =	simm.s32 $0x9;
	_ =	strace $0x80000048  }
0xb2: {  	_ =	swait.ge [sflag:s29], $0x1  }
0xb3: {  	[sflag:s29] =	ssyncadd.s32 $0xFFFFFFFF  }
0xb4: {  	_ =	strace $0x90000048  }
0xb5: {  	_ =	sfence  }
0xb6: {  	s30 =	sld [smem:$0x0];
	_ =	sdelay $0x2  }
0xb7: {  	s31 =	sshll.u32 s1, $0xD;
	s1 =	sshrl.u32 s1, $0x2  }
0xb8: {  	s3 =	sand.u32 $0x4000, s31;
	s1 =	sadd.s32 s1, s30  }
0xb9: {  	s0 =	sor.u32 s3, s0;
	s1 =	sshll.u32 s1, $0x11  }
0xba: {  	s0 =	sor.u32 s1, s0  }
0xbb: {  	s0 =	sadd.s32 $0x8F2B, s0  }
0xbc: {  	[sflag:s0] =	ssyncadd.remote.s32 $0x1  }
0xbd: {  	_ =	sfence.sel $0xFFFF  }
0xbe: {  	[dreg:$0x0] =	wrdreg $0xFFFFFFFF;
	(pc) =	sbr.abs _section_cstart, $3  }
0xbf: {  	[dreg:$0x1] =	wrdreg $0xFFFFFFFF  }
0xc0: {  	_ =	task.clear_ibuf [dreg:s6], $0x2FFFF;
	_ =	strace $0x9FFFFFFF  }
0xc1: {  	(tm) =	ssettm $0x7FFFFFFF  }
tec
execute0_lowered:
.L_overlay_start_1:
0x0: {  	(tag) =	ssettag $0x1  }
0x1: {  	s0 =	srdreg.scid  }
0x2: {  	s1 =	stileid.u32;
	s4 =	rddreg [dreg:$0x0];
	s0 =	sand.u32 $0x1, s0  }
0x3: {  	s28 =	simm.s32 $0x18000;
	s1 =	sshll.u32 s1, $0x6;
	s2 =	sshll.u32 s0, $0x5  }
0x4: {  	s5 =	sadd.s32 $0x61A00, s4;
	s1 =	sor.u32 s2, s1;
	s2 =	simm.s32 $0x0  }
0x5: {  	s6 =	sadd.s32 $0x61E00, s4;
	[smem:$0x7FF] =	sst s2;
	s24 =	sadd.s32 s5, s1  }
0x6: {  	s25 =	sadd.s32 s6, s1;
	_ =	strace $0x80000047;
	[dreg:$0x3] =	wrdreg s24  }
0x7: {  	s29 =	simm.s32 $0x18100;
	s30 =	simm.s32 $0x18080;
	[dreg:$0x4] =	wrdreg s25  }
0x8: {  	s31 =	simm.s32 $0x18180;
	s0 =	ssub.s32 $0x2, s0;
	[dreg:$0x7] =	wrdreg s28  }
0x9: {  	s21 =	simm.s32 $0x2;
	s26 =	sshrl.u32 s0, $0x1;
	[dreg:$0x8] =	wrdreg s29  }
0xa: {  	s3 =	smul.u32 $0x180, s1;
	s1 =	sor.u32 $0x10, s1;
	[dreg:$0x9] =	wrdreg s30  }
0xb: {  	s0 =	ssub.s32 s0, s26;
	s5 =	sadd.s32 s5, s1;
	[dreg:$0xa] =	wrdreg s31  }
0xc: {  	v2 =	vlaneseq.u32;
	s1 =	sadd.s32 s6, s1;
	s3 =	sadd.s32 s3, s4;
	[dreg:$0x5] =	wrdreg s5  }
0xd: {  	vm0 =	vmmov $0xffff;
	vm1 =	vmmov $0xff;
	v1 =	vshrl.u32 v2, $0x3;
	[dreg:$0x6] =	wrdreg s1;
	s5 =	smax.u32 s0, $0x1;
	s7 =	sadd.s32 $0x1A00, s3  }
0xe: {  	v0 =	vand.u32 $0x7, v2;
	v2 =	vor.u32 $0x8, v2;
	v1 =	vmul.u32 $0x8, v1;
	s3 =	sadd.s32 $0x62200, s4;
	s4 =	sadd.s32 $0x62300, s4;
	[dreg:$0x2] =	wrdreg s7  }
.LBB2_1:
0xf: {  	s22 =	rddreg [dreg:$0x2]  }
0x10: {  	s23 =	rddreg [dreg:$0x3]  }
0x11: {  	[tilespmem:s2], [sflag:$0x1] =	stream.linear.gather [hbm4b:s22+s2], $0x18000, $0x38;
	[tilespmem:$0x18200] =	vst v63  }
0x12: {  	s24 =	rddreg [dreg:$0x7];
	s0 =	simm.s32 $0x3  }
0x13: {  	[tilespmem:s24], [sflag:$0x3] =	stream.linear.gather [hbm4b:s23+s2], $0x80, $0x38;
	[tilespmem:$0x18200] =	vst v63  }
0x14: {  	_ =	swait.ge [sflag:s0], $0x80  }
0x15: {  	s13 =	rddreg [dreg:$0x4];
	[sflag:s0] =	ssyncset.done $0x0  }
0x16: {  	s14 =	rddreg [dreg:$0x8];
	[sflag:s0] =	ssyncadd.s32 $0xFFFFFF80  }
0x17: {  	[tilespmem:s14], [sflag:$0x3] =	stream.linear.gather [hbm4b:s13+s2], $0x80, $0x38;
	[tilespmem:$0x18200] =	vst v63  }
0x18: {  	_ =	swait.ge [sflag:s0], $0x80  }
0x19: {  	s15 =	rddreg [dreg:$0x5];
	[sflag:s0] =	ssyncset.done $0x0  }
0x1a: {  	s16 =	rddreg [dreg:$0x9];
	[sflag:s0] =	ssyncadd.s32 $0xFFFFFF80  }
0x1b: {  	[tilespmem:s16], [sflag:$0x3] =	stream.linear.gather [hbm4b:s15+s2], $0x80, $0x38;
	[tilespmem:$0x18200] =	vst v63  }
0x1c: {  	_ =	swait.ge [sflag:s0], $0x80  }
0x1d: {  	s17 =	rddreg [dreg:$0x6];
	[sflag:s0] =	ssyncset.done $0x0  }
0x1e: {  	s18 =	rddreg [dreg:$0xa];
	[sflag:s0] =	ssyncadd.s32 $0xFFFFFF80  }
0x1f: {  	[tilespmem:s18], [sflag:$0x3] =	stream.linear.gather [hbm4b:s17+s2], $0x80, $0x38;
	[tilespmem:$0x18200] =	vst v63  }
0x20: {  	_ =	swait.ge [sflag:s0], $0x80  }
0x21: {  	[sflag:s0] =	ssyncset.done $0x0  }
0x22: {  	s19 =	simm.s32 $0x1;
	[sflag:s0] =	ssyncadd.s32 $0xFFFFFF80  }
0x23: {  	_ =	swait.ge [sflag:s19], $0x18000  }
0x24: {  	[sflag:s19] =	ssyncset.done $0x0  }
0x25: {  	[sflag:s19] =	ssyncadd.s32 $0xFFFE8000  }
0x26: {  	v3 =	vld [tilespmem:$0x18000];
	_ =	sdelay $0x4  }
0x27: {  	v4 =	vshrl.u32 v3, $0x3  }
0x28: {  	v4 =	vmul.u32 $0x18, v4  }
0x29: {  	v3 =	vand.u32 $0x7, v3  }
0x2a: {  	v3 =	vor.u32 v3, v4  }
0x2b: {  	v4 =	vperm.xlane v3, v0;
	_ =	sdelay $0x1  }
0x2c: {  	v4 =	vadd.s32 v1, v4;
	_ =	sdelay $0x1  }
0x2d: {  	v3 =	vperm.xlane v3, v2;
	_ =	sdelay $0x1  }
0x2e: {  	v3 =	vadd.s32 v1, v3  }
0x2f: {  	[hbm4b:s3+s2] =	stream.indirect_vreg.scatter [tilespmem:s2], [sflag:$0x2], $0x80, v4, vm0, $0xb8;
	[tilespmem:$0x18200] =	vst v63  }
0x30: {  	s22 =	simm.s32 $0x800  }
0x31: {  	[hbm4b:s4+s2] =	stream.indirect_vreg.scatter [tilespmem:s22], [sflag:$0x2], $0x80, v4, vm1, $0xb8;
	[tilespmem:$0x18200] =	vst v63  }
0x32: {  	s23 =	simm.s32 $0xC00  }
0x33: {  	[hbm4b:s3+s2] =	stream.indirect_vreg.scatter [tilespmem:s23], [sflag:$0x2], $0x80, v3, vm0, $0xb8;
	[tilespmem:$0x18200] =	vst v63  }
0x34: {  	s24 =	simm.s32 $0x1400  }
0x35: {  	[hbm4b:s4+s2] =	stream.indirect_vreg.scatter [tilespmem:s24], [sflag:$0x2], $0x80, v3, vm1, $0xb8;
	[tilespmem:$0x18200] =	vst v63  }
0x36: {  	v3 =	vld [tilespmem:$0x18010];
	_ =	sdelay $0x4  }
0x37: {  	v33 =	vshrl.u32 v3, $0x3  }
0x38: {  	v4 =	vmul.u32 $0x18, v33  }
0x39: {  	v3 =	vand.u32 $0x7, v3  }
0x3a: {  	v3 =	vor.u32 v3, v4  }
0x3b: {  	v4 =	vperm.xlane v3, v0;
	_ =	sdelay $0x1  }
0x3c: {  	v4 =	vadd.s32 v1, v4;
	_ =	sdelay $0x1  }
0x3d: {  	v3 =	vperm.xlane v3, v2;
	_ =	sdelay $0x1  }
0x3e: {  	s25 =	simm.s32 $0x1800;
	v3 =	vadd.s32 v1, v3  }
0x3f: {  	[hbm4b:s3+s2] =	stream.indirect_vreg.scatter [tilespmem:s25], [sflag:$0x2], $0x80, v4, vm0, $0xb8;
	[tilespmem:$0x18200] =	vst v63  }
0x40: {  	s26 =	simm.s32 $0x2000  }
0x41: {  	[hbm4b:s4+s2] =	stream.indirect_vreg.scatter [tilespmem:s26], [sflag:$0x2], $0x80, v4, vm1, $0xb8;
	[tilespmem:$0x18200] =	vst v63  }
0x42: {  	s28 =	simm.s32 $0x2400  }
0x43: {  	[hbm4b:s3+s2] =	stream.indirect_vreg.scatter [tilespmem:s28], [sflag:$0x2], $0x80, v3, vm0, $0xb8;
	[tilespmem:$0x18200] =	vst v63  }
0x44: {  	s29 =	simm.s32 $0x2C00  }
0x45: {  	[hbm4b:s4+s2] =	stream.indirect_vreg.scatter [tilespmem:s29], [sflag:$0x2], $0x80, v3, vm1, $0xb8;
	[tilespmem:$0x18200] =	vst v63  }
0x46: {  	v3 =	vld [tilespmem:$0x18020];
	_ =	sdelay $0x4  }
0x47: {  	v34 =	vshrl.u32 v3, $0x3  }
0x48: {  	v4 =	vmul.u32 $0x18, v34  }
0x49: {  	v3 =	vand.u32 $0x7, v3  }
0x4a: {  	v3 =	vor.u32 v3, v4  }
0x4b: {  	v4 =	vperm.xlane v3, v0;
	_ =	sdelay $0x1  }
0x4c: {  	v4 =	vadd.s32 v1, v4;
	_ =	sdelay $0x1  }
0x4d: {  	v3 =	vperm.xlane v3, v2;
	_ =	sdelay $0x1  }
0x4e: {  	s30 =	simm.s32 $0x3000;
	v3 =	vadd.s32 v1, v3  }
0x4f: {  	[hbm4b:s3+s2] =	stream.indirect_vreg.scatter [tilespmem:s30], [sflag:$0x2], $0x80, v4, vm0, $0xb8;
	[tilespmem:$0x18200] =	vst v63  }
0x50: {  	s31 =	simm.s32 $0x3800  }
0x51: {  	[hbm4b:s4+s2] =	stream.indirect_vreg.scatter [tilespmem:s31], [sflag:$0x2], $0x80, v4, vm1, $0xb8;
	[tilespmem:$0x18200] =	vst v63  }
0x52: {  	s1 =	simm.s32 $0x3C00  }
0x53: {  	[hbm4b:s3+s2] =	stream.indirect_vreg.scatter [tilespmem:s1], [sflag:$0x2], $0x80, v3, vm0, $0xb8;
	[tilespmem:$0x18200] =	vst v63  }
0x54: {  	s20 =	simm.s32 $0x4400  }
0x55: {  	[hbm4b:s4+s2] =	stream.indirect_vreg.scatter [tilespmem:s20], [sflag:$0x2], $0x80, v3, vm1, $0xb8;
	[tilespmem:$0x18200] =	vst v63  }
0x56: {  	v3 =	vld [tilespmem:$0x18030];
	_ =	sdelay $0x4  }
0x57: {  	v35 =	vshrl.u32 v3, $0x3  }
0x58: {  	v4 =	vmul.u32 $0x18, v35  }
0x59: {  	v3 =	vand.u32 $0x7, v3  }
0x5a: {  	v3 =	vor.u32 v3, v4  }
0x5b: {  	v4 =	vperm.xlane v3, v0;
	_ =	sdelay $0x1  }
0x5c: {  	v4 =	vadd.s32 v1, v4;
	_ =	sdelay $0x1  }
0x5d: {  	v3 =	vperm.xlane v3, v2;
	_ =	sdelay $0x1  }
0x5e: {  	s8 =	simm.s32 $0x4800;
	v3 =	vadd.s32 v1, v3  }
0x5f: {  	[hbm4b:s3+s2] =	stream.indirect_vreg.scatter [tilespmem:s8], [sflag:$0x2], $0x80, v4, vm0, $0xb8;
	[tilespmem:$0x18200] =	vst v63  }
0x60: {  	s9 =	simm.s32 $0x5000  }
0x61: {  	[hbm4b:s4+s2] =	stream.indirect_vreg.scatter [tilespmem:s9], [sflag:$0x2], $0x80, v4, vm1, $0xb8;
	[tilespmem:$0x18200] =	vst v63  }
0x62: {  	s10 =	simm.s32 $0x5400  }
0x63: {  	[hbm4b:s3+s2] =	stream.indirect_vreg.scatter [tilespmem:s10], [sflag:$0x2], $0x80, v3, vm0, $0xb8;
	[tilespmem:$0x18200] =	vst v63  }
0x64: {  	s11 =	simm.s32 $0x5C00  }
0x65: {  	[hbm4b:s4+s2] =	stream.indirect_vreg.scatter [tilespmem:s11], [sflag:$0x2], $0x80, v3, vm1, $0xb8;
	[tilespmem:$0x18200] =	vst v63  }
0x66: {  	v3 =	vld [tilespmem:$0x18040];
	_ =	sdelay $0x4  }
0x67: {  	v36 =	vshrl.u32 v3, $0x3  }
0x68: {  	v4 =	vmul.u32 $0x18, v36  }
0x69: {  	v3 =	vand.u32 $0x7, v3  }
0x6a: {  	v3 =	vor.u32 v3, v4  }
0x6b: {  	v4 =	vperm.xlane v3, v0;
	_ =	sdelay $0x1  }
0x6c: {  	v4 =	vadd.s32 v1, v4;
	_ =	sdelay $0x1  }
0x6d: {  	v3 =	vperm.xlane v3, v2;
	_ =	sdelay $0x1  }
0x6e: {  	s12 =	simm.s32 $0x6000;
	v3 =	vadd.s32 v1, v3  }
0x6f: {  	[hbm4b:s3+s2] =	stream.indirect_vreg.scatter [tilespmem:s12], [sflag:$0x2], $0x80, v4, vm0, $0xb8;
	[tilespmem:$0x18200] =	vst v63  }
0x70: {  	s13 =	simm.s32 $0x6800  }
0x71: {  	[hbm4b:s4+s2] =	stream.indirect_vreg.scatter [tilespmem:s13], [sflag:$0x2], $0x80, v4, vm1, $0xb8;
	[tilespmem:$0x18200] =	vst v63  }
0x72: {  	s14 =	simm.s32 $0x6C00  }
0x73: {  	[hbm4b:s3+s2] =	stream.indirect_vreg.scatter [tilespmem:s14], [sflag:$0x2], $0x80, v3, vm0, $0xb8;
	[tilespmem:$0x18200] =	vst v63  }
0x74: {  	s15 =	simm.s32 $0x7400  }
0x75: {  	[hbm4b:s4+s2] =	stream.indirect_vreg.scatter [tilespmem:s15], [sflag:$0x2], $0x80, v3, vm1, $0xb8;
	[tilespmem:$0x18200] =	vst v63  }
0x76: {  	v3 =	vld [tilespmem:$0x18050];
	_ =	sdelay $0x4  }
0x77: {  	v37 =	vshrl.u32 v3, $0x3  }
0x78: {  	v4 =	vmul.u32 $0x18, v37  }
0x79: {  	v3 =	vand.u32 $0x7, v3  }
0x7a: {  	v3 =	vor.u32 v3, v4  }
0x7b: {  	v4 =	vperm.xlane v3, v0;
	_ =	sdelay $0x1  }
0x7c: {  	v4 =	vadd.s32 v1, v4;
	_ =	sdelay $0x1  }
0x7d: {  	v3 =	vperm.xlane v3, v2;
	_ =	sdelay $0x1  }
0x7e: {  	s16 =	simm.s32 $0x7800;
	v3 =	vadd.s32 v1, v3  }
0x7f: {  	[hbm4b:s3+s2] =	stream.indirect_vreg.scatter [tilespmem:s16], [sflag:$0x2], $0x80, v4, vm0, $0xb8;
	[tilespmem:$0x18200] =	vst v63  }
0x80: {  	s17 =	simm.s32 $0x8000  }
0x81: {  	[hbm4b:s4+s2] =	stream.indirect_vreg.scatter [tilespmem:s17], [sflag:$0x2], $0x80, v4, vm1, $0xb8;
	[tilespmem:$0x18200] =	vst v63  }
0x82: {  	s18 =	simm.s32 $0x8400  }
0x83: {  	[hbm4b:s3+s2] =	stream.indirect_vreg.scatter [tilespmem:s18], [sflag:$0x2], $0x80, v3, vm0, $0xb8;
	[tilespmem:$0x18200] =	vst v63  }
0x84: {  	s19 =	simm.s32 $0x8C00  }
0x85: {  	[hbm4b:s4+s2] =	stream.indirect_vreg.scatter [tilespmem:s19], [sflag:$0x2], $0x80, v3, vm1, $0xb8;
	[tilespmem:$0x18200] =	vst v63  }
0x86: {  	v3 =	vld [tilespmem:$0x18060];
	_ =	sdelay $0x4  }
0x87: {  	v38 =	vshrl.u32 v3, $0x3  }
0x88: {  	v4 =	vmul.u32 $0x18, v38  }
0x89: {  	v3 =	vand.u32 $0x7, v3  }
0x8a: {  	v3 =	vor.u32 v3, v4  }
0x8b: {  	v4 =	vperm.xlane v3, v0;
	_ =	sdelay $0x1  }
0x8c: {  	v4 =	vadd.s32 v1, v4;
	_ =	sdelay $0x1  }
0x8d: {  	v3 =	vperm.xlane v3, v2;
	_ =	sdelay $0x1  }
0x8e: {  	s20 =	simm.s32 $0x9000;
	v3 =	vadd.s32 v1, v3  }
0x8f: {  	[hbm4b:s3+s2] =	stream.indirect_vreg.scatter [tilespmem:s20], [sflag:$0x2], $0x80, v4, vm0, $0xb8;
	[tilespmem:$0x18200] =	vst v63  }
0x90: {  	s7 =	simm.s32 $0x9800  }
0x91: {  	[hbm4b:s4+s2] =	stream.indirect_vreg.scatter [tilespmem:s7], [sflag:$0x2], $0x80, v4, vm1, $0xb8;
	[tilespmem:$0x18200] =	vst v63  }
0x92: {  	s6 =	simm.s32 $0x9C00  }
0x93: {  	[hbm4b:s3+s2] =	stream.indirect_vreg.scatter [tilespmem:s6], [sflag:$0x2], $0x80, v3, vm0, $0xb8;
	[tilespmem:$0x18200] =	vst v63  }
0x94: {  	s0 =	simm.s32 $0xA400  }
0x95: {  	[hbm4b:s4+s2] =	stream.indirect_vreg.scatter [tilespmem:s0], [sflag:$0x2], $0x80, v3, vm1, $0xb8;
	[tilespmem:$0x18200] =	vst v63  }
0x96: {  	v3 =	vld [tilespmem:$0x18070];
	_ =	sdelay $0x4  }
0x97: {  	v39 =	vshrl.u32 v3, $0x3  }
0x98: {  	v4 =	vmul.u32 $0x18, v39  }
0x99: {  	v3 =	vand.u32 $0x7, v3  }
0x9a: {  	v3 =	vor.u32 v3, v4  }
0x9b: {  	v4 =	vperm.xlane v3, v0;
	_ =	sdelay $0x1  }
0x9c: {  	v4 =	vadd.s32 v1, v4;
	_ =	sdelay $0x1  }
0x9d: {  	v3 =	vperm.xlane v3, v2;
	_ =	sdelay $0x1  }
0x9e: {  	s0 =	simm.s32 $0xA800;
	v3 =	vadd.s32 v1, v3  }
0x9f: {  	[hbm4b:s3+s2] =	stream.indirect_vreg.scatter [tilespmem:s0], [sflag:$0x2], $0x80, v4, vm0, $0xb8;
	[tilespmem:$0x18200] =	vst v63  }
0xa0: {  	s0 =	simm.s32 $0xB000  }
0xa1: {  	[hbm4b:s4+s2] =	stream.indirect_vreg.scatter [tilespmem:s0], [sflag:$0x2], $0x80, v4, vm1, $0xb8;
	[tilespmem:$0x18200] =	vst v63  }
0xa2: {  	s0 =	simm.s32 $0xB400  }
0xa3: {  	[hbm4b:s3+s2] =	stream.indirect_vreg.scatter [tilespmem:s0], [sflag:$0x2], $0x80, v3, vm0, $0xb8;
	[tilespmem:$0x18200] =	vst v63  }
0xa4: {  	s0 =	simm.s32 $0xBC00  }
0xa5: {  	[hbm4b:s4+s2] =	stream.indirect_vreg.scatter [tilespmem:s0], [sflag:$0x2], $0x80, v3, vm1, $0xb8;
	[tilespmem:$0x18200] =	vst v63  }
0xa6: {  	v3 =	vld [tilespmem:$0x18100];
	_ =	sdelay $0x4  }
0xa7: {  	v40 =	vshrl.u32 v3, $0x3  }
0xa8: {  	v4 =	vmul.u32 $0x18, v40  }
0xa9: {  	v3 =	vand.u32 $0x7, v3  }
0xaa: {  	v3 =	vor.u32 v3, v4  }
0xab: {  	v4 =	vperm.xlane v3, v0;
	_ =	sdelay $0x1  }
0xac: {  	v4 =	vadd.s32 v1, v4;
	_ =	sdelay $0x1  }
0xad: {  	v3 =	vperm.xlane v3, v2;
	_ =	sdelay $0x1  }
0xae: {  	v3 =	vadd.s32 v1, v3  }
0xaf: {  	[hbm4b:s3+s2] =	stream.indirect_vreg.scatter [tilespmem:s2], [sflag:$0x2], $0x80, v4, vm0, $0xb8;
	[tilespmem:$0x18200] =	vst v63  }
0xb0: {  	_ = 	snop  }
0xb1: {  	[hbm4b:s4+s2] =	stream.indirect_vreg.scatter [tilespmem:s22], [sflag:$0x2], $0x80, v4, vm1, $0xb8;
	[tilespmem:$0x18200] =	vst v63  }
0xb2: {  	_ = 	snop  }
0xb3: {  	[hbm4b:s3+s2] =	stream.indirect_vreg.scatter [tilespmem:s23], [sflag:$0x2], $0x80, v3, vm0, $0xb8;
	[tilespmem:$0x18200] =	vst v63  }
0xb4: {  	_ = 	snop  }
0xb5: {  	[hbm4b:s4+s2] =	stream.indirect_vreg.scatter [tilespmem:s24], [sflag:$0x2], $0x80, v3, vm1, $0xb8;
	[tilespmem:$0x18200] =	vst v63  }
0xb6: {  	v3 =	vld [tilespmem:$0x18110];
	_ =	sdelay $0x4  }
0xb7: {  	v41 =	vshrl.u32 v3, $0x3  }
0xb8: {  	v4 =	vmul.u32 $0x18, v41  }
0xb9: {  	v3 =	vand.u32 $0x7, v3  }
0xba: {  	v3 =	vor.u32 v3, v4  }
0xbb: {  	v4 =	vperm.xlane v3, v0;
	_ =	sdelay $0x1  }
0xbc: {  	v4 =	vadd.s32 v1, v4;
	_ =	sdelay $0x1  }
0xbd: {  	v3 =	vperm.xlane v3, v2;
	_ =	sdelay $0x1  }
0xbe: {  	v3 =	vadd.s32 v1, v3  }
0xbf: {  	[hbm4b:s3+s2] =	stream.indirect_vreg.scatter [tilespmem:s25], [sflag:$0x2], $0x80, v4, vm0, $0xb8;
	[tilespmem:$0x18200] =	vst v63  }
0xc0: {  	_ = 	snop  }
0xc1: {  	[hbm4b:s4+s2] =	stream.indirect_vreg.scatter [tilespmem:s26], [sflag:$0x2], $0x80, v4, vm1, $0xb8;
	[tilespmem:$0x18200] =	vst v63  }
0xc2: {  	_ = 	snop  }
0xc3: {  	[hbm4b:s3+s2] =	stream.indirect_vreg.scatter [tilespmem:s28], [sflag:$0x2], $0x80, v3, vm0, $0xb8;
	[tilespmem:$0x18200] =	vst v63  }
0xc4: {  	_ = 	snop  }
0xc5: {  	[hbm4b:s4+s2] =	stream.indirect_vreg.scatter [tilespmem:s29], [sflag:$0x2], $0x80, v3, vm1, $0xb8;
	[tilespmem:$0x18200] =	vst v63  }
0xc6: {  	v3 =	vld [tilespmem:$0x18120];
	_ =	sdelay $0x4  }
0xc7: {  	v42 =	vshrl.u32 v3, $0x3  }
0xc8: {  	v4 =	vmul.u32 $0x18, v42  }
0xc9: {  	v3 =	vand.u32 $0x7, v3  }
0xca: {  	v3 =	vor.u32 v3, v4  }
0xcb: {  	v4 =	vperm.xlane v3, v0;
	_ =	sdelay $0x1  }
0xcc: {  	v4 =	vadd.s32 v1, v4;
	_ =	sdelay $0x1  }
0xcd: {  	v3 =	vperm.xlane v3, v2;
	_ =	sdelay $0x1  }
0xce: {  	v3 =	vadd.s32 v1, v3  }
0xcf: {  	[hbm4b:s3+s2] =	stream.indirect_vreg.scatter [tilespmem:s30], [sflag:$0x2], $0x80, v4, vm0, $0xb8;
	[tilespmem:$0x18200] =	vst v63  }
0xd0: {  	_ = 	snop  }
0xd1: {  	[hbm4b:s4+s2] =	stream.indirect_vreg.scatter [tilespmem:s31], [sflag:$0x2], $0x80, v4, vm1, $0xb8;
	[tilespmem:$0x18200] =	vst v63  }
0xd2: {  	_ = 	snop  }
0xd3: {  	[hbm4b:s3+s2] =	stream.indirect_vreg.scatter [tilespmem:s1], [sflag:$0x2], $0x80, v3, vm0, $0xb8;
	[tilespmem:$0x18200] =	vst v63  }
0xd4: {  	s1 =	simm.s32 $0x4400  }
0xd5: {  	[hbm4b:s4+s2] =	stream.indirect_vreg.scatter [tilespmem:s1], [sflag:$0x2], $0x80, v3, vm1, $0xb8;
	[tilespmem:$0x18200] =	vst v63  }
0xd6: {  	v3 =	vld [tilespmem:$0x18130];
	_ =	sdelay $0x4  }
0xd7: {  	v43 =	vshrl.u32 v3, $0x3  }
0xd8: {  	v4 =	vmul.u32 $0x18, v43  }
0xd9: {  	v3 =	vand.u32 $0x7, v3  }
0xda: {  	v3 =	vor.u32 v3, v4  }
0xdb: {  	v4 =	vperm.xlane v3, v0;
	_ =	sdelay $0x1  }
0xdc: {  	v4 =	vadd.s32 v1, v4;
	_ =	sdelay $0x1  }
0xdd: {  	v3 =	vperm.xlane v3, v2;
	_ =	sdelay $0x1  }
0xde: {  	v3 =	vadd.s32 v1, v3  }
0xdf: {  	[hbm4b:s3+s2] =	stream.indirect_vreg.scatter [tilespmem:s8], [sflag:$0x2], $0x80, v4, vm0, $0xb8;
	[tilespmem:$0x18200] =	vst v63  }
0xe0: {  	_ = 	snop  }
0xe1: {  	[hbm4b:s4+s2] =	stream.indirect_vreg.scatter [tilespmem:s9], [sflag:$0x2], $0x80, v4, vm1, $0xb8;
	[tilespmem:$0x18200] =	vst v63  }
0xe2: {  	_ = 	snop  }
0xe3: {  	[hbm4b:s3+s2] =	stream.indirect_vreg.scatter [tilespmem:s10], [sflag:$0x2], $0x80, v3, vm0, $0xb8;
	[tilespmem:$0x18200] =	vst v63  }
0xe4: {  	_ = 	snop  }
0xe5: {  	[hbm4b:s4+s2] =	stream.indirect_vreg.scatter [tilespmem:s11], [sflag:$0x2], $0x80, v3, vm1, $0xb8;
	[tilespmem:$0x18200] =	vst v63  }
0xe6: {  	v3 =	vld [tilespmem:$0x18140];
	_ =	sdelay $0x4  }
0xe7: {  	v44 =	vshrl.u32 v3, $0x3  }
0xe8: {  	v4 =	vmul.u32 $0x18, v44  }
0xe9: {  	v3 =	vand.u32 $0x7, v3  }
0xea: {  	v3 =	vor.u32 v3, v4  }
0xeb: {  	v4 =	vperm.xlane v3, v0;
	_ =	sdelay $0x1  }
0xec: {  	v4 =	vadd.s32 v1, v4;
	_ =	sdelay $0x1  }
0xed: {  	v3 =	vperm.xlane v3, v2;
	_ =	sdelay $0x1  }
0xee: {  	v3 =	vadd.s32 v1, v3  }
0xef: {  	[hbm4b:s3+s2] =	stream.indirect_vreg.scatter [tilespmem:s12], [sflag:$0x2], $0x80, v4, vm0, $0xb8;
	[tilespmem:$0x18200] =	vst v63  }
0xf0: {  	_ = 	snop  }
0xf1: {  	[hbm4b:s4+s2] =	stream.indirect_vreg.scatter [tilespmem:s13], [sflag:$0x2], $0x80, v4, vm1, $0xb8;
	[tilespmem:$0x18200] =	vst v63  }
0xf2: {  	_ = 	snop  }
0xf3: {  	[hbm4b:s3+s2] =	stream.indirect_vreg.scatter [tilespmem:s14], [sflag:$0x2], $0x80, v3, vm0, $0xb8;
	[tilespmem:$0x18200] =	vst v63  }
0xf4: {  	_ = 	snop  }
0xf5: {  	[hbm4b:s4+s2] =	stream.indirect_vreg.scatter [tilespmem:s15], [sflag:$0x2], $0x80, v3, vm1, $0xb8;
	[tilespmem:$0x18200] =	vst v63  }
0xf6: {  	v3 =	vld [tilespmem:$0x18150];
	_ =	sdelay $0x4  }
0xf7: {  	v45 =	vshrl.u32 v3, $0x3  }
0xf8: {  	v4 =	vmul.u32 $0x18, v45  }
0xf9: {  	v3 =	vand.u32 $0x7, v3  }
0xfa: {  	v3 =	vor.u32 v3, v4  }
0xfb: {  	v4 =	vperm.xlane v3, v0;
	_ =	sdelay $0x1  }
0xfc: {  	v4 =	vadd.s32 v1, v4;
	_ =	sdelay $0x1  }
0xfd: {  	v3 =	vperm.xlane v3, v2;
	_ =	sdelay $0x1  }
0xfe: {  	v3 =	vadd.s32 v1, v3  }
0xff: {  	[hbm4b:s3+s2] =	stream.indirect_vreg.scatter [tilespmem:s16], [sflag:$0x2], $0x80, v4, vm0, $0xb8;
	[tilespmem:$0x18200] =	vst v63  }
0x100: {  	_ = 	snop  }
0x101: {  	[hbm4b:s4+s2] =	stream.indirect_vreg.scatter [tilespmem:s17], [sflag:$0x2], $0x80, v4, vm1, $0xb8;
	[tilespmem:$0x18200] =	vst v63  }
0x102: {  	_ = 	snop  }
0x103: {  	[hbm4b:s3+s2] =	stream.indirect_vreg.scatter [tilespmem:s18], [sflag:$0x2], $0x80, v3, vm0, $0xb8;
	[tilespmem:$0x18200] =	vst v63  }
0x104: {  	_ = 	snop  }
0x105: {  	[hbm4b:s4+s2] =	stream.indirect_vreg.scatter [tilespmem:s19], [sflag:$0x2], $0x80, v3, vm1, $0xb8;
	[tilespmem:$0x18200] =	vst v63  }
0x106: {  	v3 =	vld [tilespmem:$0x18160];
	_ =	sdelay $0x4  }
0x107: {  	v46 =	vshrl.u32 v3, $0x3  }
0x108: {  	v4 =	vmul.u32 $0x18, v46  }
0x109: {  	v3 =	vand.u32 $0x7, v3  }
0x10a: {  	v3 =	vor.u32 v3, v4  }
0x10b: {  	v4 =	vperm.xlane v3, v0;
	_ =	sdelay $0x1  }
0x10c: {  	v4 =	vadd.s32 v1, v4;
	_ =	sdelay $0x1  }
0x10d: {  	v3 =	vperm.xlane v3, v2;
	_ =	sdelay $0x1  }
0x10e: {  	v3 =	vadd.s32 v1, v3  }
0x10f: {  	[hbm4b:s3+s2] =	stream.indirect_vreg.scatter [tilespmem:s20], [sflag:$0x2], $0x80, v4, vm0, $0xb8;
	[tilespmem:$0x18200] =	vst v63  }
0x110: {  	_ = 	snop  }
0x111: {  	[hbm4b:s4+s2] =	stream.indirect_vreg.scatter [tilespmem:s7], [sflag:$0x2], $0x80, v4, vm1, $0xb8;
	[tilespmem:$0x18200] =	vst v63  }
0x112: {  	_ = 	snop  }
0x113: {  	[hbm4b:s3+s2] =	stream.indirect_vreg.scatter [tilespmem:s6], [sflag:$0x2], $0x80, v3, vm0, $0xb8;
	[tilespmem:$0x18200] =	vst v63  }
0x114: {  	s18 =	simm.s32 $0xA400  }
0x115: {  	[hbm4b:s4+s2] =	stream.indirect_vreg.scatter [tilespmem:s18], [sflag:$0x2], $0x80, v3, vm1, $0xb8;
	[tilespmem:$0x18200] =	vst v63  }
0x116: {  	v3 =	vld [tilespmem:$0x18170];
	_ =	sdelay $0x4  }
0x117: {  	v47 =	vshrl.u32 v3, $0x3  }
0x118: {  	v4 =	vmul.u32 $0x18, v47  }
0x119: {  	v3 =	vand.u32 $0x7, v3  }
0x11a: {  	v3 =	vor.u32 v3, v4  }
0x11b: {  	v4 =	vperm.xlane v3, v0;
	_ =	sdelay $0x1  }
0x11c: {  	v4 =	vadd.s32 v1, v4;
	_ =	sdelay $0x1  }
0x11d: {  	v3 =	vperm.xlane v3, v2;
	_ =	sdelay $0x1  }
0x11e: {  	s19 =	simm.s32 $0xA800;
	v3 =	vadd.s32 v1, v3  }
0x11f: {  	[hbm4b:s3+s2] =	stream.indirect_vreg.scatter [tilespmem:s19], [sflag:$0x2], $0x80, v4, vm0, $0xb8;
	[tilespmem:$0x18200] =	vst v63  }
0x120: {  	s20 =	simm.s32 $0xB000  }
0x121: {  	[hbm4b:s4+s2] =	stream.indirect_vreg.scatter [tilespmem:s20], [sflag:$0x2], $0x80, v4, vm1, $0xb8;
	[tilespmem:$0x18200] =	vst v63  }
0x122: {  	s22 =	simm.s32 $0xB400  }
0x123: {  	[hbm4b:s3+s2] =	stream.indirect_vreg.scatter [tilespmem:s22], [sflag:$0x2], $0x80, v3, vm0, $0xb8;
	[tilespmem:$0x18200] =	vst v63  }
0x124: {  	s23 =	simm.s32 $0xBC00  }
0x125: {  	[hbm4b:s4+s2] =	stream.indirect_vreg.scatter [tilespmem:s23], [sflag:$0x2], $0x80, v3, vm1, $0xb8;
	[tilespmem:$0x18200] =	vst v63  }
0x126: {  	v3 =	vld [tilespmem:$0x18080];
	_ =	sdelay $0x4  }
0x127: {  	v48 =	vshrl.u32 v3, $0x3  }
0x128: {  	v4 =	vmul.u32 $0x18, v48  }
0x129: {  	v3 =	vand.u32 $0x7, v3  }
0x12a: {  	v3 =	vor.u32 v3, v4  }
0x12b: {  	v4 =	vperm.xlane v3, v0;
	_ =	sdelay $0x1  }
0x12c: {  	v4 =	vadd.s32 v1, v4;
	_ =	sdelay $0x1  }
0x12d: {  	v3 =	vperm.xlane v3, v2;
	_ =	sdelay $0x1  }
0x12e: {  	s24 =	simm.s32 $0xC000;
	v3 =	vadd.s32 v1, v3  }
0x12f: {  	[hbm4b:s3+s2] =	stream.indirect_vreg.scatter [tilespmem:s24], [sflag:$0x2], $0x80, v4, vm0, $0xb8;
	[tilespmem:$0x18200] =	vst v63  }
0x130: {  	s1 =	simm.s32 $0xC800  }
0x131: {  	[hbm4b:s4+s2] =	stream.indirect_vreg.scatter [tilespmem:s1], [sflag:$0x2], $0x80, v4, vm1, $0xb8;
	[tilespmem:$0x18200] =	vst v63  }
0x132: {  	s6 =	simm.s32 $0xCC00  }
0x133: {  	[hbm4b:s3+s2] =	stream.indirect_vreg.scatter [tilespmem:s6], [sflag:$0x2], $0x80, v3, vm0, $0xb8;
	[tilespmem:$0x18200] =	vst v63  }
0x134: {  	s7 =	simm.s32 $0xD400  }
0x135: {  	[hbm4b:s4+s2] =	stream.indirect_vreg.scatter [tilespmem:s7], [sflag:$0x2], $0x80, v3, vm1, $0xb8;
	[tilespmem:$0x18200] =	vst v63  }
0x136: {  	v3 =	vld [tilespmem:$0x18090];
	_ =	sdelay $0x4  }
0x137: {  	v49 =	vshrl.u32 v3, $0x3  }
0x138: {  	v4 =	vmul.u32 $0x18, v49  }
0x139: {  	v3 =	vand.u32 $0x7, v3  }
0x13a: {  	v3 =	vor.u32 v3, v4  }
0x13b: {  	v4 =	vperm.xlane v3, v0;
	_ =	sdelay $0x1  }
0x13c: {  	v4 =	vadd.s32 v1, v4;
	_ =	sdelay $0x1  }
0x13d: {  	v3 =	vperm.xlane v3, v2;
	_ =	sdelay $0x1  }
0x13e: {  	s8 =	simm.s32 $0xD800;
	v3 =	vadd.s32 v1, v3  }
0x13f: {  	[hbm4b:s3+s2] =	stream.indirect_vreg.scatter [tilespmem:s8], [sflag:$0x2], $0x80, v4, vm0, $0xb8;
	[tilespmem:$0x18200] =	vst v63  }
0x140: {  	s9 =	simm.s32 $0xE000  }
0x141: {  	[hbm4b:s4+s2] =	stream.indirect_vreg.scatter [tilespmem:s9], [sflag:$0x2], $0x80, v4, vm1, $0xb8;
	[tilespmem:$0x18200] =	vst v63  }
0x142: {  	s10 =	simm.s32 $0xE400  }
0x143: {  	[hbm4b:s3+s2] =	stream.indirect_vreg.scatter [tilespmem:s10], [sflag:$0x2], $0x80, v3, vm0, $0xb8;
	[tilespmem:$0x18200] =	vst v63  }
0x144: {  	s11 =	simm.s32 $0xEC00  }
0x145: {  	[hbm4b:s4+s2] =	stream.indirect_vreg.scatter [tilespmem:s11], [sflag:$0x2], $0x80, v3, vm1, $0xb8;
	[tilespmem:$0x18200] =	vst v63  }
0x146: {  	v3 =	vld [tilespmem:$0x180A0];
	_ =	sdelay $0x4  }
0x147: {  	v50 =	vshrl.u32 v3, $0x3  }
0x148: {  	v4 =	vmul.u32 $0x18, v50  }
0x149: {  	v3 =	vand.u32 $0x7, v3  }
0x14a: {  	v3 =	vor.u32 v3, v4  }
0x14b: {  	v4 =	vperm.xlane v3, v0;
	_ =	sdelay $0x1  }
0x14c: {  	v4 =	vadd.s32 v1, v4;
	_ =	sdelay $0x1  }
0x14d: {  	v3 =	vperm.xlane v3, v2;
	_ =	sdelay $0x1  }
0x14e: {  	s12 =	simm.s32 $0xF000;
	v3 =	vadd.s32 v1, v3  }
0x14f: {  	[hbm4b:s3+s2] =	stream.indirect_vreg.scatter [tilespmem:s12], [sflag:$0x2], $0x80, v4, vm0, $0xb8;
	[tilespmem:$0x18200] =	vst v63  }
0x150: {  	s13 =	simm.s32 $0xF800  }
0x151: {  	[hbm4b:s4+s2] =	stream.indirect_vreg.scatter [tilespmem:s13], [sflag:$0x2], $0x80, v4, vm1, $0xb8;
	[tilespmem:$0x18200] =	vst v63  }
0x152: {  	s14 =	simm.s32 $0xFC00  }
0x153: {  	[hbm4b:s3+s2] =	stream.indirect_vreg.scatter [tilespmem:s14], [sflag:$0x2], $0x80, v3, vm0, $0xb8;
	[tilespmem:$0x18200] =	vst v63  }
0x154: {  	s15 =	simm.s32 $0x10400  }
0x155: {  	[hbm4b:s4+s2] =	stream.indirect_vreg.scatter [tilespmem:s15], [sflag:$0x2], $0x80, v3, vm1, $0xb8;
	[tilespmem:$0x18200] =	vst v63  }
0x156: {  	v3 =	vld [tilespmem:$0x180B0];
	_ =	sdelay $0x4  }
0x157: {  	v51 =	vshrl.u32 v3, $0x3  }
0x158: {  	v4 =	vmul.u32 $0x18, v51  }
0x159: {  	v3 =	vand.u32 $0x7, v3  }
0x15a: {  	v3 =	vor.u32 v3, v4  }
0x15b: {  	v4 =	vperm.xlane v3, v0;
	_ =	sdelay $0x1  }
0x15c: {  	v4 =	vadd.s32 v1, v4;
	_ =	sdelay $0x1  }
0x15d: {  	v3 =	vperm.xlane v3, v2;
	_ =	sdelay $0x1  }
0x15e: {  	s16 =	simm.s32 $0x10800;
	v3 =	vadd.s32 v1, v3  }
0x15f: {  	[hbm4b:s3+s2] =	stream.indirect_vreg.scatter [tilespmem:s16], [sflag:$0x2], $0x80, v4, vm0, $0xb8;
	[tilespmem:$0x18200] =	vst v63  }
0x160: {  	s17 =	simm.s32 $0x11000  }
0x161: {  	[hbm4b:s4+s2] =	stream.indirect_vreg.scatter [tilespmem:s17], [sflag:$0x2], $0x80, v4, vm1, $0xb8;
	[tilespmem:$0x18200] =	vst v63  }
0x162: {  	s18 =	simm.s32 $0x11400  }
0x163: {  	[hbm4b:s3+s2] =	stream.indirect_vreg.scatter [tilespmem:s18], [sflag:$0x2], $0x80, v3, vm0, $0xb8;
	[tilespmem:$0x18200] =	vst v63  }
0x164: {  	s19 =	simm.s32 $0x11C00  }
0x165: {  	[hbm4b:s4+s2] =	stream.indirect_vreg.scatter [tilespmem:s19], [sflag:$0x2], $0x80, v3, vm1, $0xb8;
	[tilespmem:$0x18200] =	vst v63  }
0x166: {  	v3 =	vld [tilespmem:$0x180C0];
	_ =	sdelay $0x4  }
0x167: {  	v52 =	vshrl.u32 v3, $0x3  }
0x168: {  	v4 =	vmul.u32 $0x18, v52  }
0x169: {  	v3 =	vand.u32 $0x7, v3  }
0x16a: {  	v3 =	vor.u32 v3, v4  }
0x16b: {  	v4 =	vperm.xlane v3, v0;
	_ =	sdelay $0x1  }
0x16c: {  	v4 =	vadd.s32 v1, v4;
	_ =	sdelay $0x1  }
0x16d: {  	v3 =	vperm.xlane v3, v2;
	_ =	sdelay $0x1  }
0x16e: {  	s20 =	simm.s32 $0x12000;
	v3 =	vadd.s32 v1, v3  }
0x16f: {  	[hbm4b:s3+s2] =	stream.indirect_vreg.scatter [tilespmem:s20], [sflag:$0x2], $0x80, v4, vm0, $0xb8;
	[tilespmem:$0x18200] =	vst v63  }
0x170: {  	s22 =	simm.s32 $0x12800  }
0x171: {  	[hbm4b:s4+s2] =	stream.indirect_vreg.scatter [tilespmem:s22], [sflag:$0x2], $0x80, v4, vm1, $0xb8;
	[tilespmem:$0x18200] =	vst v63  }
0x172: {  	s23 =	simm.s32 $0x12C00  }
0x173: {  	[hbm4b:s3+s2] =	stream.indirect_vreg.scatter [tilespmem:s23], [sflag:$0x2], $0x80, v3, vm0, $0xb8;
	[tilespmem:$0x18200] =	vst v63  }
0x174: {  	s24 =	simm.s32 $0x13400  }
0x175: {  	[hbm4b:s4+s2] =	stream.indirect_vreg.scatter [tilespmem:s24], [sflag:$0x2], $0x80, v3, vm1, $0xb8;
	[tilespmem:$0x18200] =	vst v63  }
0x176: {  	v3 =	vld [tilespmem:$0x180D0];
	_ =	sdelay $0x4  }
0x177: {  	v53 =	vshrl.u32 v3, $0x3  }
0x178: {  	v4 =	vmul.u32 $0x18, v53  }
0x179: {  	v3 =	vand.u32 $0x7, v3  }
0x17a: {  	v3 =	vor.u32 v3, v4  }
0x17b: {  	v4 =	vperm.xlane v3, v0;
	_ =	sdelay $0x1  }
0x17c: {  	v4 =	vadd.s32 v1, v4;
	_ =	sdelay $0x1  }
0x17d: {  	v3 =	vperm.xlane v3, v2;
	_ =	sdelay $0x1  }
0x17e: {  	s25 =	simm.s32 $0x13800;
	v3 =	vadd.s32 v1, v3  }
0x17f: {  	[hbm4b:s3+s2] =	stream.indirect_vreg.scatter [tilespmem:s25], [sflag:$0x2], $0x80, v4, vm0, $0xb8;
	[tilespmem:$0x18200] =	vst v63  }
0x180: {  	s26 =	simm.s32 $0x14000  }
0x181: {  	[hbm4b:s4+s2] =	stream.indirect_vreg.scatter [tilespmem:s26], [sflag:$0x2], $0x80, v4, vm1, $0xb8;
	[tilespmem:$0x18200] =	vst v63  }
0x182: {  	s28 =	simm.s32 $0x14400  }
0x183: {  	[hbm4b:s3+s2] =	stream.indirect_vreg.scatter [tilespmem:s28], [sflag:$0x2], $0x80, v3, vm0, $0xb8;
	[tilespmem:$0x18200] =	vst v63  }
0x184: {  	s29 =	simm.s32 $0x14C00  }
0x185: {  	[hbm4b:s4+s2] =	stream.indirect_vreg.scatter [tilespmem:s29], [sflag:$0x2], $0x80, v3, vm1, $0xb8;
	[tilespmem:$0x18200] =	vst v63  }
0x186: {  	v3 =	vld [tilespmem:$0x180E0];
	_ =	sdelay $0x4  }
0x187: {  	v54 =	vshrl.u32 v3, $0x3  }
0x188: {  	v4 =	vmul.u32 $0x18, v54  }
0x189: {  	v3 =	vand.u32 $0x7, v3  }
0x18a: {  	v3 =	vor.u32 v3, v4  }
0x18b: {  	v4 =	vperm.xlane v3, v0;
	_ =	sdelay $0x1  }
0x18c: {  	v4 =	vadd.s32 v1, v4;
	_ =	sdelay $0x1  }
0x18d: {  	v3 =	vperm.xlane v3, v2;
	_ =	sdelay $0x1  }
0x18e: {  	s30 =	simm.s32 $0x15000;
	v3 =	vadd.s32 v1, v3  }
0x18f: {  	[hbm4b:s3+s2] =	stream.indirect_vreg.scatter [tilespmem:s30], [sflag:$0x2], $0x80, v4, vm0, $0xb8;
	[tilespmem:$0x18200] =	vst v63  }
0x190: {  	s31 =	simm.s32 $0x15800  }
0x191: {  	[hbm4b:s4+s2] =	stream.indirect_vreg.scatter [tilespmem:s31], [sflag:$0x2], $0x80, v4, vm1, $0xb8;
	[tilespmem:$0x18200] =	vst v63  }
0x192: {  	s0 =	simm.s32 $0x15C00  }
0x193: {  	[hbm4b:s3+s2] =	stream.indirect_vreg.scatter [tilespmem:s0], [sflag:$0x2], $0x80, v3, vm0, $0xb8;
	[tilespmem:$0x18200] =	vst v63  }
0x194: {  	s0 =	simm.s32 $0x16400  }
0x195: {  	[hbm4b:s4+s2] =	stream.indirect_vreg.scatter [tilespmem:s0], [sflag:$0x2], $0x80, v3, vm1, $0xb8;
	[tilespmem:$0x18200] =	vst v63  }
0x196: {  	v3 =	vld [tilespmem:$0x180F0];
	_ =	sdelay $0x4  }
0x197: {  	v55 =	vshrl.u32 v3, $0x3  }
0x198: {  	v4 =	vmul.u32 $0x18, v55  }
0x199: {  	v3 =	vand.u32 $0x7, v3  }
0x19a: {  	v3 =	vor.u32 v3, v4  }
0x19b: {  	v4 =	vperm.xlane v3, v0;
	_ =	sdelay $0x1  }
0x19c: {  	v4 =	vadd.s32 v1, v4;
	_ =	sdelay $0x1  }
0x19d: {  	v3 =	vperm.xlane v3, v2;
	_ =	sdelay $0x1  }
0x19e: {  	s0 =	simm.s32 $0x16800;
	v3 =	vadd.s32 v1, v3  }
0x19f: {  	[hbm4b:s3+s2] =	stream.indirect_vreg.scatter [tilespmem:s0], [sflag:$0x2], $0x80, v4, vm0, $0xb8;
	[tilespmem:$0x18200] =	vst v63  }
0x1a0: {  	s0 =	simm.s32 $0x17000  }
0x1a1: {  	[hbm4b:s4+s2] =	stream.indirect_vreg.scatter [tilespmem:s0], [sflag:$0x2], $0x80, v4, vm1, $0xb8;
	[tilespmem:$0x18200] =	vst v63  }
0x1a2: {  	s0 =	simm.s32 $0x17400  }
0x1a3: {  	[hbm4b:s3+s2] =	stream.indirect_vreg.scatter [tilespmem:s0], [sflag:$0x2], $0x80, v3, vm0, $0xb8;
	[tilespmem:$0x18200] =	vst v63  }
0x1a4: {  	s0 =	simm.s32 $0x17C00  }
0x1a5: {  	[hbm4b:s4+s2] =	stream.indirect_vreg.scatter [tilespmem:s0], [sflag:$0x2], $0x80, v3, vm1, $0xb8;
	[tilespmem:$0x18200] =	vst v63  }
0x1a6: {  	v3 =	vld [tilespmem:$0x18180];
	_ =	sdelay $0x4  }
0x1a7: {  	v56 =	vshrl.u32 v3, $0x3  }
0x1a8: {  	v4 =	vmul.u32 $0x18, v56  }
0x1a9: {  	v3 =	vand.u32 $0x7, v3  }
0x1aa: {  	v3 =	vor.u32 v3, v4  }
0x1ab: {  	v4 =	vperm.xlane v3, v0;
	_ =	sdelay $0x1  }
0x1ac: {  	v4 =	vadd.s32 v1, v4;
	_ =	sdelay $0x1  }
0x1ad: {  	v3 =	vperm.xlane v3, v2;
	_ =	sdelay $0x1  }
0x1ae: {  	s0 =	simm.s32 $0xC000;
	v3 =	vadd.s32 v1, v3  }
0x1af: {  	[hbm4b:s3+s2] =	stream.indirect_vreg.scatter [tilespmem:s0], [sflag:$0x2], $0x80, v4, vm0, $0xb8;
	[tilespmem:$0x18200] =	vst v63  }
0x1b0: {  	_ = 	snop  }
0x1b1: {  	[hbm4b:s4+s2] =	stream.indirect_vreg.scatter [tilespmem:s1], [sflag:$0x2], $0x80, v4, vm1, $0xb8;
	[tilespmem:$0x18200] =	vst v63  }
0x1b2: {  	_ = 	snop  }
0x1b3: {  	[hbm4b:s3+s2] =	stream.indirect_vreg.scatter [tilespmem:s6], [sflag:$0x2], $0x80, v3, vm0, $0xb8;
	[tilespmem:$0x18200] =	vst v63  }
0x1b4: {  	_ = 	snop  }
0x1b5: {  	[hbm4b:s4+s2] =	stream.indirect_vreg.scatter [tilespmem:s7], [sflag:$0x2], $0x80, v3, vm1, $0xb8;
	[tilespmem:$0x18200] =	vst v63  }
0x1b6: {  	v3 =	vld [tilespmem:$0x18190];
	_ =	sdelay $0x4  }
0x1b7: {  	v57 =	vshrl.u32 v3, $0x3  }
0x1b8: {  	v4 =	vmul.u32 $0x18, v57  }
0x1b9: {  	v3 =	vand.u32 $0x7, v3  }
0x1ba: {  	v3 =	vor.u32 v3, v4  }
0x1bb: {  	v4 =	vperm.xlane v3, v0;
	_ =	sdelay $0x1  }
0x1bc: {  	v4 =	vadd.s32 v1, v4;
	_ =	sdelay $0x1  }
0x1bd: {  	v3 =	vperm.xlane v3, v2;
	_ =	sdelay $0x1  }
0x1be: {  	v3 =	vadd.s32 v1, v3  }
0x1bf: {  	[hbm4b:s3+s2] =	stream.indirect_vreg.scatter [tilespmem:s8], [sflag:$0x2], $0x80, v4, vm0, $0xb8;
	[tilespmem:$0x18200] =	vst v63  }
0x1c0: {  	_ = 	snop  }
0x1c1: {  	[hbm4b:s4+s2] =	stream.indirect_vreg.scatter [tilespmem:s9], [sflag:$0x2], $0x80, v4, vm1, $0xb8;
	[tilespmem:$0x18200] =	vst v63  }
0x1c2: {  	_ = 	snop  }
0x1c3: {  	[hbm4b:s3+s2] =	stream.indirect_vreg.scatter [tilespmem:s10], [sflag:$0x2], $0x80, v3, vm0, $0xb8;
	[tilespmem:$0x18200] =	vst v63  }
0x1c4: {  	_ = 	snop  }
0x1c5: {  	[hbm4b:s4+s2] =	stream.indirect_vreg.scatter [tilespmem:s11], [sflag:$0x2], $0x80, v3, vm1, $0xb8;
	[tilespmem:$0x18200] =	vst v63  }
0x1c6: {  	v3 =	vld [tilespmem:$0x181A0];
	_ =	sdelay $0x4  }
0x1c7: {  	v58 =	vshrl.u32 v3, $0x3  }
0x1c8: {  	v4 =	vmul.u32 $0x18, v58  }
0x1c9: {  	v3 =	vand.u32 $0x7, v3  }
0x1ca: {  	v3 =	vor.u32 v3, v4  }
0x1cb: {  	v4 =	vperm.xlane v3, v0;
	_ =	sdelay $0x1  }
0x1cc: {  	v4 =	vadd.s32 v1, v4;
	_ =	sdelay $0x1  }
0x1cd: {  	v3 =	vperm.xlane v3, v2;
	_ =	sdelay $0x1  }
0x1ce: {  	v3 =	vadd.s32 v1, v3  }
0x1cf: {  	[hbm4b:s3+s2] =	stream.indirect_vreg.scatter [tilespmem:s12], [sflag:$0x2], $0x80, v4, vm0, $0xb8;
	[tilespmem:$0x18200] =	vst v63  }
0x1d0: {  	_ = 	snop  }
0x1d1: {  	[hbm4b:s4+s2] =	stream.indirect_vreg.scatter [tilespmem:s13], [sflag:$0x2], $0x80, v4, vm1, $0xb8;
	[tilespmem:$0x18200] =	vst v63  }
0x1d2: {  	_ = 	snop  }
0x1d3: {  	[hbm4b:s3+s2] =	stream.indirect_vreg.scatter [tilespmem:s14], [sflag:$0x2], $0x80, v3, vm0, $0xb8;
	[tilespmem:$0x18200] =	vst v63  }
0x1d4: {  	_ = 	snop  }
0x1d5: {  	[hbm4b:s4+s2] =	stream.indirect_vreg.scatter [tilespmem:s15], [sflag:$0x2], $0x80, v3, vm1, $0xb8;
	[tilespmem:$0x18200] =	vst v63  }
0x1d6: {  	v3 =	vld [tilespmem:$0x181B0];
	_ =	sdelay $0x4  }
0x1d7: {  	v59 =	vshrl.u32 v3, $0x3  }
0x1d8: {  	v4 =	vmul.u32 $0x18, v59  }
0x1d9: {  	v3 =	vand.u32 $0x7, v3  }
0x1da: {  	v3 =	vor.u32 v3, v4  }
0x1db: {  	v4 =	vperm.xlane v3, v0;
	_ =	sdelay $0x1  }
0x1dc: {  	v4 =	vadd.s32 v1, v4;
	_ =	sdelay $0x1  }
0x1dd: {  	v3 =	vperm.xlane v3, v2;
	_ =	sdelay $0x1  }
0x1de: {  	v3 =	vadd.s32 v1, v3  }
0x1df: {  	[hbm4b:s3+s2] =	stream.indirect_vreg.scatter [tilespmem:s16], [sflag:$0x2], $0x80, v4, vm0, $0xb8;
	[tilespmem:$0x18200] =	vst v63  }
0x1e0: {  	_ = 	snop  }
0x1e1: {  	[hbm4b:s4+s2] =	stream.indirect_vreg.scatter [tilespmem:s17], [sflag:$0x2], $0x80, v4, vm1, $0xb8;
	[tilespmem:$0x18200] =	vst v63  }
0x1e2: {  	_ = 	snop  }
0x1e3: {  	[hbm4b:s3+s2] =	stream.indirect_vreg.scatter [tilespmem:s18], [sflag:$0x2], $0x80, v3, vm0, $0xb8;
	[tilespmem:$0x18200] =	vst v63  }
0x1e4: {  	_ = 	snop  }
0x1e5: {  	[hbm4b:s4+s2] =	stream.indirect_vreg.scatter [tilespmem:s19], [sflag:$0x2], $0x80, v3, vm1, $0xb8;
	[tilespmem:$0x18200] =	vst v63  }
0x1e6: {  	v3 =	vld [tilespmem:$0x181C0];
	_ =	sdelay $0x4  }
0x1e7: {  	v60 =	vshrl.u32 v3, $0x3  }
0x1e8: {  	v4 =	vmul.u32 $0x18, v60  }
0x1e9: {  	v3 =	vand.u32 $0x7, v3  }
0x1ea: {  	v3 =	vor.u32 v3, v4  }
0x1eb: {  	v4 =	vperm.xlane v3, v0;
	_ =	sdelay $0x1  }
0x1ec: {  	v4 =	vadd.s32 v1, v4;
	_ =	sdelay $0x1  }
0x1ed: {  	v3 =	vperm.xlane v3, v2;
	_ =	sdelay $0x1  }
0x1ee: {  	v3 =	vadd.s32 v1, v3  }
0x1ef: {  	[hbm4b:s3+s2] =	stream.indirect_vreg.scatter [tilespmem:s20], [sflag:$0x2], $0x80, v4, vm0, $0xb8;
	[tilespmem:$0x18200] =	vst v63  }
0x1f0: {  	_ = 	snop  }
0x1f1: {  	[hbm4b:s4+s2] =	stream.indirect_vreg.scatter [tilespmem:s22], [sflag:$0x2], $0x80, v4, vm1, $0xb8;
	[tilespmem:$0x18200] =	vst v63  }
0x1f2: {  	_ = 	snop  }
0x1f3: {  	[hbm4b:s3+s2] =	stream.indirect_vreg.scatter [tilespmem:s23], [sflag:$0x2], $0x80, v3, vm0, $0xb8;
	[tilespmem:$0x18200] =	vst v63  }
0x1f4: {  	_ = 	snop  }
0x1f5: {  	[hbm4b:s4+s2] =	stream.indirect_vreg.scatter [tilespmem:s24], [sflag:$0x2], $0x80, v3, vm1, $0xb8;
	[tilespmem:$0x18200] =	vst v63  }
0x1f6: {  	v3 =	vld [tilespmem:$0x181D0];
	_ =	sdelay $0x4  }
0x1f7: {  	v61 =	vshrl.u32 v3, $0x3  }
0x1f8: {  	v4 =	vmul.u32 $0x18, v61  }
0x1f9: {  	v3 =	vand.u32 $0x7, v3  }
0x1fa: {  	v3 =	vor.u32 v3, v4  }
0x1fb: {  	v4 =	vperm.xlane v3, v0;
	_ =	sdelay $0x1  }
0x1fc: {  	v4 =	vadd.s32 v1, v4;
	_ =	sdelay $0x1  }
0x1fd: {  	v3 =	vperm.xlane v3, v2;
	_ =	sdelay $0x1  }
0x1fe: {  	v3 =	vadd.s32 v1, v3  }
0x1ff: {  	[hbm4b:s3+s2] =	stream.indirect_vreg.scatter [tilespmem:s25], [sflag:$0x2], $0x80, v4, vm0, $0xb8;
	[tilespmem:$0x18200] =	vst v63  }
0x200: {  	_ = 	snop  }
0x201: {  	[hbm4b:s4+s2] =	stream.indirect_vreg.scatter [tilespmem:s26], [sflag:$0x2], $0x80, v4, vm1, $0xb8;
	[tilespmem:$0x18200] =	vst v63  }
0x202: {  	_ = 	snop  }
0x203: {  	[hbm4b:s3+s2] =	stream.indirect_vreg.scatter [tilespmem:s28], [sflag:$0x2], $0x80, v3, vm0, $0xb8;
	[tilespmem:$0x18200] =	vst v63  }
0x204: {  	_ = 	snop  }
0x205: {  	[hbm4b:s4+s2] =	stream.indirect_vreg.scatter [tilespmem:s29], [sflag:$0x2], $0x80, v3, vm1, $0xb8;
	[tilespmem:$0x18200] =	vst v63  }
0x206: {  	v3 =	vld [tilespmem:$0x181E0];
	_ =	sdelay $0x4  }
0x207: {  	v62 =	vshrl.u32 v3, $0x3  }
0x208: {  	v4 =	vmul.u32 $0x18, v62  }
0x209: {  	v3 =	vand.u32 $0x7, v3  }
0x20a: {  	v3 =	vor.u32 v3, v4  }
0x20b: {  	v4 =	vperm.xlane v3, v0;
	_ =	sdelay $0x1  }
0x20c: {  	v4 =	vadd.s32 v1, v4;
	_ =	sdelay $0x1  }
0x20d: {  	v3 =	vperm.xlane v3, v2;
	_ =	sdelay $0x1  }
0x20e: {  	v3 =	vadd.s32 v1, v3  }
0x20f: {  	[hbm4b:s3+s2] =	stream.indirect_vreg.scatter [tilespmem:s30], [sflag:$0x2], $0x80, v4, vm0, $0xb8;
	[tilespmem:$0x18200] =	vst v63  }
0x210: {  	_ = 	snop  }
0x211: {  	[hbm4b:s4+s2] =	stream.indirect_vreg.scatter [tilespmem:s31], [sflag:$0x2], $0x80, v4, vm1, $0xb8;
	[tilespmem:$0x18200] =	vst v63  }
0x212: {  	s25 =	simm.s32 $0x15C00  }
0x213: {  	[hbm4b:s3+s2] =	stream.indirect_vreg.scatter [tilespmem:s25], [sflag:$0x2], $0x80, v3, vm0, $0xb8;
	[tilespmem:$0x18200] =	vst v63  }
0x214: {  	s26 =	simm.s32 $0x16400  }
0x215: {  	[hbm4b:s4+s2] =	stream.indirect_vreg.scatter [tilespmem:s26], [sflag:$0x2], $0x80, v3, vm1, $0xb8;
	[tilespmem:$0x18200] =	vst v63  }
0x216: {  	v3 =	vld [tilespmem:$0x181F0];
	_ =	sdelay $0x4  }
0x217: {  	v63 =	vshrl.u32 v3, $0x3  }
0x218: {  	v4 =	vmul.u32 $0x18, v63  }
0x219: {  	v3 =	vand.u32 $0x7, v3  }
0x21a: {  	v3 =	vor.u32 v3, v4  }
0x21b: {  	v4 =	vperm.xlane v3, v0;
	_ =	sdelay $0x1  }
0x21c: {  	v4 =	vadd.s32 v1, v4;
	_ =	sdelay $0x1  }
0x21d: {  	v3 =	vperm.xlane v3, v2;
	_ =	sdelay $0x1  }
0x21e: {  	s28 =	simm.s32 $0x16800;
	v3 =	vadd.s32 v1, v3  }
0x21f: {  	[hbm4b:s3+s2] =	stream.indirect_vreg.scatter [tilespmem:s28], [sflag:$0x2], $0x80, v4, vm0, $0xb8;
	[tilespmem:$0x18200] =	vst v63  }
0x220: {  	s29 =	simm.s32 $0x17000  }
0x221: {  	[hbm4b:s4+s2] =	stream.indirect_vreg.scatter [tilespmem:s29], [sflag:$0x2], $0x80, v4, vm1, $0xb8;
	[tilespmem:$0x18200] =	vst v63  }
0x222: {  	s30 =	simm.s32 $0x17400  }
0x223: {  	[hbm4b:s3+s2] =	stream.indirect_vreg.scatter [tilespmem:s30], [sflag:$0x2], $0x80, v3, vm0, $0xb8;
	[tilespmem:$0x18200] =	vst v63  }
0x224: {  	s31 =	simm.s32 $0x17C00  }
0x225: {  	[hbm4b:s4+s2] =	stream.indirect_vreg.scatter [tilespmem:s31], [sflag:$0x2], $0x80, v3, vm1, $0xb8;
	[tilespmem:$0x18200] =	vst v63  }
0x226: {  	_ =	swait.ge [sflag:s21], $0xC000  }
0x227: {  	[sflag:s21] =	ssyncset.done $0x0  }
0x228: {  	[sflag:s21] =	ssyncadd.s32 $0xFFFF4000  }
0x229: {  	_ =	swait.ge [sflag:s21], $0xC000  }
0x22a: {  	[sflag:s21] =	ssyncset.done $0x0  }
0x22b: {  	[sflag:s21] =	ssyncadd.s32 $0xFFFF4000  }
0x22c: {  	p0 =	sne.s32 s5, $0x1;
	_ =	swait.ge [sflag:s21], $0xC000  }
.Ltmp0:
0x22d: {  	[sflag:s21] =	ssyncset.done $0x0;
	(pc) =	sbr.rel @p0 .LBB2_1-.Ltmp0, $4  }
0x22e: {  	[sflag:s21] =	ssyncadd.s32 $0xFFFF4000  }
0x22f: {  	_ =	swait.ge [sflag:s21], $0xC000  }
0x230: {  	[sflag:s21] =	ssyncset.done $0x0  }
0x231: {  	s5 =	sadd.s32 $0xFFFFFFFF, s5;
	[sflag:s21] =	ssyncadd.s32 $0xFFFF4000  }
0x232: {  	_ =	sfence.sel $0x180000  }
0x233: {  	[bflag:$0x0] =	sbarrier.arrive $0xFFFF  }
0x234: {  	_ =	strace $0x90000047  }
0x235: {  	s0 =	stileid.u32;
	[bflag:$0x2] =	sbarrier.arrive $0xFFFF  }
0x236: {  	p0 =	sne.s32 s0, $0x0;
	s0 =	rddreg [dreg:$0x1]  }
0x237: {  	s0 =	sadd.s32 @!p0 $0x100000, s0  }
0x238: {  	[sflag:s0] =	ssyncadd.tile.s32 @!p0 $0x1;
	_ =	shalt  }
.Lfunc_end2:
_tile_overlayer_lowered:
.L_overlay_start_2:
0x239: {  	(tag) =	ssettag $0x2  }
0x23a: {  	s0 =	rddreg [dreg:$0x0];
	s2 =	stileid.u32  }
0x23b: {  	s1 =	rddreg [dreg:$0x1];
	p0 =	sne.s32 s2, $0x0  }
0x23c: {  	s3 =	rddreg [dreg:$0x2];
	[bflag:$0x3] =	sbarrier.arrive $0xFFFF;
	s2 =	simm.s32 @!p0 $0x1C03  }
0x23d: {  	[timem:s3], [sflag:s2] =	dma.local @!p0 [hbm:s0], s1  }
0x23e: {  	s0 =	simm.s32 @!p0 $0x3  }
0x23f: {  	_ =	swait.ge @!p0 [sflag:s0], s1  }
0x240: {  	s1 =	ssub.s32 @!p0 $0x0, s1;
	[sflag:s0] =	ssyncset.done @!p0 $0x0  }
0x241: {  	[sflag:s0] =	ssyncadd.s32 @!p0 s1  }
0x242: {  	[bflag:$0x3] =	sbarrier.arrive $0xFFFF  }
0x243: {  	_ =	shalt  }

</sc_bundles>
